<compile_context>
chip_gen: v7x
topology: tpu7x:2x2x1
jax: 0.10.2.dev20260603
libtpu: 0.0.44.dev20260713+nightly
codegen_flags: <defaults>
</compile_context>

<pallas_src>
import functools

import jax
import jax.numpy as jnp
from jax import lax
from jax.experimental import pallas as pl
from jax.experimental.pallas import tpu as pltpu
from jax.experimental.pallas import tpu_sc as plsc

B, C, H, W = 8, 85, 128, 128

_GATHER_DNUMS = lax.GatherDimensionNumbers(
    offset_dims=(), collapsed_slice_dims=(0,), start_index_map=(0,))


def _rot16(x, perm):
    return lax.gather(x, perm[:, None], _GATHER_DNUMS, slice_sizes=(1,),
                      mode=lax.GatherScatterMode.PROMISE_IN_BOUNDS)
NCLS = C - 5
NBOX = 50
NPAD = 64
NV = NPAD // 16
HW = H * W
CHW = C * HW


_LOG2E = 1.4426950408889634
_LN2 = 0.6931471805599453
_OBJ_W = 1.0 / (8 * 128 * 128)
_CLS_W = 1.0 / (8 * 80 * 128 * 128)


def _dense_body(x_ref, out_ref):
    x = x_ref[0]
    xb = jnp.clip(x[:4], -10.0, 10.0)
    s_box = jnp.sum(xb * xb)
    xoc = jnp.clip(x[4:], -10.0, 10.0)
    sp = jnp.log(1.0 + jnp.exp2(xoc * _LOG2E))
    s_spw = _CLS_W * jnp.sum(sp) + (_OBJ_W - _CLS_W) * jnp.sum(sp[0])
    lane = lax.broadcasted_iota(jnp.int32, (1, 128), 1)
    vals = jnp.where(lane == 0, s_box,
                     jnp.where(lane == 1, s_spw, 0.0))
    out_ref[0] = vals


def _dense_sums(pred):
    return pl.pallas_call(
        _dense_body,
        grid=(B,),
        in_specs=[pl.BlockSpec((1, C, H, W), lambda i: (i, 0, 0, 0))],
        out_specs=pl.BlockSpec((1, 1, 128), lambda i: (i, 0, 0)),
        out_shape=jax.ShapeDtypeStruct((B, 1, 128), jnp.float32),
    )(pred)


def _sc_body(pred_hbm, bx_hbm, by_hbm, bw_hbm, bh_hbm, lab_hbm, out_hbm,
             bx_v, by_v, bw_v, bh_v, lab_v, cell_v, key2_v, tx_v, ty_v,
             w_v, w2_v, idx_v, val_v, out_v, sem):
    cid = lax.axis_index("c")
    sid = lax.axis_index("s")
    wid = sid * 2 + cid

    @pl.when(wid < B)
    def _():
        b = wid
        pltpu.sync_copy(bx_hbm.at[b], bx_v)
        pltpu.sync_copy(by_hbm.at[b], by_v)
        pltpu.sync_copy(bw_hbm.at[b], bw_v)
        pltpu.sync_copy(bh_hbm.at[b], bh_v)
        pltpu.sync_copy(lab_hbm.at[b], lab_v)

        lane16 = lax.iota(jnp.int32, 16)

        for v in range(NV):
            sl = pl.ds(v * 16, 16)
            gx = bx_v[sl] * float(W)
            gy = by_v[sl] * float(H)
            gi = jnp.minimum(gx.astype(jnp.int32), W - 1)
            gj = jnp.minimum(gy.astype(jnp.int32), H - 1)
            tx_v[sl] = gx - gi.astype(jnp.float32)
            ty_v[sl] = gy - gj.astype(jnp.float32)
            lane = lane16 + v * 16
            real = lane < NBOX
            cell = jnp.where(real, gj * W + gi, HW + 8 + lane)
            cell_v[sl] = cell
            key2_v[sl] = jnp.where(real, lab_v[sl] * HW + cell,
                                   NCLS * HW + 8 + lane)

        for a in range(NV):
            sla = pl.ds(a * 16, 16)
            ka = cell_v[sla]
            k2a = key2_v[sla]
            cnt = jnp.zeros((16,), jnp.float32)
            cnt2 = jnp.zeros((16,), jnp.float32)
            for bb in range(NV):
                kb = cell_v[pl.ds(bb * 16, 16)]
                k2b = key2_v[pl.ds(bb * 16, 16)]

                def rot_body(r, carry, kb=kb, k2b=k2b, ka=ka, k2a=k2a):
                    c1, c2 = carry
                    perm = jnp.bitwise_and(lane16 + r, 15)
                    kbr = _rot16(kb, perm)
                    k2br = _rot16(k2b, perm)
                    c1 = c1 + jnp.where(ka == kbr, 1.0, 0.0)
                    c2 = c2 + jnp.where(k2a == k2br, 1.0, 0.0)
                    return c1, c2

                cnt, cnt2 = lax.fori_loop(0, 16, rot_body, (cnt, cnt2))
            real = (lane16 + a * 16) < NBOX
            w_v[sla] = jnp.where(real, 1.0 / cnt, 0.0)
            w2_v[sla] = jnp.where(real, 1.0 / cnt2, 0.0)

        base = b * CHW
        zero16 = jnp.zeros((16,), jnp.float32)
        d_obj = zero16
        d_cls = zero16
        d_box = zero16

        t_refs = (tx_v, ty_v, bw_v, bh_v)

        for ch in range(4):
            for v in range(NV):
                sl = pl.ds(v * 16, 16)
                cg = jnp.minimum(cell_v[sl], HW - 1)
                idx_v[sl] = base + ch * HW + cg
            pltpu.async_copy(pred_hbm.at[idx_v], val_v, sem).wait()
            for v in range(NV):
                sl = pl.ds(v * 16, 16)
                x = jnp.clip(val_v[sl], -10.0, 10.0)
                t = t_refs[ch][sl]
                d_box = d_box + w_v[sl] * (t * t - 2.0 * x * t)

        for v in range(NV):
            sl = pl.ds(v * 16, 16)
            cg = jnp.minimum(cell_v[sl], HW - 1)
            idx_v[sl] = base + 4 * HW + cg
        pltpu.async_copy(pred_hbm.at[idx_v], val_v, sem).wait()
        for v in range(NV):
            sl = pl.ds(v * 16, 16)
            x = jnp.clip(val_v[sl], -10.0, 10.0)
            d_obj = d_obj - w_v[sl] * x

        for v in range(NV):
            sl = pl.ds(v * 16, 16)
            cg = jnp.minimum(cell_v[sl], HW - 1)
            idx_v[sl] = base + (5 + lab_v[sl]) * HW + cg
        pltpu.async_copy(pred_hbm.at[idx_v], val_v, sem).wait()
        for v in range(NV):
            sl = pl.ds(v * 16, 16)
            x = jnp.clip(val_v[sl], -10.0, 10.0)
            d_cls = d_cls - w2_v[sl] * x

        for shift in (8, 4, 2, 1):
            perm = jnp.bitwise_and(lane16 + shift, 15)
            d_obj = d_obj + _rot16(d_obj, perm)
            d_cls = d_cls + _rot16(d_cls, perm)
            d_box = d_box + _rot16(d_box, perm)

        out_v[...] = jnp.where(lane16 == 0, d_obj,
                               jnp.where(lane16 == 1, d_cls,
                                         jnp.where(lane16 == 2, d_box, 0.0)))
        pltpu.sync_copy(out_v, out_hbm.at[b])


@functools.partial(
    pl.kernel,
    out_type=jax.ShapeDtypeStruct((B, 16), jnp.float32),
    mesh=plsc.VectorSubcoreMesh(core_axis_name="c", subcore_axis_name="s",
                                num_cores=2, num_subcores=16),
    scratch_types=[
        pltpu.VMEM((NPAD,), jnp.float32),
        pltpu.VMEM((NPAD,), jnp.float32),
        pltpu.VMEM((NPAD,), jnp.float32),
        pltpu.VMEM((NPAD,), jnp.float32),
        pltpu.VMEM((NPAD,), jnp.int32),
        pltpu.VMEM((NPAD,), jnp.int32),
        pltpu.VMEM((NPAD,), jnp.int32),
        pltpu.VMEM((NPAD,), jnp.float32),
        pltpu.VMEM((NPAD,), jnp.float32),
        pltpu.VMEM((NPAD,), jnp.float32),
        pltpu.VMEM((NPAD,), jnp.float32),
        pltpu.VMEM((NPAD,), jnp.int32),
        pltpu.VMEM((NPAD,), jnp.float32),
        pltpu.VMEM((16,), jnp.float32),
        pltpu.SemaphoreType.DMA,
    ],
)
def _sc_corrections(pred_flat, bx, by, bw, bh, lab, out, *rest):
    _sc_body(pred_flat, bx, by, bw, bh, lab, out, *rest)


def kernel(pred, boxes, labels):
    pad = ((0, 0), (0, NPAD - NBOX))
    bx = jnp.pad(boxes[..., 0], pad)
    by = jnp.pad(boxes[..., 1], pad)
    bw = jnp.pad(boxes[..., 2], pad)
    bh = jnp.pad(boxes[..., 3], pad)
    lab = jnp.pad(labels.astype(jnp.int32), pad)

    tc = _dense_sums(pred)
    sc = _sc_corrections(pred.reshape(-1), bx, by, bw, bh, lab)

    s_box = jnp.sum(tc[:, 0, 0])
    s_spw = jnp.sum(tc[:, 0, 1])
    d_obj = jnp.sum(sc[:, 0])
    d_cls = jnp.sum(sc[:, 1])
    d_box = jnp.sum(sc[:, 2])

    total = (5.0 * (s_box + d_box) / (B * 4 * HW)
             + s_spw + d_obj * _OBJ_W + d_cls * _CLS_W)
    return jnp.clip(total, 0.0, 1000000.0)

# --- scband reference (transcript-rebuilt; emitter-appended) ---
"""Pipeline reference for scband-yolodetection-loss-31086973288808 (READ-ONLY COPY).

The authoritative reference and input builder live on the scoring server;
editing this copy changes nothing except your own understanding.
"""

import jax, jax.numpy as jnp
import numpy as np


def setup_inputs(seed: int = 0) -> dict:
    key = jax.random.key(seed)
    k1, k2, k3 = jax.random.split(key, 3)
    pred = jax.random.normal(k1, (8, 85, 128, 128), dtype=jnp.float32)
    boxes = jax.random.uniform(k2, (8, 50, 4), dtype=jnp.float32)
    labels = jax.random.randint(k3, (8, 50), 0, 80)
    return {"pred": pred, "boxes": boxes, "labels": labels}


def _bce_with_logits_mean(x, z):
    # numerically stable BCEWithLogits, mean reduction
    return jnp.mean(jnp.maximum(x, 0.0) - x * z + jnp.log1p(jnp.exp(-jnp.abs(x))))


def reference(pred, boxes, labels):
    lambda_box, lambda_obj, lambda_cls = 5.0, 1.0, 1.0
    b, c, h, w = pred.shape
    num_classes = c - 5
    # grid assignment (torch: gi = min(int(gx), w-1))
    gx = boxes[..., 0] * w
    gy = boxes[..., 1] * h
    gi = jnp.minimum(jnp.floor(gx), w - 1).astype(jnp.int32)
    gj = jnp.minimum(jnp.floor(gy), h - 1).astype(jnp.int32)
    bidx = jnp.broadcast_to(jnp.arange(b)[:, None], gi.shape)
    # scatter-overwrite to build dense targets
    obj_target = jnp.zeros((b, 1, h, w), dtype=jnp.float32).at[bidx, 0, gj, gi].set(1.0)
    box_target = jnp.zeros((b, 4, h, w), dtype=jnp.float32)
    box_target = box_target.at[bidx, 0, gj, gi].set(gx - gi.astype(jnp.float32))
    box_target = box_target.at[bidx, 1, gj, gi].set(gy - gj.astype(jnp.float32))
    box_target = box_target.at[bidx, 2, gj, gi].set(boxes[..., 2])
    box_target = box_target.at[bidx, 3, gj, gi].set(boxes[..., 3])
    cls_target = jnp.zeros((b, num_classes, h, w), dtype=jnp.float32).at[bidx, labels, gj, gi].set(1.0)
    pred_box = jnp.clip(pred[:, :4], -10.0, 10.0)
    pred_obj = jnp.clip(pred[:, 4:5], -10.0, 10.0)
    pred_cls = jnp.clip(pred[:, 5:], -10.0, 10.0)
    box_loss = jnp.mean((pred_box - box_target) ** 2)
    obj_loss = _bce_with_logits_mean(pred_obj, obj_target)
    cls_loss = _bce_with_logits_mean(pred_cls, cls_target)
    total_loss = lambda_box * box_loss + lambda_obj * obj_loss + lambda_cls * cls_loss
    # single feature map -> avg over len(predictions)=1
    avg_loss = total_loss / 1.0
    return jnp.clip(avg_loss, 0.0, 1000000.0)

if __name__ == "__main__":
    import jax
    _d = setup_inputs()
    print(jax.jit(kernel)(*tuple(_d.values())))

</pallas_src>

<mosaic_0001>
#map = affine_map<(d0, d1) -> (0)>
#map1 = affine_map<(d0, d1) -> (0, 0)>
module attributes {stable_mosaic.version = 14 : i64} {
  func.func @_sc_corrections(%arg0: i32, %arg1: i32, %arg2: memref<11141120xf32, #tpu.memory_space<hbm>>, %arg3: memref<8x64xf32, #tpu.memory_space<hbm>>, %arg4: memref<8x64xf32, #tpu.memory_space<hbm>>, %arg5: memref<8x64xf32, #tpu.memory_space<hbm>>, %arg6: memref<8x64xf32, #tpu.memory_space<hbm>>, %arg7: memref<8x64xi32, #tpu.memory_space<hbm>>, %arg8: memref<8x16xf32, #tpu.memory_space<hbm>>, %arg9: memref<64xf32, #tpu.memory_space<vmem>>, %arg10: memref<64xf32, #tpu.memory_space<vmem>>, %arg11: memref<64xf32, #tpu.memory_space<vmem>>, %arg12: memref<64xf32, #tpu.memory_space<vmem>>, %arg13: memref<64xi32, #tpu.memory_space<vmem>>, %arg14: memref<64xi32, #tpu.memory_space<vmem>>, %arg15: memref<64xi32, #tpu.memory_space<vmem>>, %arg16: memref<64xf32, #tpu.memory_space<vmem>>, %arg17: memref<64xf32, #tpu.memory_space<vmem>>, %arg18: memref<64xf32, #tpu.memory_space<vmem>>, %arg19: memref<64xf32, #tpu.memory_space<vmem>>, %arg20: memref<64xi32, #tpu.memory_space<vmem>>, %arg21: memref<64xf32, #tpu.memory_space<vmem>>, %arg22: memref<16xf32, #tpu.memory_space<vmem>>, %arg23: memref<!tpu.dma_semaphore, #tpu.memory_space<semaphore_mem>>) attributes {dimension_semantics = [#tpu.dimension_semantics<core_parallel>, #tpu.dimension_semantics<subcore_parallel>], iteration_bounds = array<i64: 2, 16>, scalar_prefetch = 0 : i64, scratch_operands = 15 : i64, tpu.core_type = #tpu.core_type<sc_vector_subcore>, window_params = [{transform_indices = #map}, {transform_indices = #map1}, {transform_indices = #map1}, {transform_indices = #map1}, {transform_indices = #map1}, {transform_indices = #map1}, {transform_indices = #map1}]} {
    %mul3A = arith.constant 2 : i32
    %mul3A_0 = arith.muli %arg1, %mul3A : i32
    %add3A = arith.addi %mul3A_0, %arg0 : i32
    %lt3A = arith.constant 8 : i32
    %lt3A_1 = arith.cmpi slt, %add3A, %lt3A : i32
    %convert_element_type3A = arith.extui %lt3A_1 : i1 to i32
    %cond3A = arith.constant 0 : i32
    %cond3A_2 = arith.cmpi ne, %convert_element_type3A, %cond3A : i32
    scf.if %cond3A_2 {
      "tpu.region"() ({
        %run_scoped3A = tpu.sem_alloc : memref<!tpu.dma_semaphore, #tpu.memory_space<semaphore_mem>>
        %dma_start3A_1550 = arith.constant 0 : i32
        %dma_start3A_1551 = tpu.memref_slice %arg3[%add3A, %dma_start3A_1550] : memref<8x64xf32, #tpu.memory_space<hbm>> -> memref<1x64xf32, #tpu.memory_space<hbm>>
        %dma_start3A_1552 = tpu.memref_squeeze %dma_start3A_1551 : memref<1x64xf32, #tpu.memory_space<hbm>> -> memref<64xf32, #tpu.memory_space<hbm>>
        %dma_start3A_1553 = arith.constant 0 : i32
        %dma_start3A_1554 = tpu.memref_slice %arg3[%add3A, %dma_start3A_1553] : memref<8x64xf32, #tpu.memory_space<hbm>> -> memref<1x64xf32, #tpu.memory_space<hbm>>
        %dma_start3A_1555 = tpu.memref_squeeze %dma_start3A_1554 : memref<1x64xf32, #tpu.memory_space<hbm>> -> memref<64xf32, #tpu.memory_space<hbm>>
        tpu.enqueue_dma source(%dma_start3A_1555 : memref<64xf32, #tpu.memory_space<hbm>>) target(%arg9 : memref<64xf32, #tpu.memory_space<vmem>>) target_semaphore(%run_scoped3A : memref<!tpu.dma_semaphore, #tpu.memory_space<semaphore_mem>>)
        %dma_wait3A_1556 = arith.constant 0 : i32
        %dma_wait3A_1557 = tpu.memref_slice %arg3[%add3A, %dma_wait3A_1556] : memref<8x64xf32, #tpu.memory_space<hbm>> -> memref<1x64xf32, #tpu.memory_space<hbm>>
        %dma_wait3A_1558 = tpu.memref_squeeze %dma_wait3A_1557 : memref<1x64xf32, #tpu.memory_space<hbm>> -> memref<64xf32, #tpu.memory_space<hbm>>
        %dma_wait3A_1559 = arith.constant 0 : i32
        %dma_wait3A_1560 = tpu.memref_slice %arg3[%add3A, %dma_wait3A_1559] : memref<8x64xf32, #tpu.memory_space<hbm>> -> memref<1x64xf32, #tpu.memory_space<hbm>>
        %dma_wait3A_1561 = tpu.memref_squeeze %dma_wait3A_1560 : memref<1x64xf32, #tpu.memory_space<hbm>> -> memref<64xf32, #tpu.memory_space<hbm>>
        tpu.wait_dma2 semaphore(%run_scoped3A : memref<!tpu.dma_semaphore, #tpu.memory_space<semaphore_mem>>) src(%dma_wait3A_1561 : memref<64xf32, #tpu.memory_space<hbm>>) dst(%arg9 : memref<64xf32, #tpu.memory_space<vmem>>)
        tpu.yield
      }) : () -> ()
      "tpu.region"() ({
        %run_scoped3A = tpu.sem_alloc : memref<!tpu.dma_semaphore, #tpu.memory_space<semaphore_mem>>
        %dma_start3A_1550 = arith.constant 0 : i32
        %dma_start3A_1551 = tpu.memref_slice %arg4[%add3A, %dma_start3A_1550] : memref<8x64xf32, #tpu.memory_space<hbm>> -> memref<1x64xf32, #tpu.memory_space<hbm>>
        %dma_start3A_1552 = tpu.memref_squeeze %dma_start3A_1551 : memref<1x64xf32, #tpu.memory_space<hbm>> -> memref<64xf32, #tpu.memory_space<hbm>>
        %dma_start3A_1553 = arith.constant 0 : i32
        %dma_start3A_1554 = tpu.memref_slice %arg4[%add3A, %dma_start3A_1553] : memref<8x64xf32, #tpu.memory_space<hbm>> -> memref<1x64xf32, #tpu.memory_space<hbm>>
        %dma_start3A_1555 = tpu.memref_squeeze %dma_start3A_1554 : memref<1x64xf32, #tpu.memory_space<hbm>> -> memref<64xf32, #tpu.memory_space<hbm>>
        tpu.enqueue_dma source(%dma_start3A_1555 : memref<64xf32, #tpu.memory_space<hbm>>) target(%arg10 : memref<64xf32, #tpu.memory_space<vmem>>) target_semaphore(%run_scoped3A : memref<!tpu.dma_semaphore, #tpu.memory_space<semaphore_mem>>)
        %dma_wait3A_1556 = arith.constant 0 : i32
        %dma_wait3A_1557 = tpu.memref_slice %arg4[%add3A, %dma_wait3A_1556] : memref<8x64xf32, #tpu.memory_space<hbm>> -> memref<1x64xf32, #tpu.memory_space<hbm>>
        %dma_wait3A_1558 = tpu.memref_squeeze %dma_wait3A_1557 : memref<1x64xf32, #tpu.memory_space<hbm>> -> memref<64xf32, #tpu.memory_space<hbm>>
        %dma_wait3A_1559 = arith.constant 0 : i32
        %dma_wait3A_1560 = tpu.memref_slice %arg4[%add3A, %dma_wait3A_1559] : memref<8x64xf32, #tpu.memory_space<hbm>> -> memref<1x64xf32, #tpu.memory_space<hbm>>
        %dma_wait3A_1561 = tpu.memref_squeeze %dma_wait3A_1560 : memref<1x64xf32, #tpu.memory_space<hbm>> -> memref<64xf32, #tpu.memory_space<hbm>>
        tpu.wait_dma2 semaphore(%run_scoped3A : memref<!tpu.dma_semaphore, #tpu.memory_space<semaphore_mem>>) src(%dma_wait3A_1561 : memref<64xf32, #tpu.memory_space<hbm>>) dst(%arg10 : memref<64xf32, #tpu.memory_space<vmem>>)
        tpu.yield
      }) : () -> ()
      "tpu.region"() ({
        %run_scoped3A = tpu.sem_alloc : memref<!tpu.dma_semaphore, #tpu.memory_space<semaphore_mem>>
        %dma_start3A_1550 = arith.constant 0 : i32
        %dma_start3A_1551 = tpu.memref_slice %arg5[%add3A, %dma_start3A_1550] : memref<8x64xf32, #tpu.memory_space<hbm>> -> memref<1x64xf32, #tpu.memory_space<hbm>>
        %dma_start3A_1552 = tpu.memref_squeeze %dma_start3A_1551 : memref<1x64xf32, #tpu.memory_space<hbm>> -> memref<64xf32, #tpu.memory_space<hbm>>
        %dma_start3A_1553 = arith.constant 0 : i32
        %dma_start3A_1554 = tpu.memref_slice %arg5[%add3A, %dma_start3A_1553] : memref<8x64xf32, #tpu.memory_space<hbm>> -> memref<1x64xf32, #tpu.memory_space<hbm>>
        %dma_start3A_1555 = tpu.memref_squeeze %dma_start3A_1554 : memref<1x64xf32, #tpu.memory_space<hbm>> -> memref<64xf32, #tpu.memory_space<hbm>>
        tpu.enqueue_dma source(%dma_start3A_1555 : memref<64xf32, #tpu.memory_space<hbm>>) target(%arg11 : memref<64xf32, #tpu.memory_space<vmem>>) target_semaphore(%run_scoped3A : memref<!tpu.dma_semaphore, #tpu.memory_space<semaphore_mem>>)
        %dma_wait3A_1556 = arith.constant 0 : i32
        %dma_wait3A_1557 = tpu.memref_slice %arg5[%add3A, %dma_wait3A_1556] : memref<8x64xf32, #tpu.memory_space<hbm>> -> memref<1x64xf32, #tpu.memory_space<hbm>>
        %dma_wait3A_1558 = tpu.memref_squeeze %dma_wait3A_1557 : memref<1x64xf32, #tpu.memory_space<hbm>> -> memref<64xf32, #tpu.memory_space<hbm>>
        %dma_wait3A_1559 = arith.constant 0 : i32
        %dma_wait3A_1560 = tpu.memref_slice %arg5[%add3A, %dma_wait3A_1559] : memref<8x64xf32, #tpu.memory_space<hbm>> -> memref<1x64xf32, #tpu.memory_space<hbm>>
        %dma_wait3A_1561 = tpu.memref_squeeze %dma_wait3A_1560 : memref<1x64xf32, #tpu.memory_space<hbm>> -> memref<64xf32, #tpu.memory_space<hbm>>
        tpu.wait_dma2 semaphore(%run_scoped3A : memref<!tpu.dma_semaphore, #tpu.memory_space<semaphore_mem>>) src(%dma_wait3A_1561 : memref<64xf32, #tpu.memory_space<hbm>>) dst(%arg11 : memref<64xf32, #tpu.memory_space<vmem>>)
        tpu.yield
      }) : () -> ()
      "tpu.region"() ({
        %run_scoped3A = tpu.sem_alloc : memref<!tpu.dma_semaphore, #tpu.memory_space<semaphore_mem>>
        %dma_start3A_1550 = arith.constant 0 : i32
        %dma_start3A_1551 = tpu.memref_slice %arg6[%add3A, %dma_start3A_1550] : memref<8x64xf32, #tpu.memory_space<hbm>> -> memref<1x64xf32, #tpu.memory_space<hbm>>
        %dma_start3A_1552 = tpu.memref_squeeze %dma_start3A_1551 : memref<1x64xf32, #tpu.memory_space<hbm>> -> memref<64xf32, #tpu.memory_space<hbm>>
        %dma_start3A_1553 = arith.constant 0 : i32
        %dma_start3A_1554 = tpu.memref_slice %arg6[%add3A, %dma_start3A_1553] : memref<8x64xf32, #tpu.memory_space<hbm>> -> memref<1x64xf32, #tpu.memory_space<hbm>>
        %dma_start3A_1555 = tpu.memref_squeeze %dma_start3A_1554 : memref<1x64xf32, #tpu.memory_space<hbm>> -> memref<64xf32, #tpu.memory_space<hbm>>
        tpu.enqueue_dma source(%dma_start3A_1555 : memref<64xf32, #tpu.memory_space<hbm>>) target(%arg12 : memref<64xf32, #tpu.memory_space<vmem>>) target_semaphore(%run_scoped3A : memref<!tpu.dma_semaphore, #tpu.memory_space<semaphore_mem>>)
        %dma_wait3A_1556 = arith.constant 0 : i32
        %dma_wait3A_1557 = tpu.memref_slice %arg6[%add3A, %dma_wait3A_1556] : memref<8x64xf32, #tpu.memory_space<hbm>> -> memref<1x64xf32, #tpu.memory_space<hbm>>
        %dma_wait3A_1558 = tpu.memref_squeeze %dma_wait3A_1557 : memref<1x64xf32, #tpu.memory_space<hbm>> -> memref<64xf32, #tpu.memory_space<hbm>>
        %dma_wait3A_1559 = arith.constant 0 : i32
        %dma_wait3A_1560 = tpu.memref_slice %arg6[%add3A, %dma_wait3A_1559] : memref<8x64xf32, #tpu.memory_space<hbm>> -> memref<1x64xf32, #tpu.memory_space<hbm>>
        %dma_wait3A_1561 = tpu.memref_squeeze %dma_wait3A_1560 : memref<1x64xf32, #tpu.memory_space<hbm>> -> memref<64xf32, #tpu.memory_space<hbm>>
        tpu.wait_dma2 semaphore(%run_scoped3A : memref<!tpu.dma_semaphore, #tpu.memory_space<semaphore_mem>>) src(%dma_wait3A_1561 : memref<64xf32, #tpu.memory_space<hbm>>) dst(%arg12 : memref<64xf32, #tpu.memory_space<vmem>>)
        tpu.yield
      }) : () -> ()
      "tpu.region"() ({
        %run_scoped3A = tpu.sem_alloc : memref<!tpu.dma_semaphore, #tpu.memory_space<semaphore_mem>>
        %dma_start3A_1550 = arith.constant 0 : i32
        %dma_start3A_1551 = tpu.memref_slice %arg7[%add3A, %dma_start3A_1550] : memref<8x64xi32, #tpu.memory_space<hbm>> -> memref<1x64xi32, #tpu.memory_space<hbm>>
        %dma_start3A_1552 = tpu.memref_squeeze %dma_start3A_1551 : memref<1x64xi32, #tpu.memory_space<hbm>> -> memref<64xi32, #tpu.memory_space<hbm>>
        %dma_start3A_1553 = arith.constant 0 : i32
        %dma_start3A_1554 = tpu.memref_slice %arg7[%add3A, %dma_start3A_1553] : memref<8x64xi32, #tpu.memory_space<hbm>> -> memref<1x64xi32, #tpu.memory_space<hbm>>
        %dma_start3A_1555 = tpu.memref_squeeze %dma_start3A_1554 : memref<1x64xi32, #tpu.memory_space<hbm>> -> memref<64xi32, #tpu.memory_space<hbm>>
        tpu.enqueue_dma source(%dma_start3A_1555 : memref<64xi32, #tpu.memory_space<hbm>>) target(%arg13 : memref<64xi32, #tpu.memory_space<vmem>>) target_semaphore(%run_scoped3A : memref<!tpu.dma_semaphore, #tpu.memory_space<semaphore_mem>>)
        %dma_wait3A_1556 = arith.constant 0 : i32
        %dma_wait3A_1557 = tpu.memref_slice %arg7[%add3A, %dma_wait3A_1556] : memref<8x64xi32, #tpu.memory_space<hbm>> -> memref<1x64xi32, #tpu.memory_space<hbm>>
        %dma_wait3A_1558 = tpu.memref_squeeze %dma_wait3A_1557 : memref<1x64xi32, #tpu.memory_space<hbm>> -> memref<64xi32, #tpu.memory_space<hbm>>
        %dma_wait3A_1559 = arith.constant 0 : i32
        %dma_wait3A_1560 = tpu.memref_slice %arg7[%add3A, %dma_wait3A_1559] : memref<8x64xi32, #tpu.memory_space<hbm>> -> memref<1x64xi32, #tpu.memory_space<hbm>>
        %dma_wait3A_1561 = tpu.memref_squeeze %dma_wait3A_1560 : memref<1x64xi32, #tpu.memory_space<hbm>> -> memref<64xi32, #tpu.memory_space<hbm>>
        tpu.wait_dma2 semaphore(%run_scoped3A : memref<!tpu.dma_semaphore, #tpu.memory_space<semaphore_mem>>) src(%dma_wait3A_1561 : memref<64xi32, #tpu.memory_space<hbm>>) dst(%arg13 : memref<64xi32, #tpu.memory_space<vmem>>)
        tpu.yield
      }) : () -> ()
      %iota3A = tpu.iota {dimensions = array<i32: 0>} : vector<16xi32>
      %get3A = arith.constant 0 : index
      %get3A_3 = tpu.vector_load %arg9[%get3A] {strides = array<i32>} : memref<64xf32, #tpu.memory_space<vmem>>, vector<16xf32>,
      %get3A_4 = vector.shape_cast %get3A_3 : vector<16xf32> to vector<16xf32>
      %mul3A_5 = arith.constant 1.280000e+02 : f32
      %mul3A_6 = vector.broadcast %mul3A_5 : f32 to vector<16xf32>
      %mul3A_7 = arith.mulf %get3A_4, %mul3A_6 : vector<16xf32>
      %get3A_8 = arith.constant 0 : index
      %get3A_9 = tpu.vector_load %arg10[%get3A_8] {strides = array<i32>} : memref<64xf32, #tpu.memory_space<vmem>>, vector<16xf32>,
      %get3A_10 = vector.shape_cast %get3A_9 : vector<16xf32> to vector<16xf32>
      %mul3A_11 = arith.constant 1.280000e+02 : f32
      %mul3A_12 = vector.broadcast %mul3A_11 : f32 to vector<16xf32>
      %mul3A_13 = arith.mulf %get3A_10, %mul3A_12 : vector<16xf32>
      %convert_element_type3A_14 = arith.fptosi %mul3A_7 : vector<16xf32> to vector<16xi32>
      %min3A = arith.constant 127 : i32
      %min3A_15 = vector.broadcast %min3A : i32 to vector<16xi32>
      %min3A_16 = arith.minsi %convert_element_type3A_14, %min3A_15 : vector<16xi32>
      %convert_element_type3A_17 = arith.fptosi %mul3A_13 : vector<16xf32> to vector<16xi32>
      %min3A_18 = arith.constant 127 : i32
      %min3A_19 = vector.broadcast %min3A_18 : i32 to vector<16xi32>
      %min3A_20 = arith.minsi %convert_element_type3A_17, %min3A_19 : vector<16xi32>
      %convert_element_type3A_21 = arith.sitofp %min3A_16 : vector<16xi32> to vector<16xf32>
      %sub3A = arith.subf %mul3A_7, %convert_element_type3A_21 : vector<16xf32>
      %swap3A = arith.constant 0 : index
      %swap3A_22 = tpu.vector_load %arg16[%swap3A] {strides = array<i32>} : memref<64xf32, #tpu.memory_space<vmem>>, vector<16xf32>,
      %swap3A_23 = vector.shape_cast %swap3A_22 : vector<16xf32> to vector<16xf32>
      %swap3A_24 = vector.shape_cast %sub3A : vector<16xf32> to vector<16xf32>
      tpu.vector_store %arg16[%swap3A], %swap3A_24 {strides = array<i32>} : memref<64xf32, #tpu.memory_space<vmem>>, vector<16xf32>,
      %convert_element_type3A_25 = arith.sitofp %min3A_20 : vector<16xi32> to vector<16xf32>
      %sub3A_26 = arith.subf %mul3A_13, %convert_element_type3A_25 : vector<16xf32>
      %swap3A_27 = arith.constant 0 : index
      %swap3A_28 = tpu.vector_load %arg17[%swap3A_27] {strides = array<i32>} : memref<64xf32, #tpu.memory_space<vmem>>, vector<16xf32>,
      %swap3A_29 = vector.shape_cast %swap3A_28 : vector<16xf32> to vector<16xf32>
      %swap3A_30 = vector.shape_cast %sub3A_26 : vector<16xf32> to vector<16xf32>
      tpu.vector_store %arg17[%swap3A_27], %swap3A_30 {strides = array<i32>} : memref<64xf32, #tpu.memory_space<vmem>>, vector<16xf32>,
      %add3A_31 = arith.constant 0 : i32
      %add3A_32 = vector.broadcast %add3A_31 : i32 to vector<16xi32>
      %add3A_33 = arith.addi %iota3A, %add3A_32 : vector<16xi32>
      %lt3A_34 = arith.constant 50 : i32
      %lt3A_35 = vector.broadcast %lt3A_34 : i32 to vector<16xi32>
      %lt3A_36 = arith.cmpi slt, %add3A_33, %lt3A_35 : vector<16xi32>
      %mul3A_37 = arith.constant 128 : i32
      %mul3A_38 = vector.broadcast %mul3A_37 : i32 to vector<16xi32>
      %mul3A_39 = arith.muli %min3A_20, %mul3A_38 : vector<16xi32>
      %add3A_40 = arith.addi %mul3A_39, %min3A_16 : vector<16xi32>
      %add3A_41 = arith.constant 16392 : i32
      %add3A_42 = vector.broadcast %add3A_41 : i32 to vector<16xi32>
      %add3A_43 = arith.addi %add3A_42, %add3A_33 : vector<16xi32>
      %select_n3A = arith.select %lt3A_36, %add3A_40, %add3A_43 : vector<16xi1>, vector<16xi32>
      %swap3A_44 = arith.constant 0 : index
      %swap3A_45 = tpu.vector_load %arg14[%swap3A_44] {strides = array<i32>} : memref<64xi32, #tpu.memory_space<vmem>>, vector<16xi32>,
      %swap3A_46 = vector.shape_cast %swap3A_45 : vector<16xi32> to vector<16xi32>
      %swap3A_47 = vector.shape_cast %select_n3A : vector<16xi32> to vector<16xi32>
      tpu.vector_store %arg14[%swap3A_44], %swap3A_47 {strides = array<i32>} : memref<64xi32, #tpu.memory_space<vmem>>, vector<16xi32>,
      %get3A_48 = arith.constant 0 : index
      %get3A_49 = tpu.vector_load %arg13[%get3A_48] {strides = array<i32>} : memref<64xi32, #tpu.memory_space<vmem>>, vector<16xi32>,
      %get3A_50 = vector.shape_cast %get3A_49 : vector<16xi32> to vector<16xi32>
      %mul3A_51 = arith.constant 16384 : i32
      %mul3A_52 = vector.broadcast %mul3A_51 : i32 to vector<16xi32>
      %mul3A_53 = arith.muli %get3A_50, %mul3A_52 : vector<16xi32>
      %add3A_54 = arith.addi %mul3A_53, %select_n3A : vector<16xi32>
      %add3A_55 = arith.constant 1310728 : i32
      %add3A_56 = vector.broadcast %add3A_55 : i32 to vector<16xi32>
      %add3A_57 = arith.addi %add3A_56, %add3A_33 : vector<16xi32>
      %select_n3A_58 = arith.select %lt3A_36, %add3A_54, %add3A_57 : vector<16xi1>, vector<16xi32>
      %swap3A_59 = arith.constant 0 : index
      %swap3A_60 = tpu.vector_load %arg15[%swap3A_59] {strides = array<i32>} : memref<64xi32, #tpu.memory_space<vmem>>, vector<16xi32>,
      %swap3A_61 = vector.shape_cast %swap3A_60 : vector<16xi32> to vector<16xi32>
      %swap3A_62 = vector.shape_cast %select_n3A_58 : vector<16xi32> to vector<16xi32>
      tpu.vector_store %arg15[%swap3A_59], %swap3A_62 {strides = array<i32>} : memref<64xi32, #tpu.memory_space<vmem>>, vector<16xi32>,
      %get3A_63 = arith.constant 16 : index
      %get3A_64 = tpu.vector_load %arg9[%get3A_63] {strides = array<i32>} : memref<64xf32, #tpu.memory_space<vmem>>, vector<16xf32>,
      %get3A_65 = vector.shape_cast %get3A_64 : vector<16xf32> to vector<16xf32>
      %mul3A_66 = arith.constant 1.280000e+02 : f32
      %mul3A_67 = vector.broadcast %mul3A_66 : f32 to vector<16xf32>
      %mul3A_68 = arith.mulf %get3A_65, %mul3A_67 : vector<16xf32>
      %get3A_69 = arith.constant 16 : index
      %get3A_70 = tpu.vector_load %arg10[%get3A_69] {strides = array<i32>} : memref<64xf32, #tpu.memory_space<vmem>>, vector<16xf32>,
      %get3A_71 = vector.shape_cast %get3A_70 : vector<16xf32> to vector<16xf32>
      %mul3A_72 = arith.constant 1.280000e+02 : f32
      %mul3A_73 = vector.broadcast %mul3A_72 : f32 to vector<16xf32>
      %mul3A_74 = arith.mulf %get3A_71, %mul3A_73 : vector<16xf32>
      %convert_element_type3A_75 = arith.fptosi %mul3A_68 : vector<16xf32> to vector<16xi32>
      %min3A_76 = arith.constant 127 : i32
      %min3A_77 = vector.broadcast %min3A_76 : i32 to vector<16xi32>
      %min3A_78 = arith.minsi %convert_element_type3A_75, %min3A_77 : vector<16xi32>
      %convert_element_type3A_79 = arith.fptosi %mul3A_74 : vector<16xf32> to vector<16xi32>
      %min3A_80 = arith.constant 127 : i32
      %min3A_81 = vector.broadcast %min3A_80 : i32 to vector<16xi32>
      %min3A_82 = arith.minsi %convert_element_type3A_79, %min3A_81 : vector<16xi32>
      %convert_element_type3A_83 = arith.sitofp %min3A_78 : vector<16xi32> to vector<16xf32>
      %sub3A_84 = arith.subf %mul3A_68, %convert_element_type3A_83 : vector<16xf32>
      %swap3A_85 = arith.constant 16 : index
      %swap3A_86 = tpu.vector_load %arg16[%swap3A_85] {strides = array<i32>} : memref<64xf32, #tpu.memory_space<vmem>>, vector<16xf32>,
      %swap3A_87 = vector.shape_cast %swap3A_86 : vector<16xf32> to vector<16xf32>
      %swap3A_88 = vector.shape_cast %sub3A_84 : vector<16xf32> to vector<16xf32>
      tpu.vector_store %arg16[%swap3A_85], %swap3A_88 {strides = array<i32>} : memref<64xf32, #tpu.memory_space<vmem>>, vector<16xf32>,
      %convert_element_type3A_89 = arith.sitofp %min3A_82 : vector<16xi32> to vector<16xf32>
      %sub3A_90 = arith.subf %mul3A_74, %convert_element_type3A_89 : vector<16xf32>
      %swap3A_91 = arith.constant 16 : index
      %swap3A_92 = tpu.vector_load %arg17[%swap3A_91] {strides = array<i32>} : memref<64xf32, #tpu.memory_space<vmem>>, vector<16xf32>,
      %swap3A_93 = vector.shape_cast %swap3A_92 : vector<16xf32> to vector<16xf32>
      %swap3A_94 = vector.shape_cast %sub3A_90 : vector<16xf32> to vector<16xf32>
      tpu.vector_store %arg17[%swap3A_91], %swap3A_94 {strides = array<i32>} : memref<64xf32, #tpu.memory_space<vmem>>, vector<16xf32>,
      %add3A_95 = arith.constant 16 : i32
      %add3A_96 = vector.broadcast %add3A_95 : i32 to vector<16xi32>
      %add3A_97 = arith.addi %iota3A, %add3A_96 : vector<16xi32>
      %lt3A_98 = arith.constant 50 : i32
      %lt3A_99 = vector.broadcast %lt3A_98 : i32 to vector<16xi32>
      %lt3A_100 = arith.cmpi slt, %add3A_97, %lt3A_99 : vector<16xi32>
      %mul3A_101 = arith.constant 128 : i32
      %mul3A_102 = vector.broadcast %mul3A_101 : i32 to vector<16xi32>
      %mul3A_103 = arith.muli %min3A_82, %mul3A_102 : vector<16xi32>
      %add3A_104 = arith.addi %mul3A_103, %min3A_78 : vector<16xi32>
      %add3A_105 = arith.constant 16392 : i32
      %add3A_106 = vector.broadcast %add3A_105 : i32 to vector<16xi32>
      %add3A_107 = arith.addi %add3A_106, %add3A_97 : vector<16xi32>
      %select_n3A_108 = arith.select %lt3A_100, %add3A_104, %add3A_107 : vector<16xi1>, vector<16xi32>
      %swap3A_109 = arith.constant 16 : index
      %swap3A_110 = tpu.vector_load %arg14[%swap3A_109] {strides = array<i32>} : memref<64xi32, #tpu.memory_space<vmem>>, vector<16xi32>,
      %swap3A_111 = vector.shape_cast %swap3A_110 : vector<16xi32> to vector<16xi32>
      %swap3A_112 = vector.shape_cast %select_n3A_108 : vector<16xi32> to vector<16xi32>
      tpu.vector_store %arg14[%swap3A_109], %swap3A_112 {strides = array<i32>} : memref<64xi32, #tpu.memory_space<vmem>>, vector<16xi32>,
      %get3A_113 = arith.constant 16 : index
      %get3A_114 = tpu.vector_load %arg13[%get3A_113] {strides = array<i32>} : memref<64xi32, #tpu.memory_space<vmem>>, vector<16xi32>,
      %get3A_115 = vector.shape_cast %get3A_114 : vector<16xi32> to vector<16xi32>
      %mul3A_116 = arith.constant 16384 : i32
      %mul3A_117 = vector.broadcast %mul3A_116 : i32 to vector<16xi32>
      %mul3A_118 = arith.muli %get3A_115, %mul3A_117 : vector<16xi32>
      %add3A_119 = arith.addi %mul3A_118, %select_n3A_108 : vector<16xi32>
      %add3A_120 = arith.constant 1310728 : i32
      %add3A_121 = vector.broadcast %add3A_120 : i32 to vector<16xi32>
      %add3A_122 = arith.addi %add3A_121, %add3A_97 : vector<16xi32>
      %select_n3A_123 = arith.select %lt3A_100, %add3A_119, %add3A_122 : vector<16xi1>, vector<16xi32>
      %swap3A_124 = arith.constant 16 : index
      %swap3A_125 = tpu.vector_load %arg15[%swap3A_124] {strides = array<i32>} : memref<64xi32, #tpu.memory_space<vmem>>, vector<16xi32>,
      %swap3A_126 = vector.shape_cast %swap3A_125 : vector<16xi32> to vector<16xi32>
      %swap3A_127 = vector.shape_cast %select_n3A_123 : vector<16xi32> to vector<16xi32>
      tpu.vector_store %arg15[%swap3A_124], %swap3A_127 {strides = array<i32>} : memref<64xi32, #tpu.memory_space<vmem>>, vector<16xi32>,
      %get3A_128 = arith.constant 32 : index
      %get3A_129 = tpu.vector_load %arg9[%get3A_128] {strides = array<i32>} : memref<64xf32, #tpu.memory_space<vmem>>, vector<16xf32>,
      %get3A_130 = vector.shape_cast %get3A_129 : vector<16xf32> to vector<16xf32>
      %mul3A_131 = arith.constant 1.280000e+02 : f32
      %mul3A_132 = vector.broadcast %mul3A_131 : f32 to vector<16xf32>
      %mul3A_133 = arith.mulf %get3A_130, %mul3A_132 : vector<16xf32>
      %get3A_134 = arith.constant 32 : index
      %get3A_135 = tpu.vector_load %arg10[%get3A_134] {strides = array<i32>} : memref<64xf32, #tpu.memory_space<vmem>>, vector<16xf32>,
      %get3A_136 = vector.shape_cast %get3A_135 : vector<16xf32> to vector<16xf32>
      %mul3A_137 = arith.constant 1.280000e+02 : f32
      %mul3A_138 = vector.broadcast %mul3A_137 : f32 to vector<16xf32>
      %mul3A_139 = arith.mulf %get3A_136, %mul3A_138 : vector<16xf32>
      %convert_element_type3A_140 = arith.fptosi %mul3A_133 : vector<16xf32> to vector<16xi32>
      %min3A_141 = arith.constant 127 : i32
      %min3A_142 = vector.broadcast %min3A_141 : i32 to vector<16xi32>
      %min3A_143 = arith.minsi %convert_element_type3A_140, %min3A_142 : vector<16xi32>
      %convert_element_type3A_144 = arith.fptosi %mul3A_139 : vector<16xf32> to vector<16xi32>
      %min3A_145 = arith.constant 127 : i32
      %min3A_146 = vector.broadcast %min3A_145 : i32 to vector<16xi32>
      %min3A_147 = arith.minsi %convert_element_type3A_144, %min3A_146 : vector<16xi32>
      %convert_element_type3A_148 = arith.sitofp %min3A_143 : vector<16xi32> to vector<16xf32>
      %sub3A_149 = arith.subf %mul3A_133, %convert_element_type3A_148 : vector<16xf32>
      %swap3A_150 = arith.constant 32 : index
      %swap3A_151 = tpu.vector_load %arg16[%swap3A_150] {strides = array<i32>} : memref<64xf32, #tpu.memory_space<vmem>>, vector<16xf32>,
      %swap3A_152 = vector.shape_cast %swap3A_151 : vector<16xf32> to vector<16xf32>
      %swap3A_153 = vector.shape_cast %sub3A_149 : vector<16xf32> to vector<16xf32>
      tpu.vector_store %arg16[%swap3A_150], %swap3A_153 {strides = array<i32>} : memref<64xf32, #tpu.memory_space<vmem>>, vector<16xf32>,
      %convert_element_type3A_154 = arith.sitofp %min3A_147 : vector<16xi32> to vector<16xf32>
      %sub3A_155 = arith.subf %mul3A_139, %convert_element_type3A_154 : vector<16xf32>
      %swap3A_156 = arith.constant 32 : index
      %swap3A_157 = tpu.vector_load %arg17[%swap3A_156] {strides = array<i32>} : memref<64xf32, #tpu.memory_space<vmem>>, vector<16xf32>,
      %swap3A_158 = vector.shape_cast %swap3A_157 : vector<16xf32> to vector<16xf32>
      %swap3A_159 = vector.shape_cast %sub3A_155 : vector<16xf32> to vector<16xf32>
      tpu.vector_store %arg17[%swap3A_156], %swap3A_159 {strides = array<i32>} : memref<64xf32, #tpu.memory_space<vmem>>, vector<16xf32>,
      %add3A_160 = arith.constant 32 : i32
      %add3A_161 = vector.broadcast %add3A_160 : i32 to vector<16xi32>
      %add3A_162 = arith.addi %iota3A, %add3A_161 : vector<16xi32>
      %lt3A_163 = arith.constant 50 : i32
      %lt3A_164 = vector.broadcast %lt3A_163 : i32 to vector<16xi32>
      %lt3A_165 = arith.cmpi slt, %add3A_162, %lt3A_164 : vector<16xi32>
      %mul3A_166 = arith.constant 128 : i32
      %mul3A_167 = vector.broadcast %mul3A_166 : i32 to vector<16xi32>
      %mul3A_168 = arith.muli %min3A_147, %mul3A_167 : vector<16xi32>
      %add3A_169 = arith.addi %mul3A_168, %min3A_143 : vector<16xi32>
      %add3A_170 = arith.constant 16392 : i32
      %add3A_171 = vector.broadcast %add3A_170 : i32 to vector<16xi32>
      %add3A_172 = arith.addi %add3A_171, %add3A_162 : vector<16xi32>
      %select_n3A_173 = arith.select %lt3A_165, %add3A_169, %add3A_172 : vector<16xi1>, vector<16xi32>
      %swap3A_174 = arith.constant 32 : index
      %swap3A_175 = tpu.vector_load %arg14[%swap3A_174] {strides = array<i32>} : memref<64xi32, #tpu.memory_space<vmem>>, vector<16xi32>,
      %swap3A_176 = vector.shape_cast %swap3A_175 : vector<16xi32> to vector<16xi32>
      %swap3A_177 = vector.shape_cast %select_n3A_173 : vector<16xi32> to vector<16xi32>
      tpu.vector_store %arg14[%swap3A_174], %swap3A_177 {strides = array<i32>} : memref<64xi32, #tpu.memory_space<vmem>>, vector<16xi32>,
      %get3A_178 = arith.constant 32 : index
      %get3A_179 = tpu.vector_load %arg13[%get3A_178] {strides = array<i32>} : memref<64xi32, #tpu.memory_space<vmem>>, vector<16xi32>,
      %get3A_180 = vector.shape_cast %get3A_179 : vector<16xi32> to vector<16xi32>
      %mul3A_181 = arith.constant 16384 : i32
      %mul3A_182 = vector.broadcast %mul3A_181 : i32 to vector<16xi32>
      %mul3A_183 = arith.muli %get3A_180, %mul3A_182 : vector<16xi32>
      %add3A_184 = arith.addi %mul3A_183, %select_n3A_173 : vector<16xi32>
      %add3A_185 = arith.constant 1310728 : i32
      %add3A_186 = vector.broadcast %add3A_185 : i32 to vector<16xi32>
      %add3A_187 = arith.addi %add3A_186, %add3A_162 : vector<16xi32>
      %select_n3A_188 = arith.select %lt3A_165, %add3A_184, %add3A_187 : vector<16xi1>, vector<16xi32>
      %swap3A_189 = arith.constant 32 : index
      %swap3A_190 = tpu.vector_load %arg15[%swap3A_189] {strides = array<i32>} : memref<64xi32, #tpu.memory_space<vmem>>, vector<16xi32>,
      %swap3A_191 = vector.shape_cast %swap3A_190 : vector<16xi32> to vector<16xi32>
      %swap3A_192 = vector.shape_cast %select_n3A_188 : vector<16xi32> to vector<16xi32>
      tpu.vector_store %arg15[%swap3A_189], %swap3A_192 {strides = array<i32>} : memref<64xi32, #tpu.memory_space<vmem>>, vector<16xi32>,
      %get3A_193 = arith.constant 48 : index
      %get3A_194 = tpu.vector_load %arg9[%get3A_193] {strides = array<i32>} : memref<64xf32, #tpu.memory_space<vmem>>, vector<16xf32>,
      %get3A_195 = vector.shape_cast %get3A_194 : vector<16xf32> to vector<16xf32>
      %mul3A_196 = arith.constant 1.280000e+02 : f32
      %mul3A_197 = vector.broadcast %mul3A_196 : f32 to vector<16xf32>
      %mul3A_198 = arith.mulf %get3A_195, %mul3A_197 : vector<16xf32>
      %get3A_199 = arith.constant 48 : index
      %get3A_200 = tpu.vector_load %arg10[%get3A_199] {strides = array<i32>} : memref<64xf32, #tpu.memory_space<vmem>>, vector<16xf32>,
      %get3A_201 = vector.shape_cast %get3A_200 : vector<16xf32> to vector<16xf32>
      %mul3A_202 = arith.constant 1.280000e+02 : f32
      %mul3A_203 = vector.broadcast %mul3A_202 : f32 to vector<16xf32>
      %mul3A_204 = arith.mulf %get3A_201, %mul3A_203 : vector<16xf32>
      %convert_element_type3A_205 = arith.fptosi %mul3A_198 : vector<16xf32> to vector<16xi32>
      %min3A_206 = arith.constant 127 : i32
      %min3A_207 = vector.broadcast %min3A_206 : i32 to vector<16xi32>
      %min3A_208 = arith.minsi %convert_element_type3A_205, %min3A_207 : vector<16xi32>
      %convert_element_type3A_209 = arith.fptosi %mul3A_204 : vector<16xf32> to vector<16xi32>
      %min3A_210 = arith.constant 127 : i32
      %min3A_211 = vector.broadcast %min3A_210 : i32 to vector<16xi32>
      %min3A_212 = arith.minsi %convert_element_type3A_209, %min3A_211 : vector<16xi32>
      %convert_element_type3A_213 = arith.sitofp %min3A_208 : vector<16xi32> to vector<16xf32>
      %sub3A_214 = arith.subf %mul3A_198, %convert_element_type3A_213 : vector<16xf32>
      %swap3A_215 = arith.constant 48 : index
      %swap3A_216 = tpu.vector_load %arg16[%swap3A_215] {strides = array<i32>} : memref<64xf32, #tpu.memory_space<vmem>>, vector<16xf32>,
      %swap3A_217 = vector.shape_cast %swap3A_216 : vector<16xf32> to vector<16xf32>
      %swap3A_218 = vector.shape_cast %sub3A_214 : vector<16xf32> to vector<16xf32>
      tpu.vector_store %arg16[%swap3A_215], %swap3A_218 {strides = array<i32>} : memref<64xf32, #tpu.memory_space<vmem>>, vector<16xf32>,
      %convert_element_type3A_219 = arith.sitofp %min3A_212 : vector<16xi32> to vector<16xf32>
      %sub3A_220 = arith.subf %mul3A_204, %convert_element_type3A_219 : vector<16xf32>
      %swap3A_221 = arith.constant 48 : index
      %swap3A_222 = tpu.vector_load %arg17[%swap3A_221] {strides = array<i32>} : memref<64xf32, #tpu.memory_space<vmem>>, vector<16xf32>,
      %swap3A_223 = vector.shape_cast %swap3A_222 : vector<16xf32> to vector<16xf32>
      %swap3A_224 = vector.shape_cast %sub3A_220 : vector<16xf32> to vector<16xf32>
      tpu.vector_store %arg17[%swap3A_221], %swap3A_224 {strides = array<i32>} : memref<64xf32, #tpu.memory_space<vmem>>, vector<16xf32>,
      %add3A_225 = arith.constant 48 : i32
      %add3A_226 = vector.broadcast %add3A_225 : i32 to vector<16xi32>
      %add3A_227 = arith.addi %iota3A, %add3A_226 : vector<16xi32>
      %lt3A_228 = arith.constant 50 : i32
      %lt3A_229 = vector.broadcast %lt3A_228 : i32 to vector<16xi32>
      %lt3A_230 = arith.cmpi slt, %add3A_227, %lt3A_229 : vector<16xi32>
      %mul3A_231 = arith.constant 128 : i32
      %mul3A_232 = vector.broadcast %mul3A_231 : i32 to vector<16xi32>
      %mul3A_233 = arith.muli %min3A_212, %mul3A_232 : vector<16xi32>
      %add3A_234 = arith.addi %mul3A_233, %min3A_208 : vector<16xi32>
      %add3A_235 = arith.constant 16392 : i32
      %add3A_236 = vector.broadcast %add3A_235 : i32 to vector<16xi32>
      %add3A_237 = arith.addi %add3A_236, %add3A_227 : vector<16xi32>
      %select_n3A_238 = arith.select %lt3A_230, %add3A_234, %add3A_237 : vector<16xi1>, vector<16xi32>
      %swap3A_239 = arith.constant 48 : index
      %swap3A_240 = tpu.vector_load %arg14[%swap3A_239] {strides = array<i32>} : memref<64xi32, #tpu.memory_space<vmem>>, vector<16xi32>,
      %swap3A_241 = vector.shape_cast %swap3A_240 : vector<16xi32> to vector<16xi32>
      %swap3A_242 = vector.shape_cast %select_n3A_238 : vector<16xi32> to vector<16xi32>
      tpu.vector_store %arg14[%swap3A_239], %swap3A_242 {strides = array<i32>} : memref<64xi32, #tpu.memory_space<vmem>>, vector<16xi32>,
      %get3A_243 = arith.constant 48 : index
      %get3A_244 = tpu.vector_load %arg13[%get3A_243] {strides = array<i32>} : memref<64xi32, #tpu.memory_space<vmem>>, vector<16xi32>,
      %get3A_245 = vector.shape_cast %get3A_244 : vector<16xi32> to vector<16xi32>
      %mul3A_246 = arith.constant 16384 : i32
      %mul3A_247 = vector.broadcast %mul3A_246 : i32 to vector<16xi32>
      %mul3A_248 = arith.muli %get3A_245, %mul3A_247 : vector<16xi32>
      %add3A_249 = arith.addi %mul3A_248, %select_n3A_238 : vector<16xi32>
      %add3A_250 = arith.constant 1310728 : i32
      %add3A_251 = vector.broadcast %add3A_250 : i32 to vector<16xi32>
      %add3A_252 = arith.addi %add3A_251, %add3A_227 : vector<16xi32>
      %select_n3A_253 = arith.select %lt3A_230, %add3A_249, %add3A_252 : vector<16xi1>, vector<16xi32>
      %swap3A_254 = arith.constant 48 : index
      %swap3A_255 = tpu.vector_load %arg15[%swap3A_254] {strides = array<i32>} : memref<64xi32, #tpu.memory_space<vmem>>, vector<16xi32>,
      %swap3A_256 = vector.shape_cast %swap3A_255 : vector<16xi32> to vector<16xi32>
      %swap3A_257 = vector.shape_cast %select_n3A_253 : vector<16xi32> to vector<16xi32>
      tpu.vector_store %arg15[%swap3A_254], %swap3A_257 {strides = array<i32>} : memref<64xi32, #tpu.memory_space<vmem>>, vector<16xi32>,
      %get3A_258 = arith.constant 0 : index
      %get3A_259 = tpu.vector_load %arg14[%get3A_258] {strides = array<i32>} : memref<64xi32, #tpu.memory_space<vmem>>, vector<16xi32>,
      %get3A_260 = vector.shape_cast %get3A_259 : vector<16xi32> to vector<16xi32>
      %get3A_261 = arith.constant 0 : index
      %get3A_262 = tpu.vector_load %arg15[%get3A_261] {strides = array<i32>} : memref<64xi32, #tpu.memory_space<vmem>>, vector<16xi32>,
      %get3A_263 = vector.shape_cast %get3A_262 : vector<16xi32> to vector<16xi32>
      %broadcast_in_dim3A = arith.constant 0.000000e+00 : f32
      %broadcast_in_dim3A_264 = vector.broadcast %broadcast_in_dim3A : f32 to vector<16xf32>
      %broadcast_in_dim3A_265 = arith.constant 0.000000e+00 : f32
      %broadcast_in_dim3A_266 = vector.broadcast %broadcast_in_dim3A_265 : f32 to vector<16xf32>
      %get3A_267 = arith.constant 0 : index
      %get3A_268 = tpu.vector_load %arg14[%get3A_267] {strides = array<i32>} : memref<64xi32, #tpu.memory_space<vmem>>, vector<16xi32>,
      %get3A_269 = vector.shape_cast %get3A_268 : vector<16xi32> to vector<16xi32>
      %get3A_270 = arith.constant 0 : index
      %get3A_271 = tpu.vector_load %arg15[%get3A_270] {strides = array<i32>} : memref<64xi32, #tpu.memory_space<vmem>>, vector<16xi32>,
      %get3A_272 = vector.shape_cast %get3A_271 : vector<16xi32> to vector<16xi32>
      %scan3A = arith.constant 0 : i32
      %scan3A_273 = arith.constant 16 : i32
      %scan3A_274 = arith.addi %scan3A, %scan3A_273 : i32
      %scan3A_275 = arith.constant 1 : i32
      %scan3A_276:2 = scf.for %scan3A_1550 = %scan3A to %scan3A_274 step %scan3A_275 iter_args(%scan3A_1551 = %broadcast_in_dim3A_264, %scan3A_1552 = %broadcast_in_dim3A_266) -> (vector<16xf32>, vector<16xf32>)  : i32 {
        %add3A_1553 = vector.broadcast %scan3A_1550 : i32 to vector<16xi32>
        %add3A_1554 = arith.addi %iota3A, %add3A_1553 : vector<16xi32>
        %and3A_1555 = arith.constant 15 : i32
        %and3A_1556 = vector.broadcast %and3A_1555 : i32 to vector<16xi32>
        %and3A_1557 = arith.andi %add3A_1554, %and3A_1556 : vector<16xi32>
        %broadcast_in_dim3A_1558 = vector.shape_cast %and3A_1557 : vector<16xi32> to vector<16x1xi32>
        %gather3A_1559 = vector.shape_cast %broadcast_in_dim3A_1558 : vector<16x1xi32> to vector<16xi32>
        %gather3A_1560 = tpu.dynamic_gather %get3A_269[%gather3A_1559] in [0] : vector<16xi32>, vector<16xi32> -> vector<16xi32>
        %broadcast_in_dim3A_1561 = vector.shape_cast %and3A_1557 : vector<16xi32> to vector<16x1xi32>
        %gather3A_1562 = vector.shape_cast %broadcast_in_dim3A_1561 : vector<16x1xi32> to vector<16xi32>
        %gather3A_1563 = tpu.dynamic_gather %get3A_272[%gather3A_1562] in [0] : vector<16xi32>, vector<16xi32> -> vector<16xi32>
        %eq3A_1564 = arith.cmpi eq, %get3A_260, %gather3A_1560 : vector<16xi32>
        %jit3A_1565 = arith.constant 1.000000e+00 : f32
        %jit3A_1566 = arith.constant 0.000000e+00 : f32
        %broadcast_in_dim3A_1567 = vector.broadcast %jit3A_1565 : f32 to vector<16xf32>
        %broadcast_in_dim3A_1568 = vector.broadcast %jit3A_1566 : f32 to vector<16xf32>
        %select_n3A_1569 = arith.select %eq3A_1564, %broadcast_in_dim3A_1567, %broadcast_in_dim3A_1568 : vector<16xi1>, vector<16xf32>
        %add3A_1570 = arith.addf %scan3A_1551, %select_n3A_1569 : vector<16xf32>
        %eq3A_1571 = arith.cmpi eq, %get3A_263, %gather3A_1563 : vector<16xi32>
        %jit3A_1572 = arith.constant 1.000000e+00 : f32
        %jit3A_1573 = arith.constant 0.000000e+00 : f32
        %broadcast_in_dim3A_1574 = vector.broadcast %jit3A_1572 : f32 to vector<16xf32>
        %broadcast_in_dim3A_1575 = vector.broadcast %jit3A_1573 : f32 to vector<16xf32>
        %select_n3A_1576 = arith.select %eq3A_1571, %broadcast_in_dim3A_1574, %broadcast_in_dim3A_1575 : vector<16xi1>, vector<16xf32>
        %add3A_1577 = arith.addf %scan3A_1552, %select_n3A_1576 : vector<16xf32>
        scf.yield %add3A_1570, %add3A_1577 : vector<16xf32>, vector<16xf32>
      }
      %scan3A_277 = arith.constant 16 : i32
      %get3A_278 = arith.constant 16 : index
      %get3A_279 = tpu.vector_load %arg14[%get3A_278] {strides = array<i32>} : memref<64xi32, #tpu.memory_space<vmem>>, vector<16xi32>,
      %get3A_280 = vector.shape_cast %get3A_279 : vector<16xi32> to vector<16xi32>
      %get3A_281 = arith.constant 16 : index
      %get3A_282 = tpu.vector_load %arg15[%get3A_281] {strides = array<i32>} : memref<64xi32, #tpu.memory_space<vmem>>, vector<16xi32>,
      %get3A_283 = vector.shape_cast %get3A_282 : vector<16xi32> to vector<16xi32>
      %scan3A_284 = arith.constant 0 : i32
      %scan3A_285 = arith.constant 16 : i32
      %scan3A_286 = arith.addi %scan3A_284, %scan3A_285 : i32
      %scan3A_287 = arith.constant 1 : i32
      %scan3A_288:2 = scf.for %scan3A_1550 = %scan3A_284 to %scan3A_286 step %scan3A_287 iter_args(%scan3A_1551 = %scan3A_276#0, %scan3A_1552 = %scan3A_276#1) -> (vector<16xf32>, vector<16xf32>)  : i32 {
        %add3A_1553 = vector.broadcast %scan3A_1550 : i32 to vector<16xi32>
        %add3A_1554 = arith.addi %iota3A, %add3A_1553 : vector<16xi32>
        %and3A_1555 = arith.constant 15 : i32
        %and3A_1556 = vector.broadcast %and3A_1555 : i32 to vector<16xi32>
        %and3A_1557 = arith.andi %add3A_1554, %and3A_1556 : vector<16xi32>
        %broadcast_in_dim3A_1558 = vector.shape_cast %and3A_1557 : vector<16xi32> to vector<16x1xi32>
        %gather3A_1559 = vector.shape_cast %broadcast_in_dim3A_1558 : vector<16x1xi32> to vector<16xi32>
        %gather3A_1560 = tpu.dynamic_gather %get3A_280[%gather3A_1559] in [0] : vector<16xi32>, vector<16xi32> -> vector<16xi32>
        %broadcast_in_dim3A_1561 = vector.shape_cast %and3A_1557 : vector<16xi32> to vector<16x1xi32>
        %gather3A_1562 = vector.shape_cast %broadcast_in_dim3A_1561 : vector<16x1xi32> to vector<16xi32>
        %gather3A_1563 = tpu.dynamic_gather %get3A_283[%gather3A_1562] in [0] : vector<16xi32>, vector<16xi32> -> vector<16xi32>
        %eq3A_1564 = arith.cmpi eq, %get3A_260, %gather3A_1560 : vector<16xi32>
        %jit3A_1565 = arith.constant 1.000000e+00 : f32
        %jit3A_1566 = arith.constant 0.000000e+00 : f32
        %broadcast_in_dim3A_1567 = vector.broadcast %jit3A_1565 : f32 to vector<16xf32>
        %broadcast_in_dim3A_1568 = vector.broadcast %jit3A_1566 : f32 to vector<16xf32>
        %select_n3A_1569 = arith.select %eq3A_1564, %broadcast_in_dim3A_1567, %broadcast_in_dim3A_1568 : vector<16xi1>, vector<16xf32>
        %add3A_1570 = arith.addf %scan3A_1551, %select_n3A_1569 : vector<16xf32>
        %eq3A_1571 = arith.cmpi eq, %get3A_263, %gather3A_1563 : vector<16xi32>
        %jit3A_1572 = arith.constant 1.000000e+00 : f32
        %jit3A_1573 = arith.constant 0.000000e+00 : f32
        %broadcast_in_dim3A_1574 = vector.broadcast %jit3A_1572 : f32 to vector<16xf32>
        %broadcast_in_dim3A_1575 = vector.broadcast %jit3A_1573 : f32 to vector<16xf32>
        %select_n3A_1576 = arith.select %eq3A_1571, %broadcast_in_dim3A_1574, %broadcast_in_dim3A_1575 : vector<16xi1>, vector<16xf32>
        %add3A_1577 = arith.addf %scan3A_1552, %select_n3A_1576 : vector<16xf32>
        scf.yield %add3A_1570, %add3A_1577 : vector<16xf32>, vector<16xf32>
      }
      %scan3A_289 = arith.constant 16 : i32
      %get3A_290 = arith.constant 32 : index
      %get3A_291 = tpu.vector_load %arg14[%get3A_290] {strides = array<i32>} : memref<64xi32, #tpu.memory_space<vmem>>, vector<16xi32>,
      %get3A_292 = vector.shape_cast %get3A_291 : vector<16xi32> to vector<16xi32>
      %get3A_293 = arith.constant 32 : index
      %get3A_294 = tpu.vector_load %arg15[%get3A_293] {strides = array<i32>} : memref<64xi32, #tpu.memory_space<vmem>>, vector<16xi32>,
      %get3A_295 = vector.shape_cast %get3A_294 : vector<16xi32> to vector<16xi32>
      %scan3A_296 = arith.constant 0 : i32
      %scan3A_297 = arith.constant 16 : i32
      %scan3A_298 = arith.addi %scan3A_296, %scan3A_297 : i32
      %scan3A_299 = arith.constant 1 : i32
      %scan3A_300:2 = scf.for %scan3A_1550 = %scan3A_296 to %scan3A_298 step %scan3A_299 iter_args(%scan3A_1551 = %scan3A_288#0, %scan3A_1552 = %scan3A_288#1) -> (vector<16xf32>, vector<16xf32>)  : i32 {
        %add3A_1553 = vector.broadcast %scan3A_1550 : i32 to vector<16xi32>
        %add3A_1554 = arith.addi %iota3A, %add3A_1553 : vector<16xi32>
        %and3A_1555 = arith.constant 15 : i32
        %and3A_1556 = vector.broadcast %and3A_1555 : i32 to vector<16xi32>
        %and3A_1557 = arith.andi %add3A_1554, %and3A_1556 : vector<16xi32>
        %broadcast_in_dim3A_1558 = vector.shape_cast %and3A_1557 : vector<16xi32> to vector<16x1xi32>
        %gather3A_1559 = vector.shape_cast %broadcast_in_dim3A_1558 : vector<16x1xi32> to vector<16xi32>
        %gather3A_1560 = tpu.dynamic_gather %get3A_292[%gather3A_1559] in [0] : vector<16xi32>, vector<16xi32> -> vector<16xi32>
        %broadcast_in_dim3A_1561 = vector.shape_cast %and3A_1557 : vector<16xi32> to vector<16x1xi32>
        %gather3A_1562 = vector.shape_cast %broadcast_in_dim3A_1561 : vector<16x1xi32> to vector<16xi32>
        %gather3A_1563 = tpu.dynamic_gather %get3A_295[%gather3A_1562] in [0] : vector<16xi32>, vector<16xi32> -> vector<16xi32>
        %eq3A_1564 = arith.cmpi eq, %get3A_260, %gather3A_1560 : vector<16xi32>
        %jit3A_1565 = arith.constant 1.000000e+00 : f32
        %jit3A_1566 = arith.constant 0.000000e+00 : f32
        %broadcast_in_dim3A_1567 = vector.broadcast %jit3A_1565 : f32 to vector<16xf32>
        %broadcast_in_dim3A_1568 = vector.broadcast %jit3A_1566 : f32 to vector<16xf32>
        %select_n3A_1569 = arith.select %eq3A_1564, %broadcast_in_dim3A_1567, %broadcast_in_dim3A_1568 : vector<16xi1>, vector<16xf32>
        %add3A_1570 = arith.addf %scan3A_1551, %select_n3A_1569 : vector<16xf32>
        %eq3A_1571 = arith.cmpi eq, %get3A_263, %gather3A_1563 : vector<16xi32>
        %jit3A_1572 = arith.constant 1.000000e+00 : f32
        %jit3A_1573 = arith.constant 0.000000e+00 : f32
        %broadcast_in_dim3A_1574 = vector.broadcast %jit3A_1572 : f32 to vector<16xf32>
        %broadcast_in_dim3A_1575 = vector.broadcast %jit3A_1573 : f32 to vector<16xf32>
        %select_n3A_1576 = arith.select %eq3A_1571, %broadcast_in_dim3A_1574, %broadcast_in_dim3A_1575 : vector<16xi1>, vector<16xf32>
        %add3A_1577 = arith.addf %scan3A_1552, %select_n3A_1576 : vector<16xf32>
        scf.yield %add3A_1570, %add3A_1577 : vector<16xf32>, vector<16xf32>
      }
      %scan3A_301 = arith.constant 16 : i32
      %get3A_302 = arith.constant 48 : index
      %get3A_303 = tpu.vector_load %arg14[%get3A_302] {strides = array<i32>} : memref<64xi32, #tpu.memory_space<vmem>>, vector<16xi32>,
      %get3A_304 = vector.shape_cast %get3A_303 : vector<16xi32> to vector<16xi32>
      %get3A_305 = arith.constant 48 : index
      %get3A_306 = tpu.vector_load %arg15[%get3A_305] {strides = array<i32>} : memref<64xi32, #tpu.memory_space<vmem>>, vector<16xi32>,
      %get3A_307 = vector.shape_cast %get3A_306 : vector<16xi32> to vector<16xi32>
      %scan3A_308 = arith.constant 0 : i32
      %scan3A_309 = arith.constant 16 : i32
      %scan3A_310 = arith.addi %scan3A_308, %scan3A_309 : i32
      %scan3A_311 = arith.constant 1 : i32
      %scan3A_312:2 = scf.for %scan3A_1550 = %scan3A_308 to %scan3A_310 step %scan3A_311 iter_args(%scan3A_1551 = %scan3A_300#0, %scan3A_1552 = %scan3A_300#1) -> (vector<16xf32>, vector<16xf32>)  : i32 {
        %add3A_1553 = vector.broadcast %scan3A_1550 : i32 to vector<16xi32>
        %add3A_1554 = arith.addi %iota3A, %add3A_1553 : vector<16xi32>
        %and3A_1555 = arith.constant 15 : i32
        %and3A_1556 = vector.broadcast %and3A_1555 : i32 to vector<16xi32>
        %and3A_1557 = arith.andi %add3A_1554, %and3A_1556 : vector<16xi32>
        %broadcast_in_dim3A_1558 = vector.shape_cast %and3A_1557 : vector<16xi32> to vector<16x1xi32>
        %gather3A_1559 = vector.shape_cast %broadcast_in_dim3A_1558 : vector<16x1xi32> to vector<16xi32>
        %gather3A_1560 = tpu.dynamic_gather %get3A_304[%gather3A_1559] in [0] : vector<16xi32>, vector<16xi32> -> vector<16xi32>
        %broadcast_in_dim3A_1561 = vector.shape_cast %and3A_1557 : vector<16xi32> to vector<16x1xi32>
        %gather3A_1562 = vector.shape_cast %broadcast_in_dim3A_1561 : vector<16x1xi32> to vector<16xi32>
        %gather3A_1563 = tpu.dynamic_gather %get3A_307[%gather3A_1562] in [0] : vector<16xi32>, vector<16xi32> -> vector<16xi32>
        %eq3A_1564 = arith.cmpi eq, %get3A_260, %gather3A_1560 : vector<16xi32>
        %jit3A_1565 = arith.constant 1.000000e+00 : f32
        %jit3A_1566 = arith.constant 0.000000e+00 : f32
        %broadcast_in_dim3A_1567 = vector.broadcast %jit3A_1565 : f32 to vector<16xf32>
        %broadcast_in_dim3A_1568 = vector.broadcast %jit3A_1566 : f32 to vector<16xf32>
        %select_n3A_1569 = arith.select %eq3A_1564, %broadcast_in_dim3A_1567, %broadcast_in_dim3A_1568 : vector<16xi1>, vector<16xf32>
        %add3A_1570 = arith.addf %scan3A_1551, %select_n3A_1569 : vector<16xf32>
        %eq3A_1571 = arith.cmpi eq, %get3A_263, %gather3A_1563 : vector<16xi32>
        %jit3A_1572 = arith.constant 1.000000e+00 : f32
        %jit3A_1573 = arith.constant 0.000000e+00 : f32
        %broadcast_in_dim3A_1574 = vector.broadcast %jit3A_1572 : f32 to vector<16xf32>
        %broadcast_in_dim3A_1575 = vector.broadcast %jit3A_1573 : f32 to vector<16xf32>
        %select_n3A_1576 = arith.select %eq3A_1571, %broadcast_in_dim3A_1574, %broadcast_in_dim3A_1575 : vector<16xi1>, vector<16xf32>
        %add3A_1577 = arith.addf %scan3A_1552, %select_n3A_1576 : vector<16xf32>
        scf.yield %add3A_1570, %add3A_1577 : vector<16xf32>, vector<16xf32>
      }
      %scan3A_313 = arith.constant 16 : i32
      %add3A_314 = arith.constant 0 : i32
      %add3A_315 = vector.broadcast %add3A_314 : i32 to vector<16xi32>
      %add3A_316 = arith.addi %iota3A, %add3A_315 : vector<16xi32>
      %lt3A_317 = arith.constant 50 : i32
      %lt3A_318 = vector.broadcast %lt3A_317 : i32 to vector<16xi32>
      %lt3A_319 = arith.cmpi slt, %add3A_316, %lt3A_318 : vector<16xi32>
      %div3A = arith.constant 1.000000e+00 : f32
      %div3A_320 = vector.broadcast %div3A : f32 to vector<16xf32>
      %div3A_321 = arith.divf %div3A_320, %scan3A_312#0 : vector<16xf32>
      %jit3A = arith.constant 0.000000e+00 : f32
      %broadcast_in_dim3A_322 = vector.broadcast %jit3A : f32 to vector<16xf32>
      %select_n3A_323 = arith.select %lt3A_319, %div3A_321, %broadcast_in_dim3A_322 : vector<16xi1>, vector<16xf32>
      %swap3A_324 = arith.constant 0 : index
      %swap3A_325 = tpu.vector_load %arg18[%swap3A_324] {strides = array<i32>} : memref<64xf32, #tpu.memory_space<vmem>>, vector<16xf32>,
      %swap3A_326 = vector.shape_cast %swap3A_325 : vector<16xf32> to vector<16xf32>
      %swap3A_327 = vector.shape_cast %select_n3A_323 : vector<16xf32> to vector<16xf32>
      tpu.vector_store %arg18[%swap3A_324], %swap3A_327 {strides = array<i32>} : memref<64xf32, #tpu.memory_space<vmem>>, vector<16xf32>,
      %div3A_328 = arith.constant 1.000000e+00 : f32
      %div3A_329 = vector.broadcast %div3A_328 : f32 to vector<16xf32>
      %div3A_330 = arith.divf %div3A_329, %scan3A_312#1 : vector<16xf32>
      %jit3A_331 = arith.constant 0.000000e+00 : f32
      %broadcast_in_dim3A_332 = vector.broadcast %jit3A_331 : f32 to vector<16xf32>
      %select_n3A_333 = arith.select %lt3A_319, %div3A_330, %broadcast_in_dim3A_332 : vector<16xi1>, vector<16xf32>
      %swap3A_334 = arith.constant 0 : index
      %swap3A_335 = tpu.vector_load %arg19[%swap3A_334] {strides = array<i32>} : memref<64xf32, #tpu.memory_space<vmem>>, vector<16xf32>,
      %swap3A_336 = vector.shape_cast %swap3A_335 : vector<16xf32> to vector<16xf32>
      %swap3A_337 = vector.shape_cast %select_n3A_333 : vector<16xf32> to vector<16xf32>
      tpu.vector_store %arg19[%swap3A_334], %swap3A_337 {strides = array<i32>} : memref<64xf32, #tpu.memory_space<vmem>>, vector<16xf32>,
      %get3A_338 = arith.constant 16 : index
      %get3A_339 = tpu.vector_load %arg14[%get3A_338] {strides = array<i32>} : memref<64xi32, #tpu.memory_space<vmem>>, vector<16xi32>,
      %get3A_340 = vector.shape_cast %get3A_339 : vector<16xi32> to vector<16xi32>
      %get3A_341 = arith.constant 16 : index
      %get3A_342 = tpu.vector_load %arg15[%get3A_341] {strides = array<i32>} : memref<64xi32, #tpu.memory_space<vmem>>, vector<16xi32>,
      %get3A_343 = vector.shape_cast %get3A_342 : vector<16xi32> to vector<16xi32>
      %broadcast_in_dim3A_344 = arith.constant 0.000000e+00 : f32
      %broadcast_in_dim3A_345 = vector.broadcast %broadcast_in_dim3A_344 : f32 to vector<16xf32>
      %broadcast_in_dim3A_346 = arith.constant 0.000000e+00 : f32
      %broadcast_in_dim3A_347 = vector.broadcast %broadcast_in_dim3A_346 : f32 to vector<16xf32>
      %get3A_348 = arith.constant 0 : index
      %get3A_349 = tpu.vector_load %arg14[%get3A_348] {strides = array<i32>} : memref<64xi32, #tpu.memory_space<vmem>>, vector<16xi32>,
      %get3A_350 = vector.shape_cast %get3A_349 : vector<16xi32> to vector<16xi32>
      %get3A_351 = arith.constant 0 : index
      %get3A_352 = tpu.vector_load %arg15[%get3A_351] {strides = array<i32>} : memref<64xi32, #tpu.memory_space<vmem>>, vector<16xi32>,
      %get3A_353 = vector.shape_cast %get3A_352 : vector<16xi32> to vector<16xi32>
      %scan3A_354 = arith.constant 0 : i32
      %scan3A_355 = arith.constant 16 : i32
      %scan3A_356 = arith.addi %scan3A_354, %scan3A_355 : i32
      %scan3A_357 = arith.constant 1 : i32
      %scan3A_358:2 = scf.for %scan3A_1550 = %scan3A_354 to %scan3A_356 step %scan3A_357 iter_args(%scan3A_1551 = %broadcast_in_dim3A_345, %scan3A_1552 = %broadcast_in_dim3A_347) -> (vector<16xf32>, vector<16xf32>)  : i32 {
        %add3A_1553 = vector.broadcast %scan3A_1550 : i32 to vector<16xi32>
        %add3A_1554 = arith.addi %iota3A, %add3A_1553 : vector<16xi32>
        %and3A_1555 = arith.constant 15 : i32
        %and3A_1556 = vector.broadcast %and3A_1555 : i32 to vector<16xi32>
        %and3A_1557 = arith.andi %add3A_1554, %and3A_1556 : vector<16xi32>
        %broadcast_in_dim3A_1558 = vector.shape_cast %and3A_1557 : vector<16xi32> to vector<16x1xi32>
        %gather3A_1559 = vector.shape_cast %broadcast_in_dim3A_1558 : vector<16x1xi32> to vector<16xi32>
        %gather3A_1560 = tpu.dynamic_gather %get3A_350[%gather3A_1559] in [0] : vector<16xi32>, vector<16xi32> -> vector<16xi32>
        %broadcast_in_dim3A_1561 = vector.shape_cast %and3A_1557 : vector<16xi32> to vector<16x1xi32>
        %gather3A_1562 = vector.shape_cast %broadcast_in_dim3A_1561 : vector<16x1xi32> to vector<16xi32>
        %gather3A_1563 = tpu.dynamic_gather %get3A_353[%gather3A_1562] in [0] : vector<16xi32>, vector<16xi32> -> vector<16xi32>
        %eq3A_1564 = arith.cmpi eq, %get3A_340, %gather3A_1560 : vector<16xi32>
        %jit3A_1565 = arith.constant 1.000000e+00 : f32
        %jit3A_1566 = arith.constant 0.000000e+00 : f32
        %broadcast_in_dim3A_1567 = vector.broadcast %jit3A_1565 : f32 to vector<16xf32>
        %broadcast_in_dim3A_1568 = vector.broadcast %jit3A_1566 : f32 to vector<16xf32>
        %select_n3A_1569 = arith.select %eq3A_1564, %broadcast_in_dim3A_1567, %broadcast_in_dim3A_1568 : vector<16xi1>, vector<16xf32>
        %add3A_1570 = arith.addf %scan3A_1551, %select_n3A_1569 : vector<16xf32>
        %eq3A_1571 = arith.cmpi eq, %get3A_343, %gather3A_1563 : vector<16xi32>
        %jit3A_1572 = arith.constant 1.000000e+00 : f32
        %jit3A_1573 = arith.constant 0.000000e+00 : f32
        %broadcast_in_dim3A_1574 = vector.broadcast %jit3A_1572 : f32 to vector<16xf32>
        %broadcast_in_dim3A_1575 = vector.broadcast %jit3A_1573 : f32 to vector<16xf32>
        %select_n3A_1576 = arith.select %eq3A_1571, %broadcast_in_dim3A_1574, %broadcast_in_dim3A_1575 : vector<16xi1>, vector<16xf32>
        %add3A_1577 = arith.addf %scan3A_1552, %select_n3A_1576 : vector<16xf32>
        scf.yield %add3A_1570, %add3A_1577 : vector<16xf32>, vector<16xf32>
      }
      %scan3A_359 = arith.constant 16 : i32
      %get3A_360 = arith.constant 16 : index
      %get3A_361 = tpu.vector_load %arg14[%get3A_360] {strides = array<i32>} : memref<64xi32, #tpu.memory_space<vmem>>, vector<16xi32>,
      %get3A_362 = vector.shape_cast %get3A_361 : vector<16xi32> to vector<16xi32>
      %get3A_363 = arith.constant 16 : index
      %get3A_364 = tpu.vector_load %arg15[%get3A_363] {strides = array<i32>} : memref<64xi32, #tpu.memory_space<vmem>>, vector<16xi32>,
      %get3A_365 = vector.shape_cast %get3A_364 : vector<16xi32> to vector<16xi32>
      %scan3A_366 = arith.constant 0 : i32
      %scan3A_367 = arith.constant 16 : i32
      %scan3A_368 = arith.addi %scan3A_366, %scan3A_367 : i32
      %scan3A_369 = arith.constant 1 : i32
      %scan3A_370:2 = scf.for %scan3A_1550 = %scan3A_366 to %scan3A_368 step %scan3A_369 iter_args(%scan3A_1551 = %scan3A_358#0, %scan3A_1552 = %scan3A_358#1) -> (vector<16xf32>, vector<16xf32>)  : i32 {
        %add3A_1553 = vector.broadcast %scan3A_1550 : i32 to vector<16xi32>
        %add3A_1554 = arith.addi %iota3A, %add3A_1553 : vector<16xi32>
        %and3A_1555 = arith.constant 15 : i32
        %and3A_1556 = vector.broadcast %and3A_1555 : i32 to vector<16xi32>
        %and3A_1557 = arith.andi %add3A_1554, %and3A_1556 : vector<16xi32>
        %broadcast_in_dim3A_1558 = vector.shape_cast %and3A_1557 : vector<16xi32> to vector<16x1xi32>
        %gather3A_1559 = vector.shape_cast %broadcast_in_dim3A_1558 : vector<16x1xi32> to vector<16xi32>
        %gather3A_1560 = tpu.dynamic_gather %get3A_362[%gather3A_1559] in [0] : vector<16xi32>, vector<16xi32> -> vector<16xi32>
        %broadcast_in_dim3A_1561 = vector.shape_cast %and3A_1557 : vector<16xi32> to vector<16x1xi32>
        %gather3A_1562 = vector.shape_cast %broadcast_in_dim3A_1561 : vector<16x1xi32> to vector<16xi32>
        %gather3A_1563 = tpu.dynamic_gather %get3A_365[%gather3A_1562] in [0] : vector<16xi32>, vector<16xi32> -> vector<16xi32>
        %eq3A_1564 = arith.cmpi eq, %get3A_340, %gather3A_1560 : vector<16xi32>
        %jit3A_1565 = arith.constant 1.000000e+00 : f32
        %jit3A_1566 = arith.constant 0.000000e+00 : f32
        %broadcast_in_dim3A_1567 = vector.broadcast %jit3A_1565 : f32 to vector<16xf32>
        %broadcast_in_dim3A_1568 = vector.broadcast %jit3A_1566 : f32 to vector<16xf32>
        %select_n3A_1569 = arith.select %eq3A_1564, %broadcast_in_dim3A_1567, %broadcast_in_dim3A_1568 : vector<16xi1>, vector<16xf32>
        %add3A_1570 = arith.addf %scan3A_1551, %select_n3A_1569 : vector<16xf32>
        %eq3A_1571 = arith.cmpi eq, %get3A_343, %gather3A_1563 : vector<16xi32>
        %jit3A_1572 = arith.constant 1.000000e+00 : f32
        %jit3A_1573 = arith.constant 0.000000e+00 : f32
        %broadcast_in_dim3A_1574 = vector.broadcast %jit3A_1572 : f32 to vector<16xf32>
        %broadcast_in_dim3A_1575 = vector.broadcast %jit3A_1573 : f32 to vector<16xf32>
        %select_n3A_1576 = arith.select %eq3A_1571, %broadcast_in_dim3A_1574, %broadcast_in_dim3A_1575 : vector<16xi1>, vector<16xf32>
        %add3A_1577 = arith.addf %scan3A_1552, %select_n3A_1576 : vector<16xf32>
        scf.yield %add3A_1570, %add3A_1577 : vector<16xf32>, vector<16xf32>
      }
      %scan3A_371 = arith.constant 16 : i32
      %get3A_372 = arith.constant 32 : index
      %get3A_373 = tpu.vector_load %arg14[%get3A_372] {strides = array<i32>} : memref<64xi32, #tpu.memory_space<vmem>>, vector<16xi32>,
      %get3A_374 = vector.shape_cast %get3A_373 : vector<16xi32> to vector<16xi32>
      %get3A_375 = arith.constant 32 : index
      %get3A_376 = tpu.vector_load %arg15[%get3A_375] {strides = array<i32>} : memref<64xi32, #tpu.memory_space<vmem>>, vector<16xi32>,
      %get3A_377 = vector.shape_cast %get3A_376 : vector<16xi32> to vector<16xi32>
      %scan3A_378 = arith.constant 0 : i32
      %scan3A_379 = arith.constant 16 : i32
      %scan3A_380 = arith.addi %scan3A_378, %scan3A_379 : i32
      %scan3A_381 = arith.constant 1 : i32
      %scan3A_382:2 = scf.for %scan3A_1550 = %scan3A_378 to %scan3A_380 step %scan3A_381 iter_args(%scan3A_1551 = %scan3A_370#0, %scan3A_1552 = %scan3A_370#1) -> (vector<16xf32>, vector<16xf32>)  : i32 {
        %add3A_1553 = vector.broadcast %scan3A_1550 : i32 to vector<16xi32>
        %add3A_1554 = arith.addi %iota3A, %add3A_1553 : vector<16xi32>
        %and3A_1555 = arith.constant 15 : i32
        %and3A_1556 = vector.broadcast %and3A_1555 : i32 to vector<16xi32>
        %and3A_1557 = arith.andi %add3A_1554, %and3A_1556 : vector<16xi32>
        %broadcast_in_dim3A_1558 = vector.shape_cast %and3A_1557 : vector<16xi32> to vector<16x1xi32>
        %gather3A_1559 = vector.shape_cast %broadcast_in_dim3A_1558 : vector<16x1xi32> to vector<16xi32>
        %gather3A_1560 = tpu.dynamic_gather %get3A_374[%gather3A_1559] in [0] : vector<16xi32>, vector<16xi32> -> vector<16xi32>
        %broadcast_in_dim3A_1561 = vector.shape_cast %and3A_1557 : vector<16xi32> to vector<16x1xi32>
        %gather3A_1562 = vector.shape_cast %broadcast_in_dim3A_1561 : vector<16x1xi32> to vector<16xi32>
        %gather3A_1563 = tpu.dynamic_gather %get3A_377[%gather3A_1562] in [0] : vector<16xi32>, vector<16xi32> -> vector<16xi32>
        %eq3A_1564 = arith.cmpi eq, %get3A_340, %gather3A_1560 : vector<16xi32>
        %jit3A_1565 = arith.constant 1.000000e+00 : f32
        %jit3A_1566 = arith.constant 0.000000e+00 : f32
        %broadcast_in_dim3A_1567 = vector.broadcast %jit3A_1565 : f32 to vector<16xf32>
        %broadcast_in_dim3A_1568 = vector.broadcast %jit3A_1566 : f32 to vector<16xf32>
        %select_n3A_1569 = arith.select %eq3A_1564, %broadcast_in_dim3A_1567, %broadcast_in_dim3A_1568 : vector<16xi1>, vector<16xf32>
        %add3A_1570 = arith.addf %scan3A_1551, %select_n3A_1569 : vector<16xf32>
        %eq3A_1571 = arith.cmpi eq, %get3A_343, %gather3A_1563 : vector<16xi32>
        %jit3A_1572 = arith.constant 1.000000e+00 : f32
        %jit3A_1573 = arith.constant 0.000000e+00 : f32
        %broadcast_in_dim3A_1574 = vector.broadcast %jit3A_1572 : f32 to vector<16xf32>
        %broadcast_in_dim3A_1575 = vector.broadcast %jit3A_1573 : f32 to vector<16xf32>
        %select_n3A_1576 = arith.select %eq3A_1571, %broadcast_in_dim3A_1574, %broadcast_in_dim3A_1575 : vector<16xi1>, vector<16xf32>
        %add3A_1577 = arith.addf %scan3A_1552, %select_n3A_1576 : vector<16xf32>
        scf.yield %add3A_1570, %add3A_1577 : vector<16xf32>, vector<16xf32>
      }
      %scan3A_383 = arith.constant 16 : i32
      %get3A_384 = arith.constant 48 : index
      %get3A_385 = tpu.vector_load %arg14[%get3A_384] {strides = array<i32>} : memref<64xi32, #tpu.memory_space<vmem>>, vector<16xi32>,
      %get3A_386 = vector.shape_cast %get3A_385 : vector<16xi32> to vector<16xi32>
      %get3A_387 = arith.constant 48 : index
      %get3A_388 = tpu.vector_load %arg15[%get3A_387] {strides = array<i32>} : memref<64xi32, #tpu.memory_space<vmem>>, vector<16xi32>,
      %get3A_389 = vector.shape_cast %get3A_388 : vector<16xi32> to vector<16xi32>
      %scan3A_390 = arith.constant 0 : i32
      %scan3A_391 = arith.constant 16 : i32
      %scan3A_392 = arith.addi %scan3A_390, %scan3A_391 : i32
      %scan3A_393 = arith.constant 1 : i32
      %scan3A_394:2 = scf.for %scan3A_1550 = %scan3A_390 to %scan3A_392 step %scan3A_393 iter_args(%scan3A_1551 = %scan3A_382#0, %scan3A_1552 = %scan3A_382#1) -> (vector<16xf32>, vector<16xf32>)  : i32 {
        %add3A_1553 = vector.broadcast %scan3A_1550 : i32 to vector<16xi32>
        %add3A_1554 = arith.addi %iota3A, %add3A_1553 : vector<16xi32>
        %and3A_1555 = arith.constant 15 : i32
        %and3A_1556 = vector.broadcast %and3A_1555 : i32 to vector<16xi32>
        %and3A_1557 = arith.andi %add3A_1554, %and3A_1556 : vector<16xi32>
        %broadcast_in_dim3A_1558 = vector.shape_cast %and3A_1557 : vector<16xi32> to vector<16x1xi32>
        %gather3A_1559 = vector.shape_cast %broadcast_in_dim3A_1558 : vector<16x1xi32> to vector<16xi32>
        %gather3A_1560 = tpu.dynamic_gather %get3A_386[%gather3A_1559] in [0] : vector<16xi32>, vector<16xi32> -> vector<16xi32>
        %broadcast_in_dim3A_1561 = vector.shape_cast %and3A_1557 : vector<16xi32> to vector<16x1xi32>
        %gather3A_1562 = vector.shape_cast %broadcast_in_dim3A_1561 : vector<16x1xi32> to vector<16xi32>
        %gather3A_1563 = tpu.dynamic_gather %get3A_389[%gather3A_1562] in [0] : vector<16xi32>, vector<16xi32> -> vector<16xi32>
        %eq3A_1564 = arith.cmpi eq, %get3A_340, %gather3A_1560 : vector<16xi32>
        %jit3A_1565 = arith.constant 1.000000e+00 : f32
        %jit3A_1566 = arith.constant 0.000000e+00 : f32
        %broadcast_in_dim3A_1567 = vector.broadcast %jit3A_1565 : f32 to vector<16xf32>
        %broadcast_in_dim3A_1568 = vector.broadcast %jit3A_1566 : f32 to vector<16xf32>
        %select_n3A_1569 = arith.select %eq3A_1564, %broadcast_in_dim3A_1567, %broadcast_in_dim3A_1568 : vector<16xi1>, vector<16xf32>
        %add3A_1570 = arith.addf %scan3A_1551, %select_n3A_1569 : vector<16xf32>
        %eq3A_1571 = arith.cmpi eq, %get3A_343, %gather3A_1563 : vector<16xi32>
        %jit3A_1572 = arith.constant 1.000000e+00 : f32
        %jit3A_1573 = arith.constant 0.000000e+00 : f32
        %broadcast_in_dim3A_1574 = vector.broadcast %jit3A_1572 : f32 to vector<16xf32>
        %broadcast_in_dim3A_1575 = vector.broadcast %jit3A_1573 : f32 to vector<16xf32>
        %select_n3A_1576 = arith.select %eq3A_1571, %broadcast_in_dim3A_1574, %broadcast_in_dim3A_1575 : vector<16xi1>, vector<16xf32>
        %add3A_1577 = arith.addf %scan3A_1552, %select_n3A_1576 : vector<16xf32>
        scf.yield %add3A_1570, %add3A_1577 : vector<16xf32>, vector<16xf32>
      }
      %scan3A_395 = arith.constant 16 : i32
      %add3A_396 = arith.constant 16 : i32
      %add3A_397 = vector.broadcast %add3A_396 : i32 to vector<16xi32>
      %add3A_398 = arith.addi %iota3A, %add3A_397 : vector<16xi32>
      %lt3A_399 = arith.constant 50 : i32
      %lt3A_400 = vector.broadcast %lt3A_399 : i32 to vector<16xi32>
      %lt3A_401 = arith.cmpi slt, %add3A_398, %lt3A_400 : vector<16xi32>
      %div3A_402 = arith.constant 1.000000e+00 : f32
      %div3A_403 = vector.broadcast %div3A_402 : f32 to vector<16xf32>
      %div3A_404 = arith.divf %div3A_403, %scan3A_394#0 : vector<16xf32>
      %jit3A_405 = arith.constant 0.000000e+00 : f32
      %broadcast_in_dim3A_406 = vector.broadcast %jit3A_405 : f32 to vector<16xf32>
      %select_n3A_407 = arith.select %lt3A_401, %div3A_404, %broadcast_in_dim3A_406 : vector<16xi1>, vector<16xf32>
      %swap3A_408 = arith.constant 16 : index
      %swap3A_409 = tpu.vector_load %arg18[%swap3A_408] {strides = array<i32>} : memref<64xf32, #tpu.memory_space<vmem>>, vector<16xf32>,
      %swap3A_410 = vector.shape_cast %swap3A_409 : vector<16xf32> to vector<16xf32>
      %swap3A_411 = vector.shape_cast %select_n3A_407 : vector<16xf32> to vector<16xf32>
      tpu.vector_store %arg18[%swap3A_408], %swap3A_411 {strides = array<i32>} : memref<64xf32, #tpu.memory_space<vmem>>, vector<16xf32>,
      %div3A_412 = arith.constant 1.000000e+00 : f32
      %div3A_413 = vector.broadcast %div3A_412 : f32 to vector<16xf32>
      %div3A_414 = arith.divf %div3A_413, %scan3A_394#1 : vector<16xf32>
      %jit3A_415 = arith.constant 0.000000e+00 : f32
      %broadcast_in_dim3A_416 = vector.broadcast %jit3A_415 : f32 to vector<16xf32>
      %select_n3A_417 = arith.select %lt3A_401, %div3A_414, %broadcast_in_dim3A_416 : vector<16xi1>, vector<16xf32>
      %swap3A_418 = arith.constant 16 : index
      %swap3A_419 = tpu.vector_load %arg19[%swap3A_418] {strides = array<i32>} : memref<64xf32, #tpu.memory_space<vmem>>, vector<16xf32>,
      %swap3A_420 = vector.shape_cast %swap3A_419 : vector<16xf32> to vector<16xf32>
      %swap3A_421 = vector.shape_cast %select_n3A_417 : vector<16xf32> to vector<16xf32>
      tpu.vector_store %arg19[%swap3A_418], %swap3A_421 {strides = array<i32>} : memref<64xf32, #tpu.memory_space<vmem>>, vector<16xf32>,
      %get3A_422 = arith.constant 32 : index
      %get3A_423 = tpu.vector_load %arg14[%get3A_422] {strides = array<i32>} : memref<64xi32, #tpu.memory_space<vmem>>, vector<16xi32>,
      %get3A_424 = vector.shape_cast %get3A_423 : vector<16xi32> to vector<16xi32>
      %get3A_425 = arith.constant 32 : index
      %get3A_426 = tpu.vector_load %arg15[%get3A_425] {strides = array<i32>} : memref<64xi32, #tpu.memory_space<vmem>>, vector<16xi32>,
      %get3A_427 = vector.shape_cast %get3A_426 : vector<16xi32> to vector<16xi32>
      %broadcast_in_dim3A_428 = arith.constant 0.000000e+00 : f32
      %broadcast_in_dim3A_429 = vector.broadcast %broadcast_in_dim3A_428 : f32 to vector<16xf32>
      %broadcast_in_dim3A_430 = arith.constant 0.000000e+00 : f32
      %broadcast_in_dim3A_431 = vector.broadcast %broadcast_in_dim3A_430 : f32 to vector<16xf32>
      %get3A_432 = arith.constant 0 : index
      %get3A_433 = tpu.vector_load %arg14[%get3A_432] {strides = array<i32>} : memref<64xi32, #tpu.memory_space<vmem>>, vector<16xi32>,
      %get3A_434 = vector.shape_cast %get3A_433 : vector<16xi32> to vector<16xi32>
      %get3A_435 = arith.constant 0 : index
      %get3A_436 = tpu.vector_load %arg15[%get3A_435] {strides = array<i32>} : memref<64xi32, #tpu.memory_space<vmem>>, vector<16xi32>,
      %get3A_437 = vector.shape_cast %get3A_436 : vector<16xi32> to vector<16xi32>
      %scan3A_438 = arith.constant 0 : i32
      %scan3A_439 = arith.constant 16 : i32
      %scan3A_440 = arith.addi %scan3A_438, %scan3A_439 : i32
      %scan3A_441 = arith.constant 1 : i32
      %scan3A_442:2 = scf.for %scan3A_1550 = %scan3A_438 to %scan3A_440 step %scan3A_441 iter_args(%scan3A_1551 = %broadcast_in_dim3A_429, %scan3A_1552 = %broadcast_in_dim3A_431) -> (vector<16xf32>, vector<16xf32>)  : i32 {
        %add3A_1553 = vector.broadcast %scan3A_1550 : i32 to vector<16xi32>
        %add3A_1554 = arith.addi %iota3A, %add3A_1553 : vector<16xi32>
        %and3A_1555 = arith.constant 15 : i32
        %and3A_1556 = vector.broadcast %and3A_1555 : i32 to vector<16xi32>
        %and3A_1557 = arith.andi %add3A_1554, %and3A_1556 : vector<16xi32>
        %broadcast_in_dim3A_1558 = vector.shape_cast %and3A_1557 : vector<16xi32> to vector<16x1xi32>
        %gather3A_1559 = vector.shape_cast %broadcast_in_dim3A_1558 : vector<16x1xi32> to vector<16xi32>
        %gather3A_1560 = tpu.dynamic_gather %get3A_434[%gather3A_1559] in [0] : vector<16xi32>, vector<16xi32> -> vector<16xi32>
        %broadcast_in_dim3A_1561 = vector.shape_cast %and3A_1557 : vector<16xi32> to vector<16x1xi32>
        %gather3A_1562 = vector.shape_cast %broadcast_in_dim3A_1561 : vector<16x1xi32> to vector<16xi32>
        %gather3A_1563 = tpu.dynamic_gather %get3A_437[%gather3A_1562] in [0] : vector<16xi32>, vector<16xi32> -> vector<16xi32>
        %eq3A_1564 = arith.cmpi eq, %get3A_424, %gather3A_1560 : vector<16xi32>
        %jit3A_1565 = arith.constant 1.000000e+00 : f32
        %jit3A_1566 = arith.constant 0.000000e+00 : f32
        %broadcast_in_dim3A_1567 = vector.broadcast %jit3A_1565 : f32 to vector<16xf32>
        %broadcast_in_dim3A_1568 = vector.broadcast %jit3A_1566 : f32 to vector<16xf32>
        %select_n3A_1569 = arith.select %eq3A_1564, %broadcast_in_dim3A_1567, %broadcast_in_dim3A_1568 : vector<16xi1>, vector<16xf32>
        %add3A_1570 = arith.addf %scan3A_1551, %select_n3A_1569 : vector<16xf32>
        %eq3A_1571 = arith.cmpi eq, %get3A_427, %gather3A_1563 : vector<16xi32>
        %jit3A_1572 = arith.constant 1.000000e+00 : f32
        %jit3A_1573 = arith.constant 0.000000e+00 : f32
        %broadcast_in_dim3A_1574 = vector.broadcast %jit3A_1572 : f32 to vector<16xf32>
        %broadcast_in_dim3A_1575 = vector.broadcast %jit3A_1573 : f32 to vector<16xf32>
        %select_n3A_1576 = arith.select %eq3A_1571, %broadcast_in_dim3A_1574, %broadcast_in_dim3A_1575 : vector<16xi1>, vector<16xf32>
        %add3A_1577 = arith.addf %scan3A_1552, %select_n3A_1576 : vector<16xf32>
        scf.yield %add3A_1570, %add3A_1577 : vector<16xf32>, vector<16xf32>
      }
      %scan3A_443 = arith.constant 16 : i32
      %get3A_444 = arith.constant 16 : index
      %get3A_445 = tpu.vector_load %arg14[%get3A_444] {strides = array<i32>} : memref<64xi32, #tpu.memory_space<vmem>>, vector<16xi32>,
      %get3A_446 = vector.shape_cast %get3A_445 : vector<16xi32> to vector<16xi32>
      %get3A_447 = arith.constant 16 : index
      %get3A_448 = tpu.vector_load %arg15[%get3A_447] {strides = array<i32>} : memref<64xi32, #tpu.memory_space<vmem>>, vector<16xi32>,
      %get3A_449 = vector.shape_cast %get3A_448 : vector<16xi32> to vector<16xi32>
      %scan3A_450 = arith.constant 0 : i32
      %scan3A_451 = arith.constant 16 : i32
      %scan3A_452 = arith.addi %scan3A_450, %scan3A_451 : i32
      %scan3A_453 = arith.constant 1 : i32
      %scan3A_454:2 = scf.for %scan3A_1550 = %scan3A_450 to %scan3A_452 step %scan3A_453 iter_args(%scan3A_1551 = %scan3A_442#0, %scan3A_1552 = %scan3A_442#1) -> (vector<16xf32>, vector<16xf32>)  : i32 {
        %add3A_1553 = vector.broadcast %scan3A_1550 : i32 to vector<16xi32>
        %add3A_1554 = arith.addi %iota3A, %add3A_1553 : vector<16xi32>
        %and3A_1555 = arith.constant 15 : i32
        %and3A_1556 = vector.broadcast %and3A_1555 : i32 to vector<16xi32>
        %and3A_1557 = arith.andi %add3A_1554, %and3A_1556 : vector<16xi32>
        %broadcast_in_dim3A_1558 = vector.shape_cast %and3A_1557 : vector<16xi32> to vector<16x1xi32>
        %gather3A_1559 = vector.shape_cast %broadcast_in_dim3A_1558 : vector<16x1xi32> to vector<16xi32>
        %gather3A_1560 = tpu.dynamic_gather %get3A_446[%gather3A_1559] in [0] : vector<16xi32>, vector<16xi32> -> vector<16xi32>
        %broadcast_in_dim3A_1561 = vector.shape_cast %and3A_1557 : vector<16xi32> to vector<16x1xi32>
        %gather3A_1562 = vector.shape_cast %broadcast_in_dim3A_1561 : vector<16x1xi32> to vector<16xi32>
        %gather3A_1563 = tpu.dynamic_gather %get3A_449[%gather3A_1562] in [0] : vector<16xi32>, vector<16xi32> -> vector<16xi32>
        %eq3A_1564 = arith.cmpi eq, %get3A_424, %gather3A_1560 : vector<16xi32>
        %jit3A_1565 = arith.constant 1.000000e+00 : f32
        %jit3A_1566 = arith.constant 0.000000e+00 : f32
        %broadcast_in_dim3A_1567 = vector.broadcast %jit3A_1565 : f32 to vector<16xf32>
        %broadcast_in_dim3A_1568 = vector.broadcast %jit3A_1566 : f32 to vector<16xf32>
        %select_n3A_1569 = arith.select %eq3A_1564, %broadcast_in_dim3A_1567, %broadcast_in_dim3A_1568 : vector<16xi1>, vector<16xf32>
        %add3A_1570 = arith.addf %scan3A_1551, %select_n3A_1569 : vector<16xf32>
        %eq3A_1571 = arith.cmpi eq, %get3A_427, %gather3A_1563 : vector<16xi32>
        %jit3A_1572 = arith.constant 1.000000e+00 : f32
        %jit3A_1573 = arith.constant 0.000000e+00 : f32
        %broadcast_in_dim3A_1574 = vector.broadcast %jit3A_1572 : f32 to vector<16xf32>
        %broadcast_in_dim3A_1575 = vector.broadcast %jit3A_1573 : f32 to vector<16xf32>
        %select_n3A_1576 = arith.select %eq3A_1571, %broadcast_in_dim3A_1574, %broadcast_in_dim3A_1575 : vector<16xi1>, vector<16xf32>
        %add3A_1577 = arith.addf %scan3A_1552, %select_n3A_1576 : vector<16xf32>
        scf.yield %add3A_1570, %add3A_1577 : vector<16xf32>, vector<16xf32>
      }
      %scan3A_455 = arith.constant 16 : i32
      %get3A_456 = arith.constant 32 : index
      %get3A_457 = tpu.vector_load %arg14[%get3A_456] {strides = array<i32>} : memref<64xi32, #tpu.memory_space<vmem>>, vector<16xi32>,
      %get3A_458 = vector.shape_cast %get3A_457 : vector<16xi32> to vector<16xi32>
      %get3A_459 = arith.constant 32 : index
      %get3A_460 = tpu.vector_load %arg15[%get3A_459] {strides = array<i32>} : memref<64xi32, #tpu.memory_space<vmem>>, vector<16xi32>,
      %get3A_461 = vector.shape_cast %get3A_460 : vector<16xi32> to vector<16xi32>
      %scan3A_462 = arith.constant 0 : i32
      %scan3A_463 = arith.constant 16 : i32
      %scan3A_464 = arith.addi %scan3A_462, %scan3A_463 : i32
      %scan3A_465 = arith.constant 1 : i32
      %scan3A_466:2 = scf.for %scan3A_1550 = %scan3A_462 to %scan3A_464 step %scan3A_465 iter_args(%scan3A_1551 = %scan3A_454#0, %scan3A_1552 = %scan3A_454#1) -> (vector<16xf32>, vector<16xf32>)  : i32 {
        %add3A_1553 = vector.broadcast %scan3A_1550 : i32 to vector<16xi32>
        %add3A_1554 = arith.addi %iota3A, %add3A_1553 : vector<16xi32>
        %and3A_1555 = arith.constant 15 : i32
        %and3A_1556 = vector.broadcast %and3A_1555 : i32 to vector<16xi32>
        %and3A_1557 = arith.andi %add3A_1554, %and3A_1556 : vector<16xi32>
        %broadcast_in_dim3A_1558 = vector.shape_cast %and3A_1557 : vector<16xi32> to vector<16x1xi32>
        %gather3A_1559 = vector.shape_cast %broadcast_in_dim3A_1558 : vector<16x1xi32> to vector<16xi32>
        %gather3A_1560 = tpu.dynamic_gather %get3A_458[%gather3A_1559] in [0] : vector<16xi32>, vector<16xi32> -> vector<16xi32>
        %broadcast_in_dim3A_1561 = vector.shape_cast %and3A_1557 : vector<16xi32> to vector<16x1xi32>
        %gather3A_1562 = vector.shape_cast %broadcast_in_dim3A_1561 : vector<16x1xi32> to vector<16xi32>
        %gather3A_1563 = tpu.dynamic_gather %get3A_461[%gather3A_1562] in [0] : vector<16xi32>, vector<16xi32> -> vector<16xi32>
        %eq3A_1564 = arith.cmpi eq, %get3A_424, %gather3A_1560 : vector<16xi32>
        %jit3A_1565 = arith.constant 1.000000e+00 : f32
        %jit3A_1566 = arith.constant 0.000000e+00 : f32
        %broadcast_in_dim3A_1567 = vector.broadcast %jit3A_1565 : f32 to vector<16xf32>
        %broadcast_in_dim3A_1568 = vector.broadcast %jit3A_1566 : f32 to vector<16xf32>
        %select_n3A_1569 = arith.select %eq3A_1564, %broadcast_in_dim3A_1567, %broadcast_in_dim3A_1568 : vector<16xi1>, vector<16xf32>
        %add3A_1570 = arith.addf %scan3A_1551, %select_n3A_1569 : vector<16xf32>
        %eq3A_1571 = arith.cmpi eq, %get3A_427, %gather3A_1563 : vector<16xi32>
        %jit3A_1572 = arith.constant 1.000000e+00 : f32
        %jit3A_1573 = arith.constant 0.000000e+00 : f32
        %broadcast_in_dim3A_1574 = vector.broadcast %jit3A_1572 : f32 to vector<16xf32>
        %broadcast_in_dim3A_1575 = vector.broadcast %jit3A_1573 : f32 to vector<16xf32>
        %select_n3A_1576 = arith.select %eq3A_1571, %broadcast_in_dim3A_1574, %broadcast_in_dim3A_1575 : vector<16xi1>, vector<16xf32>
        %add3A_1577 = arith.addf %scan3A_1552, %select_n3A_1576 : vector<16xf32>
        scf.yield %add3A_1570, %add3A_1577 : vector<16xf32>, vector<16xf32>
      }
      %scan3A_467 = arith.constant 16 : i32
      %get3A_468 = arith.constant 48 : index
      %get3A_469 = tpu.vector_load %arg14[%get3A_468] {strides = array<i32>} : memref<64xi32, #tpu.memory_space<vmem>>, vector<16xi32>,
      %get3A_470 = vector.shape_cast %get3A_469 : vector<16xi32> to vector<16xi32>
      %get3A_471 = arith.constant 48 : index
      %get3A_472 = tpu.vector_load %arg15[%get3A_471] {strides = array<i32>} : memref<64xi32, #tpu.memory_space<vmem>>, vector<16xi32>,
      %get3A_473 = vector.shape_cast %get3A_472 : vector<16xi32> to vector<16xi32>
      %scan3A_474 = arith.constant 0 : i32
      %scan3A_475 = arith.constant 16 : i32
      %scan3A_476 = arith.addi %scan3A_474, %scan3A_475 : i32
      %scan3A_477 = arith.constant 1 : i32
      %scan3A_478:2 = scf.for %scan3A_1550 = %scan3A_474 to %scan3A_476 step %scan3A_477 iter_args(%scan3A_1551 = %scan3A_466#0, %scan3A_1552 = %scan3A_466#1) -> (vector<16xf32>, vector<16xf32>)  : i32 {
        %add3A_1553 = vector.broadcast %scan3A_1550 : i32 to vector<16xi32>
        %add3A_1554 = arith.addi %iota3A, %add3A_1553 : vector<16xi32>
        %and3A_1555 = arith.constant 15 : i32
        %and3A_1556 = vector.broadcast %and3A_1555 : i32 to vector<16xi32>
        %and3A_1557 = arith.andi %add3A_1554, %and3A_1556 : vector<16xi32>
        %broadcast_in_dim3A_1558 = vector.shape_cast %and3A_1557 : vector<16xi32> to vector<16x1xi32>
        %gather3A_1559 = vector.shape_cast %broadcast_in_dim3A_1558 : vector<16x1xi32> to vector<16xi32>
        %gather3A_1560 = tpu.dynamic_gather %get3A_470[%gather3A_1559] in [0] : vector<16xi32>, vector<16xi32> -> vector<16xi32>
        %broadcast_in_dim3A_1561 = vector.shape_cast %and3A_1557 : vector<16xi32> to vector<16x1xi32>
        %gather3A_1562 = vector.shape_cast %broadcast_in_dim3A_1561 : vector<16x1xi32> to vector<16xi32>
        %gather3A_1563 = tpu.dynamic_gather %get3A_473[%gather3A_1562] in [0] : vector<16xi32>, vector<16xi32> -> vector<16xi32>
        %eq3A_1564 = arith.cmpi eq, %get3A_424, %gather3A_1560 : vector<16xi32>
        %jit3A_1565 = arith.constant 1.000000e+00 : f32
        %jit3A_1566 = arith.constant 0.000000e+00 : f32
        %broadcast_in_dim3A_1567 = vector.broadcast %jit3A_1565 : f32 to vector<16xf32>
        %broadcast_in_dim3A_1568 = vector.broadcast %jit3A_1566 : f32 to vector<16xf32>
        %select_n3A_1569 = arith.select %eq3A_1564, %broadcast_in_dim3A_1567, %broadcast_in_dim3A_1568 : vector<16xi1>, vector<16xf32>
        %add3A_1570 = arith.addf %scan3A_1551, %select_n3A_1569 : vector<16xf32>
        %eq3A_1571 = arith.cmpi eq, %get3A_427, %gather3A_1563 : vector<16xi32>
        %jit3A_1572 = arith.constant 1.000000e+00 : f32
        %jit3A_1573 = arith.constant 0.000000e+00 : f32
        %broadcast_in_dim3A_1574 = vector.broadcast %jit3A_1572 : f32 to vector<16xf32>
        %broadcast_in_dim3A_1575 = vector.broadcast %jit3A_1573 : f32 to vector<16xf32>
        %select_n3A_1576 = arith.select %eq3A_1571, %broadcast_in_dim3A_1574, %broadcast_in_dim3A_1575 : vector<16xi1>, vector<16xf32>
        %add3A_1577 = arith.addf %scan3A_1552, %select_n3A_1576 : vector<16xf32>
        scf.yield %add3A_1570, %add3A_1577 : vector<16xf32>, vector<16xf32>
      }
      %scan3A_479 = arith.constant 16 : i32
      %add3A_480 = arith.constant 32 : i32
      %add3A_481 = vector.broadcast %add3A_480 : i32 to vector<16xi32>
      %add3A_482 = arith.addi %iota3A, %add3A_481 : vector<16xi32>
      %lt3A_483 = arith.constant 50 : i32
      %lt3A_484 = vector.broadcast %lt3A_483 : i32 to vector<16xi32>
      %lt3A_485 = arith.cmpi slt, %add3A_482, %lt3A_484 : vector<16xi32>
      %div3A_486 = arith.constant 1.000000e+00 : f32
      %div3A_487 = vector.broadcast %div3A_486 : f32 to vector<16xf32>
      %div3A_488 = arith.divf %div3A_487, %scan3A_478#0 : vector<16xf32>
      %jit3A_489 = arith.constant 0.000000e+00 : f32
      %broadcast_in_dim3A_490 = vector.broadcast %jit3A_489 : f32 to vector<16xf32>
      %select_n3A_491 = arith.select %lt3A_485, %div3A_488, %broadcast_in_dim3A_490 : vector<16xi1>, vector<16xf32>
      %swap3A_492 = arith.constant 32 : index
      %swap3A_493 = tpu.vector_load %arg18[%swap3A_492] {strides = array<i32>} : memref<64xf32, #tpu.memory_space<vmem>>, vector<16xf32>,
      %swap3A_494 = vector.shape_cast %swap3A_493 : vector<16xf32> to vector<16xf32>
      %swap3A_495 = vector.shape_cast %select_n3A_491 : vector<16xf32> to vector<16xf32>
      tpu.vector_store %arg18[%swap3A_492], %swap3A_495 {strides = array<i32>} : memref<64xf32, #tpu.memory_space<vmem>>, vector<16xf32>,
      %div3A_496 = arith.constant 1.000000e+00 : f32
      %div3A_497 = vector.broadcast %div3A_496 : f32 to vector<16xf32>
      %div3A_498 = arith.divf %div3A_497, %scan3A_478#1 : vector<16xf32>
      %jit3A_499 = arith.constant 0.000000e+00 : f32
      %broadcast_in_dim3A_500 = vector.broadcast %jit3A_499 : f32 to vector<16xf32>
      %select_n3A_501 = arith.select %lt3A_485, %div3A_498, %broadcast_in_dim3A_500 : vector<16xi1>, vector<16xf32>
      %swap3A_502 = arith.constant 32 : index
      %swap3A_503 = tpu.vector_load %arg19[%swap3A_502] {strides = array<i32>} : memref<64xf32, #tpu.memory_space<vmem>>, vector<16xf32>,
      %swap3A_504 = vector.shape_cast %swap3A_503 : vector<16xf32> to vector<16xf32>
      %swap3A_505 = vector.shape_cast %select_n3A_501 : vector<16xf32> to vector<16xf32>
      tpu.vector_store %arg19[%swap3A_502], %swap3A_505 {strides = array<i32>} : memref<64xf32, #tpu.memory_space<vmem>>, vector<16xf32>,
      %get3A_506 = arith.constant 48 : index
      %get3A_507 = tpu.vector_load %arg14[%get3A_506] {strides = array<i32>} : memref<64xi32, #tpu.memory_space<vmem>>, vector<16xi32>,
      %get3A_508 = vector.shape_cast %get3A_507 : vector<16xi32> to vector<16xi32>
      %get3A_509 = arith.constant 48 : index
      %get3A_510 = tpu.vector_load %arg15[%get3A_509] {strides = array<i32>} : memref<64xi32, #tpu.memory_space<vmem>>, vector<16xi32>,
      %get3A_511 = vector.shape_cast %get3A_510 : vector<16xi32> to vector<16xi32>
      %broadcast_in_dim3A_512 = arith.constant 0.000000e+00 : f32
      %broadcast_in_dim3A_513 = vector.broadcast %broadcast_in_dim3A_512 : f32 to vector<16xf32>
      %broadcast_in_dim3A_514 = arith.constant 0.000000e+00 : f32
      %broadcast_in_dim3A_515 = vector.broadcast %broadcast_in_dim3A_514 : f32 to vector<16xf32>
      %get3A_516 = arith.constant 0 : index
      %get3A_517 = tpu.vector_load %arg14[%get3A_516] {strides = array<i32>} : memref<64xi32, #tpu.memory_space<vmem>>, vector<16xi32>,
      %get3A_518 = vector.shape_cast %get3A_517 : vector<16xi32> to vector<16xi32>
      %get3A_519 = arith.constant 0 : index
      %get3A_520 = tpu.vector_load %arg15[%get3A_519] {strides = array<i32>} : memref<64xi32, #tpu.memory_space<vmem>>, vector<16xi32>,
      %get3A_521 = vector.shape_cast %get3A_520 : vector<16xi32> to vector<16xi32>
      %scan3A_522 = arith.constant 0 : i32
      %scan3A_523 = arith.constant 16 : i32
      %scan3A_524 = arith.addi %scan3A_522, %scan3A_523 : i32
      %scan3A_525 = arith.constant 1 : i32
      %scan3A_526:2 = scf.for %scan3A_1550 = %scan3A_522 to %scan3A_524 step %scan3A_525 iter_args(%scan3A_1551 = %broadcast_in_dim3A_513, %scan3A_1552 = %broadcast_in_dim3A_515) -> (vector<16xf32>, vector<16xf32>)  : i32 {
        %add3A_1553 = vector.broadcast %scan3A_1550 : i32 to vector<16xi32>
        %add3A_1554 = arith.addi %iota3A, %add3A_1553 : vector<16xi32>
        %and3A_1555 = arith.constant 15 : i32
        %and3A_1556 = vector.broadcast %and3A_1555 : i32 to vector<16xi32>
        %and3A_1557 = arith.andi %add3A_1554, %and3A_1556 : vector<16xi32>
        %broadcast_in_dim3A_1558 = vector.shape_cast %and3A_1557 : vector<16xi32> to vector<16x1xi32>
        %gather3A_1559 = vector.shape_cast %broadcast_in_dim3A_1558 : vector<16x1xi32> to vector<16xi32>
        %gather3A_1560 = tpu.dynamic_gather %get3A_518[%gather3A_1559] in [0] : vector<16xi32>, vector<16xi32> -> vector<16xi32>
        %broadcast_in_dim3A_1561 = vector.shape_cast %and3A_1557 : vector<16xi32> to vector<16x1xi32>
        %gather3A_1562 = vector.shape_cast %broadcast_in_dim3A_1561 : vector<16x1xi32> to vector<16xi32>
        %gather3A_1563 = tpu.dynamic_gather %get3A_521[%gather3A_1562] in [0] : vector<16xi32>, vector<16xi32> -> vector<16xi32>
        %eq3A_1564 = arith.cmpi eq, %get3A_508, %gather3A_1560 : vector<16xi32>
        %jit3A_1565 = arith.constant 1.000000e+00 : f32
        %jit3A_1566 = arith.constant 0.000000e+00 : f32
        %broadcast_in_dim3A_1567 = vector.broadcast %jit3A_1565 : f32 to vector<16xf32>
        %broadcast_in_dim3A_1568 = vector.broadcast %jit3A_1566 : f32 to vector<16xf32>
        %select_n3A_1569 = arith.select %eq3A_1564, %broadcast_in_dim3A_1567, %broadcast_in_dim3A_1568 : vector<16xi1>, vector<16xf32>
        %add3A_1570 = arith.addf %scan3A_1551, %select_n3A_1569 : vector<16xf32>
        %eq3A_1571 = arith.cmpi eq, %get3A_511, %gather3A_1563 : vector<16xi32>
        %jit3A_1572 = arith.constant 1.000000e+00 : f32
        %jit3A_1573 = arith.constant 0.000000e+00 : f32
        %broadcast_in_dim3A_1574 = vector.broadcast %jit3A_1572 : f32 to vector<16xf32>
        %broadcast_in_dim3A_1575 = vector.broadcast %jit3A_1573 : f32 to vector<16xf32>
        %select_n3A_1576 = arith.select %eq3A_1571, %broadcast_in_dim3A_1574, %broadcast_in_dim3A_1575 : vector<16xi1>, vector<16xf32>
        %add3A_1577 = arith.addf %scan3A_1552, %select_n3A_1576 : vector<16xf32>
        scf.yield %add3A_1570, %add3A_1577 : vector<16xf32>, vector<16xf32>
      }
      %scan3A_527 = arith.constant 16 : i32
      %get3A_528 = arith.constant 16 : index
      %get3A_529 = tpu.vector_load %arg14[%get3A_528] {strides = array<i32>} : memref<64xi32, #tpu.memory_space<vmem>>, vector<16xi32>,
      %get3A_530 = vector.shape_cast %get3A_529 : vector<16xi32> to vector<16xi32>
      %get3A_531 = arith.constant 16 : index
      %get3A_532 = tpu.vector_load %arg15[%get3A_531] {strides = array<i32>} : memref<64xi32, #tpu.memory_space<vmem>>, vector<16xi32>,
      %get3A_533 = vector.shape_cast %get3A_532 : vector<16xi32> to vector<16xi32>
      %scan3A_534 = arith.constant 0 : i32
      %scan3A_535 = arith.constant 16 : i32
      %scan3A_536 = arith.addi %scan3A_534, %scan3A_535 : i32
      %scan3A_537 = arith.constant 1 : i32
      %scan3A_538:2 = scf.for %scan3A_1550 = %scan3A_534 to %scan3A_536 step %scan3A_537 iter_args(%scan3A_1551 = %scan3A_526#0, %scan3A_1552 = %scan3A_526#1) -> (vector<16xf32>, vector<16xf32>)  : i32 {
        %add3A_1553 = vector.broadcast %scan3A_1550 : i32 to vector<16xi32>
        %add3A_1554 = arith.addi %iota3A, %add3A_1553 : vector<16xi32>
        %and3A_1555 = arith.constant 15 : i32
        %and3A_1556 = vector.broadcast %and3A_1555 : i32 to vector<16xi32>
        %and3A_1557 = arith.andi %add3A_1554, %and3A_1556 : vector<16xi32>
        %broadcast_in_dim3A_1558 = vector.shape_cast %and3A_1557 : vector<16xi32> to vector<16x1xi32>
        %gather3A_1559 = vector.shape_cast %broadcast_in_dim3A_1558 : vector<16x1xi32> to vector<16xi32>
        %gather3A_1560 = tpu.dynamic_gather %get3A_530[%gather3A_1559] in [0] : vector<16xi32>, vector<16xi32> -> vector<16xi32>
        %broadcast_in_dim3A_1561 = vector.shape_cast %and3A_1557 : vector<16xi32> to vector<16x1xi32>
        %gather3A_1562 = vector.shape_cast %broadcast_in_dim3A_1561 : vector<16x1xi32> to vector<16xi32>
        %gather3A_1563 = tpu.dynamic_gather %get3A_533[%gather3A_1562] in [0] : vector<16xi32>, vector<16xi32> -> vector<16xi32>
        %eq3A_1564 = arith.cmpi eq, %get3A_508, %gather3A_1560 : vector<16xi32>
        %jit3A_1565 = arith.constant 1.000000e+00 : f32
        %jit3A_1566 = arith.constant 0.000000e+00 : f32
        %broadcast_in_dim3A_1567 = vector.broadcast %jit3A_1565 : f32 to vector<16xf32>
        %broadcast_in_dim3A_1568 = vector.broadcast %jit3A_1566 : f32 to vector<16xf32>
        %select_n3A_1569 = arith.select %eq3A_1564, %broadcast_in_dim3A_1567, %broadcast_in_dim3A_1568 : vector<16xi1>, vector<16xf32>
        %add3A_1570 = arith.addf %scan3A_1551, %select_n3A_1569 : vector<16xf32>
        %eq3A_1571 = arith.cmpi eq, %get3A_511, %gather3A_1563 : vector<16xi32>
        %jit3A_1572 = arith.constant 1.000000e+00 : f32
        %jit3A_1573 = arith.constant 0.000000e+00 : f32
        %broadcast_in_dim3A_1574 = vector.broadcast %jit3A_1572 : f32 to vector<16xf32>
        %broadcast_in_dim3A_1575 = vector.broadcast %jit3A_1573 : f32 to vector<16xf32>
        %select_n3A_1576 = arith.select %eq3A_1571, %broadcast_in_dim3A_1574, %broadcast_in_dim3A_1575 : vector<16xi1>, vector<16xf32>
        %add3A_1577 = arith.addf %scan3A_1552, %select_n3A_1576 : vector<16xf32>
        scf.yield %add3A_1570, %add3A_1577 : vector<16xf32>, vector<16xf32>
      }
      %scan3A_539 = arith.constant 16 : i32
      %get3A_540 = arith.constant 32 : index
      %get3A_541 = tpu.vector_load %arg14[%get3A_540] {strides = array<i32>} : memref<64xi32, #tpu.memory_space<vmem>>, vector<16xi32>,
      %get3A_542 = vector.shape_cast %get3A_541 : vector<16xi32> to vector<16xi32>
      %get3A_543 = arith.constant 32 : index
      %get3A_544 = tpu.vector_load %arg15[%get3A_543] {strides = array<i32>} : memref<64xi32, #tpu.memory_space<vmem>>, vector<16xi32>,
      %get3A_545 = vector.shape_cast %get3A_544 : vector<16xi32> to vector<16xi32>
      %scan3A_546 = arith.constant 0 : i32
      %scan3A_547 = arith.constant 16 : i32
      %scan3A_548 = arith.addi %scan3A_546, %scan3A_547 : i32
      %scan3A_549 = arith.constant 1 : i32
      %scan3A_550:2 = scf.for %scan3A_1550 = %scan3A_546 to %scan3A_548 step %scan3A_549 iter_args(%scan3A_1551 = %scan3A_538#0, %scan3A_1552 = %scan3A_538#1) -> (vector<16xf32>, vector<16xf32>)  : i32 {
        %add3A_1553 = vector.broadcast %scan3A_1550 : i32 to vector<16xi32>
        %add3A_1554 = arith.addi %iota3A, %add3A_1553 : vector<16xi32>
        %and3A_1555 = arith.constant 15 : i32
        %and3A_1556 = vector.broadcast %and3A_1555 : i32 to vector<16xi32>
        %and3A_1557 = arith.andi %add3A_1554, %and3A_1556 : vector<16xi32>
        %broadcast_in_dim3A_1558 = vector.shape_cast %and3A_1557 : vector<16xi32> to vector<16x1xi32>
        %gather3A_1559 = vector.shape_cast %broadcast_in_dim3A_1558 : vector<16x1xi32> to vector<16xi32>
        %gather3A_1560 = tpu.dynamic_gather %get3A_542[%gather3A_1559] in [0] : vector<16xi32>, vector<16xi32> -> vector<16xi32>
        %broadcast_in_dim3A_1561 = vector.shape_cast %and3A_1557 : vector<16xi32> to vector<16x1xi32>
        %gather3A_1562 = vector.shape_cast %broadcast_in_dim3A_1561 : vector<16x1xi32> to vector<16xi32>
        %gather3A_1563 = tpu.dynamic_gather %get3A_545[%gather3A_1562] in [0] : vector<16xi32>, vector<16xi32> -> vector<16xi32>
        %eq3A_1564 = arith.cmpi eq, %get3A_508, %gather3A_1560 : vector<16xi32>
        %jit3A_1565 = arith.constant 1.000000e+00 : f32
        %jit3A_1566 = arith.constant 0.000000e+00 : f32
        %broadcast_in_dim3A_1567 = vector.broadcast %jit3A_1565 : f32 to vector<16xf32>
        %broadcast_in_dim3A_1568 = vector.broadcast %jit3A_1566 : f32 to vector<16xf32>
        %select_n3A_1569 = arith.select %eq3A_1564, %broadcast_in_dim3A_1567, %broadcast_in_dim3A_1568 : vector<16xi1>, vector<16xf32>
        %add3A_1570 = arith.addf %scan3A_1551, %select_n3A_1569 : vector<16xf32>
        %eq3A_1571 = arith.cmpi eq, %get3A_511, %gather3A_1563 : vector<16xi32>
        %jit3A_1572 = arith.constant 1.000000e+00 : f32
        %jit3A_1573 = arith.constant 0.000000e+00 : f32
        %broadcast_in_dim3A_1574 = vector.broadcast %jit3A_1572 : f32 to vector<16xf32>
        %broadcast_in_dim3A_1575 = vector.broadcast %jit3A_1573 : f32 to vector<16xf32>
        %select_n3A_1576 = arith.select %eq3A_1571, %broadcast_in_dim3A_1574, %broadcast_in_dim3A_1575 : vector<16xi1>, vector<16xf32>
        %add3A_1577 = arith.addf %scan3A_1552, %select_n3A_1576 : vector<16xf32>
        scf.yield %add3A_1570, %add3A_1577 : vector<16xf32>, vector<16xf32>
      }
      %scan3A_551 = arith.constant 16 : i32
      %get3A_552 = arith.constant 48 : index
      %get3A_553 = tpu.vector_load %arg14[%get3A_552] {strides = array<i32>} : memref<64xi32, #tpu.memory_space<vmem>>, vector<16xi32>,
      %get3A_554 = vector.shape_cast %get3A_553 : vector<16xi32> to vector<16xi32>
      %get3A_555 = arith.constant 48 : index
      %get3A_556 = tpu.vector_load %arg15[%get3A_555] {strides = array<i32>} : memref<64xi32, #tpu.memory_space<vmem>>, vector<16xi32>,
      %get3A_557 = vector.shape_cast %get3A_556 : vector<16xi32> to vector<16xi32>
      %scan3A_558 = arith.constant 0 : i32
      %scan3A_559 = arith.constant 16 : i32
      %scan3A_560 = arith.addi %scan3A_558, %scan3A_559 : i32
      %scan3A_561 = arith.constant 1 : i32
      %scan3A_562:2 = scf.for %scan3A_1550 = %scan3A_558 to %scan3A_560 step %scan3A_561 iter_args(%scan3A_1551 = %scan3A_550#0, %scan3A_1552 = %scan3A_550#1) -> (vector<16xf32>, vector<16xf32>)  : i32 {
        %add3A_1553 = vector.broadcast %scan3A_1550 : i32 to vector<16xi32>
        %add3A_1554 = arith.addi %iota3A, %add3A_1553 : vector<16xi32>
        %and3A_1555 = arith.constant 15 : i32
        %and3A_1556 = vector.broadcast %and3A_1555 : i32 to vector<16xi32>
        %and3A_1557 = arith.andi %add3A_1554, %and3A_1556 : vector<16xi32>
        %broadcast_in_dim3A_1558 = vector.shape_cast %and3A_1557 : vector<16xi32> to vector<16x1xi32>
        %gather3A_1559 = vector.shape_cast %broadcast_in_dim3A_1558 : vector<16x1xi32> to vector<16xi32>
        %gather3A_1560 = tpu.dynamic_gather %get3A_554[%gather3A_1559] in [0] : vector<16xi32>, vector<16xi32> -> vector<16xi32>
        %broadcast_in_dim3A_1561 = vector.shape_cast %and3A_1557 : vector<16xi32> to vector<16x1xi32>
        %gather3A_1562 = vector.shape_cast %broadcast_in_dim3A_1561 : vector<16x1xi32> to vector<16xi32>
        %gather3A_1563 = tpu.dynamic_gather %get3A_557[%gather3A_1562] in [0] : vector<16xi32>, vector<16xi32> -> vector<16xi32>
        %eq3A_1564 = arith.cmpi eq, %get3A_508, %gather3A_1560 : vector<16xi32>
        %jit3A_1565 = arith.constant 1.000000e+00 : f32
        %jit3A_1566 = arith.constant 0.000000e+00 : f32
        %broadcast_in_dim3A_1567 = vector.broadcast %jit3A_1565 : f32 to vector<16xf32>
        %broadcast_in_dim3A_1568 = vector.broadcast %jit3A_1566 : f32 to vector<16xf32>
        %select_n3A_1569 = arith.select %eq3A_1564, %broadcast_in_dim3A_1567, %broadcast_in_dim3A_1568 : vector<16xi1>, vector<16xf32>
        %add3A_1570 = arith.addf %scan3A_1551, %select_n3A_1569 : vector<16xf32>
        %eq3A_1571 = arith.cmpi eq, %get3A_511, %gather3A_1563 : vector<16xi32>
        %jit3A_1572 = arith.constant 1.000000e+00 : f32
        %jit3A_1573 = arith.constant 0.000000e+00 : f32
        %broadcast_in_dim3A_1574 = vector.broadcast %jit3A_1572 : f32 to vector<16xf32>
        %broadcast_in_dim3A_1575 = vector.broadcast %jit3A_1573 : f32 to vector<16xf32>
        %select_n3A_1576 = arith.select %eq3A_1571, %broadcast_in_dim3A_1574, %broadcast_in_dim3A_1575 : vector<16xi1>, vector<16xf32>
        %add3A_1577 = arith.addf %scan3A_1552, %select_n3A_1576 : vector<16xf32>
        scf.yield %add3A_1570, %add3A_1577 : vector<16xf32>, vector<16xf32>
      }
      %scan3A_563 = arith.constant 16 : i32
      %add3A_564 = arith.constant 48 : i32
      %add3A_565 = vector.broadcast %add3A_564 : i32 to vector<16xi32>
      %add3A_566 = arith.addi %iota3A, %add3A_565 : vector<16xi32>
      %lt3A_567 = arith.constant 50 : i32
      %lt3A_568 = vector.broadcast %lt3A_567 : i32 to vector<16xi32>
      %lt3A_569 = arith.cmpi slt, %add3A_566, %lt3A_568 : vector<16xi32>
      %div3A_570 = arith.constant 1.000000e+00 : f32
      %div3A_571 = vector.broadcast %div3A_570 : f32 to vector<16xf32>
      %div3A_572 = arith.divf %div3A_571, %scan3A_562#0 : vector<16xf32>
      %jit3A_573 = arith.constant 0.000000e+00 : f32
      %broadcast_in_dim3A_574 = vector.broadcast %jit3A_573 : f32 to vector<16xf32>
      %select_n3A_575 = arith.select %lt3A_569, %div3A_572, %broadcast_in_dim3A_574 : vector<16xi1>, vector<16xf32>
      %swap3A_576 = arith.constant 48 : index
      %swap3A_577 = tpu.vector_load %arg18[%swap3A_576] {strides = array<i32>} : memref<64xf32, #tpu.memory_space<vmem>>, vector<16xf32>,
      %swap3A_578 = vector.shape_cast %swap3A_577 : vector<16xf32> to vector<16xf32>
      %swap3A_579 = vector.shape_cast %select_n3A_575 : vector<16xf32> to vector<16xf32>
      tpu.vector_store %arg18[%swap3A_576], %swap3A_579 {strides = array<i32>} : memref<64xf32, #tpu.memory_space<vmem>>, vector<16xf32>,
      %div3A_580 = arith.constant 1.000000e+00 : f32
      %div3A_581 = vector.broadcast %div3A_580 : f32 to vector<16xf32>
      %div3A_582 = arith.divf %div3A_581, %scan3A_562#1 : vector<16xf32>
      %jit3A_583 = arith.constant 0.000000e+00 : f32
      %broadcast_in_dim3A_584 = vector.broadcast %jit3A_583 : f32 to vector<16xf32>
      %select_n3A_585 = arith.select %lt3A_569, %div3A_582, %broadcast_in_dim3A_584 : vector<16xi1>, vector<16xf32>
      %swap3A_586 = arith.constant 48 : index
      %swap3A_587 = tpu.vector_load %arg19[%swap3A_586] {strides = array<i32>} : memref<64xf32, #tpu.memory_space<vmem>>, vector<16xf32>,
      %swap3A_588 = vector.shape_cast %swap3A_587 : vector<16xf32> to vector<16xf32>
      %swap3A_589 = vector.shape_cast %select_n3A_585 : vector<16xf32> to vector<16xf32>
      tpu.vector_store %arg19[%swap3A_586], %swap3A_589 {strides = array<i32>} : memref<64xf32, #tpu.memory_space<vmem>>, vector<16xf32>,
      %mul3A_590 = arith.constant 1392640 : i32
      %mul3A_591 = arith.muli %add3A, %mul3A_590 : i32
      %broadcast_in_dim3A_592 = arith.constant 0.000000e+00 : f32
      %broadcast_in_dim3A_593 = vector.broadcast %broadcast_in_dim3A_592 : f32 to vector<16xf32>
      %get3A_594 = arith.constant 0 : index
      %get3A_595 = tpu.vector_load %arg14[%get3A_594] {strides = array<i32>} : memref<64xi32, #tpu.memory_space<vmem>>, vector<16xi32>,
      %get3A_596 = vector.shape_cast %get3A_595 : vector<16xi32> to vector<16xi32>
      %min3A_597 = arith.constant 16383 : i32
      %min3A_598 = vector.broadcast %min3A_597 : i32 to vector<16xi32>
      %min3A_599 = arith.minsi %get3A_596, %min3A_598 : vector<16xi32>
      %add3A_600 = arith.constant 0 : i32
      %add3A_601 = arith.addi %mul3A_591, %add3A_600 : i32
      %add3A_602 = vector.broadcast %add3A_601 : i32 to vector<16xi32>
      %add3A_603 = arith.addi %add3A_602, %min3A_599 : vector<16xi32>
      %swap3A_604 = arith.constant 0 : index
      %swap3A_605 = tpu.vector_load %arg20[%swap3A_604] {strides = array<i32>} : memref<64xi32, #tpu.memory_space<vmem>>, vector<16xi32>,
      %swap3A_606 = vector.shape_cast %swap3A_605 : vector<16xi32> to vector<16xi32>
      %swap3A_607 = vector.shape_cast %add3A_603 : vector<16xi32> to vector<16xi32>
      tpu.vector_store %arg20[%swap3A_604], %swap3A_607 {strides = array<i32>} : memref<64xi32, #tpu.memory_space<vmem>>, vector<16xi32>,
      %get3A_608 = arith.constant 16 : index
      %get3A_609 = tpu.vector_load %arg14[%get3A_608] {strides = array<i32>} : memref<64xi32, #tpu.memory_space<vmem>>, vector<16xi32>,
      %get3A_610 = vector.shape_cast %get3A_609 : vector<16xi32> to vector<16xi32>
      %min3A_611 = arith.constant 16383 : i32
      %min3A_612 = vector.broadcast %min3A_611 : i32 to vector<16xi32>
      %min3A_613 = arith.minsi %get3A_610, %min3A_612 : vector<16xi32>
      %add3A_614 = arith.constant 0 : i32
      %add3A_615 = arith.addi %mul3A_591, %add3A_614 : i32
      %add3A_616 = vector.broadcast %add3A_615 : i32 to vector<16xi32>
      %add3A_617 = arith.addi %add3A_616, %min3A_613 : vector<16xi32>
      %swap3A_618 = arith.constant 16 : index
      %swap3A_619 = tpu.vector_load %arg20[%swap3A_618] {strides = array<i32>} : memref<64xi32, #tpu.memory_space<vmem>>, vector<16xi32>,
      %swap3A_620 = vector.shape_cast %swap3A_619 : vector<16xi32> to vector<16xi32>
      %swap3A_621 = vector.shape_cast %add3A_617 : vector<16xi32> to vector<16xi32>
      tpu.vector_store %arg20[%swap3A_618], %swap3A_621 {strides = array<i32>} : memref<64xi32, #tpu.memory_space<vmem>>, vector<16xi32>,
      %get3A_622 = arith.constant 32 : index
      %get3A_623 = tpu.vector_load %arg14[%get3A_622] {strides = array<i32>} : memref<64xi32, #tpu.memory_space<vmem>>, vector<16xi32>,
      %get3A_624 = vector.shape_cast %get3A_623 : vector<16xi32> to vector<16xi32>
      %min3A_625 = arith.constant 16383 : i32
      %min3A_626 = vector.broadcast %min3A_625 : i32 to vector<16xi32>
      %min3A_627 = arith.minsi %get3A_624, %min3A_626 : vector<16xi32>
      %add3A_628 = arith.constant 0 : i32
      %add3A_629 = arith.addi %mul3A_591, %add3A_628 : i32
      %add3A_630 = vector.broadcast %add3A_629 : i32 to vector<16xi32>
      %add3A_631 = arith.addi %add3A_630, %min3A_627 : vector<16xi32>
      %swap3A_632 = arith.constant 32 : index
      %swap3A_633 = tpu.vector_load %arg20[%swap3A_632] {strides = array<i32>} : memref<64xi32, #tpu.memory_space<vmem>>, vector<16xi32>,
      %swap3A_634 = vector.shape_cast %swap3A_633 : vector<16xi32> to vector<16xi32>
      %swap3A_635 = vector.shape_cast %add3A_631 : vector<16xi32> to vector<16xi32>
      tpu.vector_store %arg20[%swap3A_632], %swap3A_635 {strides = array<i32>} : memref<64xi32, #tpu.memory_space<vmem>>, vector<16xi32>,
      %get3A_636 = arith.constant 48 : index
      %get3A_637 = tpu.vector_load %arg14[%get3A_636] {strides = array<i32>} : memref<64xi32, #tpu.memory_space<vmem>>, vector<16xi32>,
      %get3A_638 = vector.shape_cast %get3A_637 : vector<16xi32> to vector<16xi32>
      %min3A_639 = arith.constant 16383 : i32
      %min3A_640 = vector.broadcast %min3A_639 : i32 to vector<16xi32>
      %min3A_641 = arith.minsi %get3A_638, %min3A_640 : vector<16xi32>
      %add3A_642 = arith.constant 0 : i32
      %add3A_643 = arith.addi %mul3A_591, %add3A_642 : i32
      %add3A_644 = vector.broadcast %add3A_643 : i32 to vector<16xi32>
      %add3A_645 = arith.addi %add3A_644, %min3A_641 : vector<16xi32>
      %swap3A_646 = arith.constant 48 : index
      %swap3A_647 = tpu.vector_load %arg20[%swap3A_646] {strides = array<i32>} : memref<64xi32, #tpu.memory_space<vmem>>, vector<16xi32>,
      %swap3A_648 = vector.shape_cast %swap3A_647 : vector<16xi32> to vector<16xi32>
      %swap3A_649 = vector.shape_cast %add3A_645 : vector<16xi32> to vector<16xi32>
      tpu.vector_store %arg20[%swap3A_646], %swap3A_649 {strides = array<i32>} : memref<64xi32, #tpu.memory_space<vmem>>, vector<16xi32>,
      %dma_start3A = arith.constant 0 : i32
      %dma_start3A_650 = tpu.memref_slice %arg2[%dma_start3A] : memref<11141120xf32, #tpu.memory_space<hbm>> -> memref<11141120xf32, #tpu.memory_space<hbm>>
      tpu.enqueue_indirect_dma source(%dma_start3A_650 : memref<11141120xf32, #tpu.memory_space<hbm>>) target(%arg21 : memref<64xf32, #tpu.memory_space<vmem>>) offsets(%arg20 : memref<64xi32, #tpu.memory_space<vmem>>) semaphore(%arg23 : memref<!tpu.dma_semaphore, #tpu.memory_space<semaphore_mem>>)
      %dma_wait3A = arith.constant 0 : i32
      %dma_wait3A_651 = tpu.memref_slice %arg2[%dma_wait3A] : memref<11141120xf32, #tpu.memory_space<hbm>> -> memref<11141120xf32, #tpu.memory_space<hbm>>
      tpu.wait_indirect_dma semaphore(%arg23 : memref<!tpu.dma_semaphore, #tpu.memory_space<semaphore_mem>>) src(%dma_wait3A_651 : memref<11141120xf32, #tpu.memory_space<hbm>>) dst(%arg21 : memref<64xf32, #tpu.memory_space<vmem>>)
      %get3A_652 = arith.constant 0 : index
      %get3A_653 = tpu.vector_load %arg21[%get3A_652] {strides = array<i32>} : memref<64xf32, #tpu.memory_space<vmem>>, vector<16xf32>,
      %get3A_654 = vector.shape_cast %get3A_653 : vector<16xf32> to vector<16xf32>
      %jit3A_655 = arith.constant -1.000000e+01 : f32
      %jit3A_656 = arith.constant 1.000000e+01 : f32
      %max3A = vector.broadcast %jit3A_655 : f32 to vector<16xf32>
      %max3A_657 = arith.maximumf %max3A, %get3A_654 : vector<16xf32>
      %min3A_658 = vector.broadcast %jit3A_656 : f32 to vector<16xf32>
      %min3A_659 = arith.minimumf %min3A_658, %max3A_657 : vector<16xf32>
      %get3A_660 = arith.constant 0 : index
      %get3A_661 = tpu.vector_load %arg16[%get3A_660] {strides = array<i32>} : memref<64xf32, #tpu.memory_space<vmem>>, vector<16xf32>,
      %get3A_662 = vector.shape_cast %get3A_661 : vector<16xf32> to vector<16xf32>
      %get3A_663 = arith.constant 0 : index
      %get3A_664 = tpu.vector_load %arg18[%get3A_663] {strides = array<i32>} : memref<64xf32, #tpu.memory_space<vmem>>, vector<16xf32>,
      %get3A_665 = vector.shape_cast %get3A_664 : vector<16xf32> to vector<16xf32>
      %mul3A_666 = arith.mulf %get3A_662, %get3A_662 : vector<16xf32>
      %mul3A_667 = arith.constant 2.000000e+00 : f32
      %mul3A_668 = vector.broadcast %mul3A_667 : f32 to vector<16xf32>
      %mul3A_669 = arith.mulf %mul3A_668, %min3A_659 : vector<16xf32>
      %mul3A_670 = arith.mulf %mul3A_669, %get3A_662 : vector<16xf32>
      %sub3A_671 = arith.subf %mul3A_666, %mul3A_670 : vector<16xf32>
      %mul3A_672 = arith.mulf %get3A_665, %sub3A_671 : vector<16xf32>
      %add3A_673 = arith.addf %broadcast_in_dim3A_593, %mul3A_672 : vector<16xf32>
      %get3A_674 = arith.constant 16 : index
      %get3A_675 = tpu.vector_load %arg21[%get3A_674] {strides = array<i32>} : memref<64xf32, #tpu.memory_space<vmem>>, vector<16xf32>,
      %get3A_676 = vector.shape_cast %get3A_675 : vector<16xf32> to vector<16xf32>
      %jit3A_677 = arith.constant -1.000000e+01 : f32
      %jit3A_678 = arith.constant 1.000000e+01 : f32
      %max3A_679 = vector.broadcast %jit3A_677 : f32 to vector<16xf32>
      %max3A_680 = arith.maximumf %max3A_679, %get3A_676 : vector<16xf32>
      %min3A_681 = vector.broadcast %jit3A_678 : f32 to vector<16xf32>
      %min3A_682 = arith.minimumf %min3A_681, %max3A_680 : vector<16xf32>
      %get3A_683 = arith.constant 16 : index
      %get3A_684 = tpu.vector_load %arg16[%get3A_683] {strides = array<i32>} : memref<64xf32, #tpu.memory_space<vmem>>, vector<16xf32>,
      %get3A_685 = vector.shape_cast %get3A_684 : vector<16xf32> to vector<16xf32>
      %get3A_686 = arith.constant 16 : index
      %get3A_687 = tpu.vector_load %arg18[%get3A_686] {strides = array<i32>} : memref<64xf32, #tpu.memory_space<vmem>>, vector<16xf32>,
      %get3A_688 = vector.shape_cast %get3A_687 : vector<16xf32> to vector<16xf32>
      %mul3A_689 = arith.mulf %get3A_685, %get3A_685 : vector<16xf32>
      %mul3A_690 = arith.constant 2.000000e+00 : f32
      %mul3A_691 = vector.broadcast %mul3A_690 : f32 to vector<16xf32>
      %mul3A_692 = arith.mulf %mul3A_691, %min3A_682 : vector<16xf32>
      %mul3A_693 = arith.mulf %mul3A_692, %get3A_685 : vector<16xf32>
      %sub3A_694 = arith.subf %mul3A_689, %mul3A_693 : vector<16xf32>
      %mul3A_695 = arith.mulf %get3A_688, %sub3A_694 : vector<16xf32>
      %add3A_696 = arith.addf %add3A_673, %mul3A_695 : vector<16xf32>
      %get3A_697 = arith.constant 32 : index
      %get3A_698 = tpu.vector_load %arg21[%get3A_697] {strides = array<i32>} : memref<64xf32, #tpu.memory_space<vmem>>, vector<16xf32>,
      %get3A_699 = vector.shape_cast %get3A_698 : vector<16xf32> to vector<16xf32>
      %jit3A_700 = arith.constant -1.000000e+01 : f32
      %jit3A_701 = arith.constant 1.000000e+01 : f32
      %max3A_702 = vector.broadcast %jit3A_700 : f32 to vector<16xf32>
      %max3A_703 = arith.maximumf %max3A_702, %get3A_699 : vector<16xf32>
      %min3A_704 = vector.broadcast %jit3A_701 : f32 to vector<16xf32>
      %min3A_705 = arith.minimumf %min3A_704, %max3A_703 : vector<16xf32>
      %get3A_706 = arith.constant 32 : index
      %get3A_707 = tpu.vector_load %arg16[%get3A_706] {strides = array<i32>} : memref<64xf32, #tpu.memory_space<vmem>>, vector<16xf32>,
      %get3A_708 = vector.shape_cast %get3A_707 : vector<16xf32> to vector<16xf32>
      %get3A_709 = arith.constant 32 : index
      %get3A_710 = tpu.vector_load %arg18[%get3A_709] {strides = array<i32>} : memref<64xf32, #tpu.memory_space<vmem>>, vector<16xf32>,
      %get3A_711 = vector.shape_cast %get3A_710 : vector<16xf32> to vector<16xf32>
      %mul3A_712 = arith.mulf %get3A_708, %get3A_708 : vector<16xf32>
      %mul3A_713 = arith.constant 2.000000e+00 : f32
      %mul3A_714 = vector.broadcast %mul3A_713 : f32 to vector<16xf32>
      %mul3A_715 = arith.mulf %mul3A_714, %min3A_705 : vector<16xf32>
      %mul3A_716 = arith.mulf %mul3A_715, %get3A_708 : vector<16xf32>
      %sub3A_717 = arith.subf %mul3A_712, %mul3A_716 : vector<16xf32>
      %mul3A_718 = arith.mulf %get3A_711, %sub3A_717 : vector<16xf32>
      %add3A_719 = arith.addf %add3A_696, %mul3A_718 : vector<16xf32>
      %get3A_720 = arith.constant 48 : index
      %get3A_721 = tpu.vector_load %arg21[%get3A_720] {strides = array<i32>} : memref<64xf32, #tpu.memory_space<vmem>>, vector<16xf32>,
      %get3A_722 = vector.shape_cast %get3A_721 : vector<16xf32> to vector<16xf32>
      %jit3A_723 = arith.constant -1.000000e+01 : f32
      %jit3A_724 = arith.constant 1.000000e+01 : f32
      %max3A_725 = vector.broadcast %jit3A_723 : f32 to vector<16xf32>
      %max3A_726 = arith.maximumf %max3A_725, %get3A_722 : vector<16xf32>
      %min3A_727 = vector.broadcast %jit3A_724 : f32 to vector<16xf32>
      %min3A_728 = arith.minimumf %min3A_727, %max3A_726 : vector<16xf32>
      %get3A_729 = arith.constant 48 : index
      %get3A_730 = tpu.vector_load %arg16[%get3A_729] {strides = array<i32>} : memref<64xf32, #tpu.memory_space<vmem>>, vector<16xf32>,
      %get3A_731 = vector.shape_cast %get3A_730 : vector<16xf32> to vector<16xf32>
      %get3A_732 = arith.constant 48 : index
      %get3A_733 = tpu.vector_load %arg18[%get3A_732] {strides = array<i32>} : memref<64xf32, #tpu.memory_space<vmem>>, vector<16xf32>,
      %get3A_734 = vector.shape_cast %get3A_733 : vector<16xf32> to vector<16xf32>
      %mul3A_735 = arith.mulf %get3A_731, %get3A_731 : vector<16xf32>
      %mul3A_736 = arith.constant 2.000000e+00 : f32
      %mul3A_737 = vector.broadcast %mul3A_736 : f32 to vector<16xf32>
      %mul3A_738 = arith.mulf %mul3A_737, %min3A_728 : vector<16xf32>
      %mul3A_739 = arith.mulf %mul3A_738, %get3A_731 : vector<16xf32>
      %sub3A_740 = arith.subf %mul3A_735, %mul3A_739 : vector<16xf32>
      %mul3A_741 = arith.mulf %get3A_734, %sub3A_740 : vector<16xf32>
      %add3A_742 = arith.addf %add3A_719, %mul3A_741 : vector<16xf32>
      %get3A_743 = arith.constant 0 : index
      %get3A_744 = tpu.vector_load %arg14[%get3A_743] {strides = array<i32>} : memref<64xi32, #tpu.memory_space<vmem>>, vector<16xi32>,
      %get3A_745 = vector.shape_cast %get3A_744 : vector<16xi32> to vector<16xi32>
      %min3A_746 = arith.constant 16383 : i32
      %min3A_747 = vector.broadcast %min3A_746 : i32 to vector<16xi32>
      %min3A_748 = arith.minsi %get3A_745, %min3A_747 : vector<16xi32>
      %add3A_749 = arith.constant 16384 : i32
      %add3A_750 = arith.addi %mul3A_591, %add3A_749 : i32
      %add3A_751 = vector.broadcast %add3A_750 : i32 to vector<16xi32>
      %add3A_752 = arith.addi %add3A_751, %min3A_748 : vector<16xi32>
      %swap3A_753 = arith.constant 0 : index
      %swap3A_754 = tpu.vector_load %arg20[%swap3A_753] {strides = array<i32>} : memref<64xi32, #tpu.memory_space<vmem>>, vector<16xi32>,
      %swap3A_755 = vector.shape_cast %swap3A_754 : vector<16xi32> to vector<16xi32>
      %swap3A_756 = vector.shape_cast %add3A_752 : vector<16xi32> to vector<16xi32>
      tpu.vector_store %arg20[%swap3A_753], %swap3A_756 {strides = array<i32>} : memref<64xi32, #tpu.memory_space<vmem>>, vector<16xi32>,
      %get3A_757 = arith.constant 16 : index
      %get3A_758 = tpu.vector_load %arg14[%get3A_757] {strides = array<i32>} : memref<64xi32, #tpu.memory_space<vmem>>, vector<16xi32>,
      %get3A_759 = vector.shape_cast %get3A_758 : vector<16xi32> to vector<16xi32>
      %min3A_760 = arith.constant 16383 : i32
      %min3A_761 = vector.broadcast %min3A_760 : i32 to vector<16xi32>
      %min3A_762 = arith.minsi %get3A_759, %min3A_761 : vector<16xi32>
      %add3A_763 = arith.constant 16384 : i32
      %add3A_764 = arith.addi %mul3A_591, %add3A_763 : i32
      %add3A_765 = vector.broadcast %add3A_764 : i32 to vector<16xi32>
      %add3A_766 = arith.addi %add3A_765, %min3A_762 : vector<16xi32>
      %swap3A_767 = arith.constant 16 : index
      %swap3A_768 = tpu.vector_load %arg20[%swap3A_767] {strides = array<i32>} : memref<64xi32, #tpu.memory_space<vmem>>, vector<16xi32>,
      %swap3A_769 = vector.shape_cast %swap3A_768 : vector<16xi32> to vector<16xi32>
      %swap3A_770 = vector.shape_cast %add3A_766 : vector<16xi32> to vector<16xi32>
      tpu.vector_store %arg20[%swap3A_767], %swap3A_770 {strides = array<i32>} : memref<64xi32, #tpu.memory_space<vmem>>, vector<16xi32>,
      %get3A_771 = arith.constant 32 : index
      %get3A_772 = tpu.vector_load %arg14[%get3A_771] {strides = array<i32>} : memref<64xi32, #tpu.memory_space<vmem>>, vector<16xi32>,
      %get3A_773 = vector.shape_cast %get3A_772 : vector<16xi32> to vector<16xi32>
      %min3A_774 = arith.constant 16383 : i32
      %min3A_775 = vector.broadcast %min3A_774 : i32 to vector<16xi32>
      %min3A_776 = arith.minsi %get3A_773, %min3A_775 : vector<16xi32>
      %add3A_777 = arith.constant 16384 : i32
      %add3A_778 = arith.addi %mul3A_591, %add3A_777 : i32
      %add3A_779 = vector.broadcast %add3A_778 : i32 to vector<16xi32>
      %add3A_780 = arith.addi %add3A_779, %min3A_776 : vector<16xi32>
      %swap3A_781 = arith.constant 32 : index
      %swap3A_782 = tpu.vector_load %arg20[%swap3A_781] {strides = array<i32>} : memref<64xi32, #tpu.memory_space<vmem>>, vector<16xi32>,
      %swap3A_783 = vector.shape_cast %swap3A_782 : vector<16xi32> to vector<16xi32>
      %swap3A_784 = vector.shape_cast %add3A_780 : vector<16xi32> to vector<16xi32>
      tpu.vector_store %arg20[%swap3A_781], %swap3A_784 {strides = array<i32>} : memref<64xi32, #tpu.memory_space<vmem>>, vector<16xi32>,
      %get3A_785 = arith.constant 48 : index
      %get3A_786 = tpu.vector_load %arg14[%get3A_785] {strides = array<i32>} : memref<64xi32, #tpu.memory_space<vmem>>, vector<16xi32>,
      %get3A_787 = vector.shape_cast %get3A_786 : vector<16xi32> to vector<16xi32>
      %min3A_788 = arith.constant 16383 : i32
      %min3A_789 = vector.broadcast %min3A_788 : i32 to vector<16xi32>
      %min3A_790 = arith.minsi %get3A_787, %min3A_789 : vector<16xi32>
      %add3A_791 = arith.constant 16384 : i32
      %add3A_792 = arith.addi %mul3A_591, %add3A_791 : i32
      %add3A_793 = vector.broadcast %add3A_792 : i32 to vector<16xi32>
      %add3A_794 = arith.addi %add3A_793, %min3A_790 : vector<16xi32>
      %swap3A_795 = arith.constant 48 : index
      %swap3A_796 = tpu.vector_load %arg20[%swap3A_795] {strides = array<i32>} : memref<64xi32, #tpu.memory_space<vmem>>, vector<16xi32>,
      %swap3A_797 = vector.shape_cast %swap3A_796 : vector<16xi32> to vector<16xi32>
      %swap3A_798 = vector.shape_cast %add3A_794 : vector<16xi32> to vector<16xi32>
      tpu.vector_store %arg20[%swap3A_795], %swap3A_798 {strides = array<i32>} : memref<64xi32, #tpu.memory_space<vmem>>, vector<16xi32>,
      %dma_start3A_799 = arith.constant 0 : i32
      %dma_start3A_800 = tpu.memref_slice %arg2[%dma_start3A_799] : memref<11141120xf32, #tpu.memory_space<hbm>> -> memref<11141120xf32, #tpu.memory_space<hbm>>
      tpu.enqueue_indirect_dma source(%dma_start3A_800 : memref<11141120xf32, #tpu.memory_space<hbm>>) target(%arg21 : memref<64xf32, #tpu.memory_space<vmem>>) offsets(%arg20 : memref<64xi32, #tpu.memory_space<vmem>>) semaphore(%arg23 : memref<!tpu.dma_semaphore, #tpu.memory_space<semaphore_mem>>)
      %dma_wait3A_801 = arith.constant 0 : i32
      %dma_wait3A_802 = tpu.memref_slice %arg2[%dma_wait3A_801] : memref<11141120xf32, #tpu.memory_space<hbm>> -> memref<11141120xf32, #tpu.memory_space<hbm>>
      tpu.wait_indirect_dma semaphore(%arg23 : memref<!tpu.dma_semaphore, #tpu.memory_space<semaphore_mem>>) src(%dma_wait3A_802 : memref<11141120xf32, #tpu.memory_space<hbm>>) dst(%arg21 : memref<64xf32, #tpu.memory_space<vmem>>)
      %get3A_803 = arith.constant 0 : index
      %get3A_804 = tpu.vector_load %arg21[%get3A_803] {strides = array<i32>} : memref<64xf32, #tpu.memory_space<vmem>>, vector<16xf32>,
      %get3A_805 = vector.shape_cast %get3A_804 : vector<16xf32> to vector<16xf32>
      %jit3A_806 = arith.constant -1.000000e+01 : f32
      %jit3A_807 = arith.constant 1.000000e+01 : f32
      %max3A_808 = vector.broadcast %jit3A_806 : f32 to vector<16xf32>
      %max3A_809 = arith.maximumf %max3A_808, %get3A_805 : vector<16xf32>
      %min3A_810 = vector.broadcast %jit3A_807 : f32 to vector<16xf32>
      %min3A_811 = arith.minimumf %min3A_810, %max3A_809 : vector<16xf32>
      %get3A_812 = arith.constant 0 : index
      %get3A_813 = tpu.vector_load %arg17[%get3A_812] {strides = array<i32>} : memref<64xf32, #tpu.memory_space<vmem>>, vector<16xf32>,
      %get3A_814 = vector.shape_cast %get3A_813 : vector<16xf32> to vector<16xf32>
      %get3A_815 = arith.constant 0 : index
      %get3A_816 = tpu.vector_load %arg18[%get3A_815] {strides = array<i32>} : memref<64xf32, #tpu.memory_space<vmem>>, vector<16xf32>,
      %get3A_817 = vector.shape_cast %get3A_816 : vector<16xf32> to vector<16xf32>
      %mul3A_818 = arith.mulf %get3A_814, %get3A_814 : vector<16xf32>
      %mul3A_819 = arith.constant 2.000000e+00 : f32
      %mul3A_820 = vector.broadcast %mul3A_819 : f32 to vector<16xf32>
      %mul3A_821 = arith.mulf %mul3A_820, %min3A_811 : vector<16xf32>
      %mul3A_822 = arith.mulf %mul3A_821, %get3A_814 : vector<16xf32>
      %sub3A_823 = arith.subf %mul3A_818, %mul3A_822 : vector<16xf32>
      %mul3A_824 = arith.mulf %get3A_817, %sub3A_823 : vector<16xf32>
      %add3A_825 = arith.addf %add3A_742, %mul3A_824 : vector<16xf32>
      %get3A_826 = arith.constant 16 : index
      %get3A_827 = tpu.vector_load %arg21[%get3A_826] {strides = array<i32>} : memref<64xf32, #tpu.memory_space<vmem>>, vector<16xf32>,
      %get3A_828 = vector.shape_cast %get3A_827 : vector<16xf32> to vector<16xf32>
      %jit3A_829 = arith.constant -1.000000e+01 : f32
      %jit3A_830 = arith.constant 1.000000e+01 : f32
      %max3A_831 = vector.broadcast %jit3A_829 : f32 to vector<16xf32>
      %max3A_832 = arith.maximumf %max3A_831, %get3A_828 : vector<16xf32>
      %min3A_833 = vector.broadcast %jit3A_830 : f32 to vector<16xf32>
      %min3A_834 = arith.minimumf %min3A_833, %max3A_832 : vector<16xf32>
      %get3A_835 = arith.constant 16 : index
      %get3A_836 = tpu.vector_load %arg17[%get3A_835] {strides = array<i32>} : memref<64xf32, #tpu.memory_space<vmem>>, vector<16xf32>,
      %get3A_837 = vector.shape_cast %get3A_836 : vector<16xf32> to vector<16xf32>
      %get3A_838 = arith.constant 16 : index
      %get3A_839 = tpu.vector_load %arg18[%get3A_838] {strides = array<i32>} : memref<64xf32, #tpu.memory_space<vmem>>, vector<16xf32>,
      %get3A_840 = vector.shape_cast %get3A_839 : vector<16xf32> to vector<16xf32>
      %mul3A_841 = arith.mulf %get3A_837, %get3A_837 : vector<16xf32>
      %mul3A_842 = arith.constant 2.000000e+00 : f32
      %mul3A_843 = vector.broadcast %mul3A_842 : f32 to vector<16xf32>
      %mul3A_844 = arith.mulf %mul3A_843, %min3A_834 : vector<16xf32>
      %mul3A_845 = arith.mulf %mul3A_844, %get3A_837 : vector<16xf32>
      %sub3A_846 = arith.subf %mul3A_841, %mul3A_845 : vector<16xf32>
      %mul3A_847 = arith.mulf %get3A_840, %sub3A_846 : vector<16xf32>
      %add3A_848 = arith.addf %add3A_825, %mul3A_847 : vector<16xf32>
      %get3A_849 = arith.constant 32 : index
      %get3A_850 = tpu.vector_load %arg21[%get3A_849] {strides = array<i32>} : memref<64xf32, #tpu.memory_space<vmem>>, vector<16xf32>,
      %get3A_851 = vector.shape_cast %get3A_850 : vector<16xf32> to vector<16xf32>
      %jit3A_852 = arith.constant -1.000000e+01 : f32
      %jit3A_853 = arith.constant 1.000000e+01 : f32
      %max3A_854 = vector.broadcast %jit3A_852 : f32 to vector<16xf32>
      %max3A_855 = arith.maximumf %max3A_854, %get3A_851 : vector<16xf32>
      %min3A_856 = vector.broadcast %jit3A_853 : f32 to vector<16xf32>
      %min3A_857 = arith.minimumf %min3A_856, %max3A_855 : vector<16xf32>
      %get3A_858 = arith.constant 32 : index
      %get3A_859 = tpu.vector_load %arg17[%get3A_858] {strides = array<i32>} : memref<64xf32, #tpu.memory_space<vmem>>, vector<16xf32>,
      %get3A_860 = vector.shape_cast %get3A_859 : vector<16xf32> to vector<16xf32>
      %get3A_861 = arith.constant 32 : index
      %get3A_862 = tpu.vector_load %arg18[%get3A_861] {strides = array<i32>} : memref<64xf32, #tpu.memory_space<vmem>>, vector<16xf32>,
      %get3A_863 = vector.shape_cast %get3A_862 : vector<16xf32> to vector<16xf32>
      %mul3A_864 = arith.mulf %get3A_860, %get3A_860 : vector<16xf32>
      %mul3A_865 = arith.constant 2.000000e+00 : f32
      %mul3A_866 = vector.broadcast %mul3A_865 : f32 to vector<16xf32>
      %mul3A_867 = arith.mulf %mul3A_866, %min3A_857 : vector<16xf32>
      %mul3A_868 = arith.mulf %mul3A_867, %get3A_860 : vector<16xf32>
      %sub3A_869 = arith.subf %mul3A_864, %mul3A_868 : vector<16xf32>
      %mul3A_870 = arith.mulf %get3A_863, %sub3A_869 : vector<16xf32>
      %add3A_871 = arith.addf %add3A_848, %mul3A_870 : vector<16xf32>
      %get3A_872 = arith.constant 48 : index
      %get3A_873 = tpu.vector_load %arg21[%get3A_872] {strides = array<i32>} : memref<64xf32, #tpu.memory_space<vmem>>, vector<16xf32>,
      %get3A_874 = vector.shape_cast %get3A_873 : vector<16xf32> to vector<16xf32>
      %jit3A_875 = arith.constant -1.000000e+01 : f32
      %jit3A_876 = arith.constant 1.000000e+01 : f32
      %max3A_877 = vector.broadcast %jit3A_875 : f32 to vector<16xf32>
      %max3A_878 = arith.maximumf %max3A_877, %get3A_874 : vector<16xf32>
      %min3A_879 = vector.broadcast %jit3A_876 : f32 to vector<16xf32>
      %min3A_880 = arith.minimumf %min3A_879, %max3A_878 : vector<16xf32>
      %get3A_881 = arith.constant 48 : index
      %get3A_882 = tpu.vector_load %arg17[%get3A_881] {strides = array<i32>} : memref<64xf32, #tpu.memory_space<vmem>>, vector<16xf32>,
      %get3A_883 = vector.shape_cast %get3A_882 : vector<16xf32> to vector<16xf32>
      %get3A_884 = arith.constant 48 : index
      %get3A_885 = tpu.vector_load %arg18[%get3A_884] {strides = array<i32>} : memref<64xf32, #tpu.memory_space<vmem>>, vector<16xf32>,
      %get3A_886 = vector.shape_cast %get3A_885 : vector<16xf32> to vector<16xf32>
      %mul3A_887 = arith.mulf %get3A_883, %get3A_883 : vector<16xf32>
      %mul3A_888 = arith.constant 2.000000e+00 : f32
      %mul3A_889 = vector.broadcast %mul3A_888 : f32 to vector<16xf32>
      %mul3A_890 = arith.mulf %mul3A_889, %min3A_880 : vector<16xf32>
      %mul3A_891 = arith.mulf %mul3A_890, %get3A_883 : vector<16xf32>
      %sub3A_892 = arith.subf %mul3A_887, %mul3A_891 : vector<16xf32>
      %mul3A_893 = arith.mulf %get3A_886, %sub3A_892 : vector<16xf32>
      %add3A_894 = arith.addf %add3A_871, %mul3A_893 : vector<16xf32>
      %get3A_895 = arith.constant 0 : index
      %get3A_896 = tpu.vector_load %arg14[%get3A_895] {strides = array<i32>} : memref<64xi32, #tpu.memory_space<vmem>>, vector<16xi32>,
      %get3A_897 = vector.shape_cast %get3A_896 : vector<16xi32> to vector<16xi32>
      %min3A_898 = arith.constant 16383 : i32
      %min3A_899 = vector.broadcast %min3A_898 : i32 to vector<16xi32>
      %min3A_900 = arith.minsi %get3A_897, %min3A_899 : vector<16xi32>
      %add3A_901 = arith.constant 32768 : i32
      %add3A_902 = arith.addi %mul3A_591, %add3A_901 : i32
      %add3A_903 = vector.broadcast %add3A_902 : i32 to vector<16xi32>
      %add3A_904 = arith.addi %add3A_903, %min3A_900 : vector<16xi32>
      %swap3A_905 = arith.constant 0 : index
      %swap3A_906 = tpu.vector_load %arg20[%swap3A_905] {strides = array<i32>} : memref<64xi32, #tpu.memory_space<vmem>>, vector<16xi32>,
      %swap3A_907 = vector.shape_cast %swap3A_906 : vector<16xi32> to vector<16xi32>
      %swap3A_908 = vector.shape_cast %add3A_904 : vector<16xi32> to vector<16xi32>
      tpu.vector_store %arg20[%swap3A_905], %swap3A_908 {strides = array<i32>} : memref<64xi32, #tpu.memory_space<vmem>>, vector<16xi32>,
      %get3A_909 = arith.constant 16 : index
      %get3A_910 = tpu.vector_load %arg14[%get3A_909] {strides = array<i32>} : memref<64xi32, #tpu.memory_space<vmem>>, vector<16xi32>,
      %get3A_911 = vector.shape_cast %get3A_910 : vector<16xi32> to vector<16xi32>
      %min3A_912 = arith.constant 16383 : i32
      %min3A_913 = vector.broadcast %min3A_912 : i32 to vector<16xi32>
      %min3A_914 = arith.minsi %get3A_911, %min3A_913 : vector<16xi32>
      %add3A_915 = arith.constant 32768 : i32
      %add3A_916 = arith.addi %mul3A_591, %add3A_915 : i32
      %add3A_917 = vector.broadcast %add3A_916 : i32 to vector<16xi32>
      %add3A_918 = arith.addi %add3A_917, %min3A_914 : vector<16xi32>
      %swap3A_919 = arith.constant 16 : index
      %swap3A_920 = tpu.vector_load %arg20[%swap3A_919] {strides = array<i32>} : memref<64xi32, #tpu.memory_space<vmem>>, vector<16xi32>,
      %swap3A_921 = vector.shape_cast %swap3A_920 : vector<16xi32> to vector<16xi32>
      %swap3A_922 = vector.shape_cast %add3A_918 : vector<16xi32> to vector<16xi32>
      tpu.vector_store %arg20[%swap3A_919], %swap3A_922 {strides = array<i32>} : memref<64xi32, #tpu.memory_space<vmem>>, vector<16xi32>,
      %get3A_923 = arith.constant 32 : index
      %get3A_924 = tpu.vector_load %arg14[%get3A_923] {strides = array<i32>} : memref<64xi32, #tpu.memory_space<vmem>>, vector<16xi32>,
      %get3A_925 = vector.shape_cast %get3A_924 : vector<16xi32> to vector<16xi32>
      %min3A_926 = arith.constant 16383 : i32
      %min3A_927 = vector.broadcast %min3A_926 : i32 to vector<16xi32>
      %min3A_928 = arith.minsi %get3A_925, %min3A_927 : vector<16xi32>
      %add3A_929 = arith.constant 32768 : i32
      %add3A_930 = arith.addi %mul3A_591, %add3A_929 : i32
      %add3A_931 = vector.broadcast %add3A_930 : i32 to vector<16xi32>
      %add3A_932 = arith.addi %add3A_931, %min3A_928 : vector<16xi32>
      %swap3A_933 = arith.constant 32 : index
      %swap3A_934 = tpu.vector_load %arg20[%swap3A_933] {strides = array<i32>} : memref<64xi32, #tpu.memory_space<vmem>>, vector<16xi32>,
      %swap3A_935 = vector.shape_cast %swap3A_934 : vector<16xi32> to vector<16xi32>
      %swap3A_936 = vector.shape_cast %add3A_932 : vector<16xi32> to vector<16xi32>
      tpu.vector_store %arg20[%swap3A_933], %swap3A_936 {strides = array<i32>} : memref<64xi32, #tpu.memory_space<vmem>>, vector<16xi32>,
      %get3A_937 = arith.constant 48 : index
      %get3A_938 = tpu.vector_load %arg14[%get3A_937] {strides = array<i32>} : memref<64xi32, #tpu.memory_space<vmem>>, vector<16xi32>,
      %get3A_939 = vector.shape_cast %get3A_938 : vector<16xi32> to vector<16xi32>
      %min3A_940 = arith.constant 16383 : i32
      %min3A_941 = vector.broadcast %min3A_940 : i32 to vector<16xi32>
      %min3A_942 = arith.minsi %get3A_939, %min3A_941 : vector<16xi32>
      %add3A_943 = arith.constant 32768 : i32
      %add3A_944 = arith.addi %mul3A_591, %add3A_943 : i32
      %add3A_945 = vector.broadcast %add3A_944 : i32 to vector<16xi32>
      %add3A_946 = arith.addi %add3A_945, %min3A_942 : vector<16xi32>
      %swap3A_947 = arith.constant 48 : index
      %swap3A_948 = tpu.vector_load %arg20[%swap3A_947] {strides = array<i32>} : memref<64xi32, #tpu.memory_space<vmem>>, vector<16xi32>,
      %swap3A_949 = vector.shape_cast %swap3A_948 : vector<16xi32> to vector<16xi32>
      %swap3A_950 = vector.shape_cast %add3A_946 : vector<16xi32> to vector<16xi32>
      tpu.vector_store %arg20[%swap3A_947], %swap3A_950 {strides = array<i32>} : memref<64xi32, #tpu.memory_space<vmem>>, vector<16xi32>,
      %dma_start3A_951 = arith.constant 0 : i32
      %dma_start3A_952 = tpu.memref_slice %arg2[%dma_start3A_951] : memref<11141120xf32, #tpu.memory_space<hbm>> -> memref<11141120xf32, #tpu.memory_space<hbm>>
      tpu.enqueue_indirect_dma source(%dma_start3A_952 : memref<11141120xf32, #tpu.memory_space<hbm>>) target(%arg21 : memref<64xf32, #tpu.memory_space<vmem>>) offsets(%arg20 : memref<64xi32, #tpu.memory_space<vmem>>) semaphore(%arg23 : memref<!tpu.dma_semaphore, #tpu.memory_space<semaphore_mem>>)
      %dma_wait3A_953 = arith.constant 0 : i32
      %dma_wait3A_954 = tpu.memref_slice %arg2[%dma_wait3A_953] : memref<11141120xf32, #tpu.memory_space<hbm>> -> memref<11141120xf32, #tpu.memory_space<hbm>>
      tpu.wait_indirect_dma semaphore(%arg23 : memref<!tpu.dma_semaphore, #tpu.memory_space<semaphore_mem>>) src(%dma_wait3A_954 : memref<11141120xf32, #tpu.memory_space<hbm>>) dst(%arg21 : memref<64xf32, #tpu.memory_space<vmem>>)
      %get3A_955 = arith.constant 0 : index
      %get3A_956 = tpu.vector_load %arg21[%get3A_955] {strides = array<i32>} : memref<64xf32, #tpu.memory_space<vmem>>, vector<16xf32>,
      %get3A_957 = vector.shape_cast %get3A_956 : vector<16xf32> to vector<16xf32>
      %jit3A_958 = arith.constant -1.000000e+01 : f32
      %jit3A_959 = arith.constant 1.000000e+01 : f32
      %max3A_960 = vector.broadcast %jit3A_958 : f32 to vector<16xf32>
      %max3A_961 = arith.maximumf %max3A_960, %get3A_957 : vector<16xf32>
      %min3A_962 = vector.broadcast %jit3A_959 : f32 to vector<16xf32>
      %min3A_963 = arith.minimumf %min3A_962, %max3A_961 : vector<16xf32>
      %get3A_964 = arith.constant 0 : index
      %get3A_965 = tpu.vector_load %arg11[%get3A_964] {strides = array<i32>} : memref<64xf32, #tpu.memory_space<vmem>>, vector<16xf32>,
      %get3A_966 = vector.shape_cast %get3A_965 : vector<16xf32> to vector<16xf32>
      %get3A_967 = arith.constant 0 : index
      %get3A_968 = tpu.vector_load %arg18[%get3A_967] {strides = array<i32>} : memref<64xf32, #tpu.memory_space<vmem>>, vector<16xf32>,
      %get3A_969 = vector.shape_cast %get3A_968 : vector<16xf32> to vector<16xf32>
      %mul3A_970 = arith.mulf %get3A_966, %get3A_966 : vector<16xf32>
      %mul3A_971 = arith.constant 2.000000e+00 : f32
      %mul3A_972 = vector.broadcast %mul3A_971 : f32 to vector<16xf32>
      %mul3A_973 = arith.mulf %mul3A_972, %min3A_963 : vector<16xf32>
      %mul3A_974 = arith.mulf %mul3A_973, %get3A_966 : vector<16xf32>
      %sub3A_975 = arith.subf %mul3A_970, %mul3A_974 : vector<16xf32>
      %mul3A_976 = arith.mulf %get3A_969, %sub3A_975 : vector<16xf32>
      %add3A_977 = arith.addf %add3A_894, %mul3A_976 : vector<16xf32>
      %get3A_978 = arith.constant 16 : index
      %get3A_979 = tpu.vector_load %arg21[%get3A_978] {strides = array<i32>} : memref<64xf32, #tpu.memory_space<vmem>>, vector<16xf32>,
      %get3A_980 = vector.shape_cast %get3A_979 : vector<16xf32> to vector<16xf32>
      %jit3A_981 = arith.constant -1.000000e+01 : f32
      %jit3A_982 = arith.constant 1.000000e+01 : f32
      %max3A_983 = vector.broadcast %jit3A_981 : f32 to vector<16xf32>
      %max3A_984 = arith.maximumf %max3A_983, %get3A_980 : vector<16xf32>
      %min3A_985 = vector.broadcast %jit3A_982 : f32 to vector<16xf32>
      %min3A_986 = arith.minimumf %min3A_985, %max3A_984 : vector<16xf32>
      %get3A_987 = arith.constant 16 : index
      %get3A_988 = tpu.vector_load %arg11[%get3A_987] {strides = array<i32>} : memref<64xf32, #tpu.memory_space<vmem>>, vector<16xf32>,
      %get3A_989 = vector.shape_cast %get3A_988 : vector<16xf32> to vector<16xf32>
      %get3A_990 = arith.constant 16 : index
      %get3A_991 = tpu.vector_load %arg18[%get3A_990] {strides = array<i32>} : memref<64xf32, #tpu.memory_space<vmem>>, vector<16xf32>,
      %get3A_992 = vector.shape_cast %get3A_991 : vector<16xf32> to vector<16xf32>
      %mul3A_993 = arith.mulf %get3A_989, %get3A_989 : vector<16xf32>
      %mul3A_994 = arith.constant 2.000000e+00 : f32
      %mul3A_995 = vector.broadcast %mul3A_994 : f32 to vector<16xf32>
      %mul3A_996 = arith.mulf %mul3A_995, %min3A_986 : vector<16xf32>
      %mul3A_997 = arith.mulf %mul3A_996, %get3A_989 : vector<16xf32>
      %sub3A_998 = arith.subf %mul3A_993, %mul3A_997 : vector<16xf32>
      %mul3A_999 = arith.mulf %get3A_992, %sub3A_998 : vector<16xf32>
      %add3A_1000 = arith.addf %add3A_977, %mul3A_999 : vector<16xf32>
      %get3A_1001 = arith.constant 32 : index
      %get3A_1002 = tpu.vector_load %arg21[%get3A_1001] {strides = array<i32>} : memref<64xf32, #tpu.memory_space<vmem>>, vector<16xf32>,
      %get3A_1003 = vector.shape_cast %get3A_1002 : vector<16xf32> to vector<16xf32>
      %jit3A_1004 = arith.constant -1.000000e+01 : f32
      %jit3A_1005 = arith.constant 1.000000e+01 : f32
      %max3A_1006 = vector.broadcast %jit3A_1004 : f32 to vector<16xf32>
      %max3A_1007 = arith.maximumf %max3A_1006, %get3A_1003 : vector<16xf32>
      %min3A_1008 = vector.broadcast %jit3A_1005 : f32 to vector<16xf32>
      %min3A_1009 = arith.minimumf %min3A_1008, %max3A_1007 : vector<16xf32>
      %get3A_1010 = arith.constant 32 : index
      %get3A_1011 = tpu.vector_load %arg11[%get3A_1010] {strides = array<i32>} : memref<64xf32, #tpu.memory_space<vmem>>, vector<16xf32>,
      %get3A_1012 = vector.shape_cast %get3A_1011 : vector<16xf32> to vector<16xf32>
      %get3A_1013 = arith.constant 32 : index
      %get3A_1014 = tpu.vector_load %arg18[%get3A_1013] {strides = array<i32>} : memref<64xf32, #tpu.memory_space<vmem>>, vector<16xf32>,
      %get3A_1015 = vector.shape_cast %get3A_1014 : vector<16xf32> to vector<16xf32>
      %mul3A_1016 = arith.mulf %get3A_1012, %get3A_1012 : vector<16xf32>
      %mul3A_1017 = arith.constant 2.000000e+00 : f32
      %mul3A_1018 = vector.broadcast %mul3A_1017 : f32 to vector<16xf32>
      %mul3A_1019 = arith.mulf %mul3A_1018, %min3A_1009 : vector<16xf32>
      %mul3A_1020 = arith.mulf %mul3A_1019, %get3A_1012 : vector<16xf32>
      %sub3A_1021 = arith.subf %mul3A_1016, %mul3A_1020 : vector<16xf32>
      %mul3A_1022 = arith.mulf %get3A_1015, %sub3A_1021 : vector<16xf32>
      %add3A_1023 = arith.addf %add3A_1000, %mul3A_1022 : vector<16xf32>
      %get3A_1024 = arith.constant 48 : index
      %get3A_1025 = tpu.vector_load %arg21[%get3A_1024] {strides = array<i32>} : memref<64xf32, #tpu.memory_space<vmem>>, vector<16xf32>,
      %get3A_1026 = vector.shape_cast %get3A_1025 : vector<16xf32> to vector<16xf32>
      %jit3A_1027 = arith.constant -1.000000e+01 : f32
      %jit3A_1028 = arith.constant 1.000000e+01 : f32
      %max3A_1029 = vector.broadcast %jit3A_1027 : f32 to vector<16xf32>
      %max3A_1030 = arith.maximumf %max3A_1029, %get3A_1026 : vector<16xf32>
      %min3A_1031 = vector.broadcast %jit3A_1028 : f32 to vector<16xf32>
      %min3A_1032 = arith.minimumf %min3A_1031, %max3A_1030 : vector<16xf32>
      %get3A_1033 = arith.constant 48 : index
      %get3A_1034 = tpu.vector_load %arg11[%get3A_1033] {strides = array<i32>} : memref<64xf32, #tpu.memory_space<vmem>>, vector<16xf32>,
      %get3A_1035 = vector.shape_cast %get3A_1034 : vector<16xf32> to vector<16xf32>
      %get3A_1036 = arith.constant 48 : index
      %get3A_1037 = tpu.vector_load %arg18[%get3A_1036] {strides = array<i32>} : memref<64xf32, #tpu.memory_space<vmem>>, vector<16xf32>,
      %get3A_1038 = vector.shape_cast %get3A_1037 : vector<16xf32> to vector<16xf32>
      %mul3A_1039 = arith.mulf %get3A_1035, %get3A_1035 : vector<16xf32>
      %mul3A_1040 = arith.constant 2.000000e+00 : f32
      %mul3A_1041 = vector.broadcast %mul3A_1040 : f32 to vector<16xf32>
      %mul3A_1042 = arith.mulf %mul3A_1041, %min3A_1032 : vector<16xf32>
      %mul3A_1043 = arith.mulf %mul3A_1042, %get3A_1035 : vector<16xf32>
      %sub3A_1044 = arith.subf %mul3A_1039, %mul3A_1043 : vector<16xf32>
      %mul3A_1045 = arith.mulf %get3A_1038, %sub3A_1044 : vector<16xf32>
      %add3A_1046 = arith.addf %add3A_1023, %mul3A_1045 : vector<16xf32>
      %get3A_1047 = arith.constant 0 : index
      %get3A_1048 = tpu.vector_load %arg14[%get3A_1047] {strides = array<i32>} : memref<64xi32, #tpu.memory_space<vmem>>, vector<16xi32>,
      %get3A_1049 = vector.shape_cast %get3A_1048 : vector<16xi32> to vector<16xi32>
      %min3A_1050 = arith.constant 16383 : i32
      %min3A_1051 = vector.broadcast %min3A_1050 : i32 to vector<16xi32>
      %min3A_1052 = arith.minsi %get3A_1049, %min3A_1051 : vector<16xi32>
      %add3A_1053 = arith.constant 49152 : i32
      %add3A_1054 = arith.addi %mul3A_591, %add3A_1053 : i32
      %add3A_1055 = vector.broadcast %add3A_1054 : i32 to vector<16xi32>
      %add3A_1056 = arith.addi %add3A_1055, %min3A_1052 : vector<16xi32>
      %swap3A_1057 = arith.constant 0 : index
      %swap3A_1058 = tpu.vector_load %arg20[%swap3A_1057] {strides = array<i32>} : memref<64xi32, #tpu.memory_space<vmem>>, vector<16xi32>,
      %swap3A_1059 = vector.shape_cast %swap3A_1058 : vector<16xi32> to vector<16xi32>
      %swap3A_1060 = vector.shape_cast %add3A_1056 : vector<16xi32> to vector<16xi32>
      tpu.vector_store %arg20[%swap3A_1057], %swap3A_1060 {strides = array<i32>} : memref<64xi32, #tpu.memory_space<vmem>>, vector<16xi32>,
      %get3A_1061 = arith.constant 16 : index
      %get3A_1062 = tpu.vector_load %arg14[%get3A_1061] {strides = array<i32>} : memref<64xi32, #tpu.memory_space<vmem>>, vector<16xi32>,
      %get3A_1063 = vector.shape_cast %get3A_1062 : vector<16xi32> to vector<16xi32>
      %min3A_1064 = arith.constant 16383 : i32
      %min3A_1065 = vector.broadcast %min3A_1064 : i32 to vector<16xi32>
      %min3A_1066 = arith.minsi %get3A_1063, %min3A_1065 : vector<16xi32>
      %add3A_1067 = arith.constant 49152 : i32
      %add3A_1068 = arith.addi %mul3A_591, %add3A_1067 : i32
      %add3A_1069 = vector.broadcast %add3A_1068 : i32 to vector<16xi32>
      %add3A_1070 = arith.addi %add3A_1069, %min3A_1066 : vector<16xi32>
      %swap3A_1071 = arith.constant 16 : index
      %swap3A_1072 = tpu.vector_load %arg20[%swap3A_1071] {strides = array<i32>} : memref<64xi32, #tpu.memory_space<vmem>>, vector<16xi32>,
      %swap3A_1073 = vector.shape_cast %swap3A_1072 : vector<16xi32> to vector<16xi32>
      %swap3A_1074 = vector.shape_cast %add3A_1070 : vector<16xi32> to vector<16xi32>
      tpu.vector_store %arg20[%swap3A_1071], %swap3A_1074 {strides = array<i32>} : memref<64xi32, #tpu.memory_space<vmem>>, vector<16xi32>,
      %get3A_1075 = arith.constant 32 : index
      %get3A_1076 = tpu.vector_load %arg14[%get3A_1075] {strides = array<i32>} : memref<64xi32, #tpu.memory_space<vmem>>, vector<16xi32>,
      %get3A_1077 = vector.shape_cast %get3A_1076 : vector<16xi32> to vector<16xi32>
      %min3A_1078 = arith.constant 16383 : i32
      %min3A_1079 = vector.broadcast %min3A_1078 : i32 to vector<16xi32>
      %min3A_1080 = arith.minsi %get3A_1077, %min3A_1079 : vector<16xi32>
      %add3A_1081 = arith.constant 49152 : i32
      %add3A_1082 = arith.addi %mul3A_591, %add3A_1081 : i32
      %add3A_1083 = vector.broadcast %add3A_1082 : i32 to vector<16xi32>
      %add3A_1084 = arith.addi %add3A_1083, %min3A_1080 : vector<16xi32>
      %swap3A_1085 = arith.constant 32 : index
      %swap3A_1086 = tpu.vector_load %arg20[%swap3A_1085] {strides = array<i32>} : memref<64xi32, #tpu.memory_space<vmem>>, vector<16xi32>,
      %swap3A_1087 = vector.shape_cast %swap3A_1086 : vector<16xi32> to vector<16xi32>
      %swap3A_1088 = vector.shape_cast %add3A_1084 : vector<16xi32> to vector<16xi32>
      tpu.vector_store %arg20[%swap3A_1085], %swap3A_1088 {strides = array<i32>} : memref<64xi32, #tpu.memory_space<vmem>>, vector<16xi32>,
      %get3A_1089 = arith.constant 48 : index
      %get3A_1090 = tpu.vector_load %arg14[%get3A_1089] {strides = array<i32>} : memref<64xi32, #tpu.memory_space<vmem>>, vector<16xi32>,
      %get3A_1091 = vector.shape_cast %get3A_1090 : vector<16xi32> to vector<16xi32>
      %min3A_1092 = arith.constant 16383 : i32
      %min3A_1093 = vector.broadcast %min3A_1092 : i32 to vector<16xi32>
      %min3A_1094 = arith.minsi %get3A_1091, %min3A_1093 : vector<16xi32>
      %add3A_1095 = arith.constant 49152 : i32
      %add3A_1096 = arith.addi %mul3A_591, %add3A_1095 : i32
      %add3A_1097 = vector.broadcast %add3A_1096 : i32 to vector<16xi32>
      %add3A_1098 = arith.addi %add3A_1097, %min3A_1094 : vector<16xi32>
      %swap3A_1099 = arith.constant 48 : index
      %swap3A_1100 = tpu.vector_load %arg20[%swap3A_1099] {strides = array<i32>} : memref<64xi32, #tpu.memory_space<vmem>>, vector<16xi32>,
      %swap3A_1101 = vector.shape_cast %swap3A_1100 : vector<16xi32> to vector<16xi32>
      %swap3A_1102 = vector.shape_cast %add3A_1098 : vector<16xi32> to vector<16xi32>
      tpu.vector_store %arg20[%swap3A_1099], %swap3A_1102 {strides = array<i32>} : memref<64xi32, #tpu.memory_space<vmem>>, vector<16xi32>,
      %dma_start3A_1103 = arith.constant 0 : i32
      %dma_start3A_1104 = tpu.memref_slice %arg2[%dma_start3A_1103] : memref<11141120xf32, #tpu.memory_space<hbm>> -> memref<11141120xf32, #tpu.memory_space<hbm>>
      tpu.enqueue_indirect_dma source(%dma_start3A_1104 : memref<11141120xf32, #tpu.memory_space<hbm>>) target(%arg21 : memref<64xf32, #tpu.memory_space<vmem>>) offsets(%arg20 : memref<64xi32, #tpu.memory_space<vmem>>) semaphore(%arg23 : memref<!tpu.dma_semaphore, #tpu.memory_space<semaphore_mem>>)
      %dma_wait3A_1105 = arith.constant 0 : i32
      %dma_wait3A_1106 = tpu.memref_slice %arg2[%dma_wait3A_1105] : memref<11141120xf32, #tpu.memory_space<hbm>> -> memref<11141120xf32, #tpu.memory_space<hbm>>
      tpu.wait_indirect_dma semaphore(%arg23 : memref<!tpu.dma_semaphore, #tpu.memory_space<semaphore_mem>>) src(%dma_wait3A_1106 : memref<11141120xf32, #tpu.memory_space<hbm>>) dst(%arg21 : memref<64xf32, #tpu.memory_space<vmem>>)
      %get3A_1107 = arith.constant 0 : index
      %get3A_1108 = tpu.vector_load %arg21[%get3A_1107] {strides = array<i32>} : memref<64xf32, #tpu.memory_space<vmem>>, vector<16xf32>,
      %get3A_1109 = vector.shape_cast %get3A_1108 : vector<16xf32> to vector<16xf32>
      %jit3A_1110 = arith.constant -1.000000e+01 : f32
      %jit3A_1111 = arith.constant 1.000000e+01 : f32
      %max3A_1112 = vector.broadcast %jit3A_1110 : f32 to vector<16xf32>
      %max3A_1113 = arith.maximumf %max3A_1112, %get3A_1109 : vector<16xf32>
      %min3A_1114 = vector.broadcast %jit3A_1111 : f32 to vector<16xf32>
      %min3A_1115 = arith.minimumf %min3A_1114, %max3A_1113 : vector<16xf32>
      %get3A_1116 = arith.constant 0 : index
      %get3A_1117 = tpu.vector_load %arg12[%get3A_1116] {strides = array<i32>} : memref<64xf32, #tpu.memory_space<vmem>>, vector<16xf32>,
      %get3A_1118 = vector.shape_cast %get3A_1117 : vector<16xf32> to vector<16xf32>
      %get3A_1119 = arith.constant 0 : index
      %get3A_1120 = tpu.vector_load %arg18[%get3A_1119] {strides = array<i32>} : memref<64xf32, #tpu.memory_space<vmem>>, vector<16xf32>,
      %get3A_1121 = vector.shape_cast %get3A_1120 : vector<16xf32> to vector<16xf32>
      %mul3A_1122 = arith.mulf %get3A_1118, %get3A_1118 : vector<16xf32>
      %mul3A_1123 = arith.constant 2.000000e+00 : f32
      %mul3A_1124 = vector.broadcast %mul3A_1123 : f32 to vector<16xf32>
      %mul3A_1125 = arith.mulf %mul3A_1124, %min3A_1115 : vector<16xf32>
      %mul3A_1126 = arith.mulf %mul3A_1125, %get3A_1118 : vector<16xf32>
      %sub3A_1127 = arith.subf %mul3A_1122, %mul3A_1126 : vector<16xf32>
      %mul3A_1128 = arith.mulf %get3A_1121, %sub3A_1127 : vector<16xf32>
      %add3A_1129 = arith.addf %add3A_1046, %mul3A_1128 : vector<16xf32>
      %get3A_1130 = arith.constant 16 : index
      %get3A_1131 = tpu.vector_load %arg21[%get3A_1130] {strides = array<i32>} : memref<64xf32, #tpu.memory_space<vmem>>, vector<16xf32>,
      %get3A_1132 = vector.shape_cast %get3A_1131 : vector<16xf32> to vector<16xf32>
      %jit3A_1133 = arith.constant -1.000000e+01 : f32
      %jit3A_1134 = arith.constant 1.000000e+01 : f32
      %max3A_1135 = vector.broadcast %jit3A_1133 : f32 to vector<16xf32>
      %max3A_1136 = arith.maximumf %max3A_1135, %get3A_1132 : vector<16xf32>
      %min3A_1137 = vector.broadcast %jit3A_1134 : f32 to vector<16xf32>
      %min3A_1138 = arith.minimumf %min3A_1137, %max3A_1136 : vector<16xf32>
      %get3A_1139 = arith.constant 16 : index
      %get3A_1140 = tpu.vector_load %arg12[%get3A_1139] {strides = array<i32>} : memref<64xf32, #tpu.memory_space<vmem>>, vector<16xf32>,
      %get3A_1141 = vector.shape_cast %get3A_1140 : vector<16xf32> to vector<16xf32>
      %get3A_1142 = arith.constant 16 : index
      %get3A_1143 = tpu.vector_load %arg18[%get3A_1142] {strides = array<i32>} : memref<64xf32, #tpu.memory_space<vmem>>, vector<16xf32>,
      %get3A_1144 = vector.shape_cast %get3A_1143 : vector<16xf32> to vector<16xf32>
      %mul3A_1145 = arith.mulf %get3A_1141, %get3A_1141 : vector<16xf32>
      %mul3A_1146 = arith.constant 2.000000e+00 : f32
      %mul3A_1147 = vector.broadcast %mul3A_1146 : f32 to vector<16xf32>
      %mul3A_1148 = arith.mulf %mul3A_1147, %min3A_1138 : vector<16xf32>
      %mul3A_1149 = arith.mulf %mul3A_1148, %get3A_1141 : vector<16xf32>
      %sub3A_1150 = arith.subf %mul3A_1145, %mul3A_1149 : vector<16xf32>
      %mul3A_1151 = arith.mulf %get3A_1144, %sub3A_1150 : vector<16xf32>
      %add3A_1152 = arith.addf %add3A_1129, %mul3A_1151 : vector<16xf32>
      %get3A_1153 = arith.constant 32 : index
      %get3A_1154 = tpu.vector_load %arg21[%get3A_1153] {strides = array<i32>} : memref<64xf32, #tpu.memory_space<vmem>>, vector<16xf32>,
      %get3A_1155 = vector.shape_cast %get3A_1154 : vector<16xf32> to vector<16xf32>
      %jit3A_1156 = arith.constant -1.000000e+01 : f32
      %jit3A_1157 = arith.constant 1.000000e+01 : f32
      %max3A_1158 = vector.broadcast %jit3A_1156 : f32 to vector<16xf32>
      %max3A_1159 = arith.maximumf %max3A_1158, %get3A_1155 : vector<16xf32>
      %min3A_1160 = vector.broadcast %jit3A_1157 : f32 to vector<16xf32>
      %min3A_1161 = arith.minimumf %min3A_1160, %max3A_1159 : vector<16xf32>
      %get3A_1162 = arith.constant 32 : index
      %get3A_1163 = tpu.vector_load %arg12[%get3A_1162] {strides = array<i32>} : memref<64xf32, #tpu.memory_space<vmem>>, vector<16xf32>,
      %get3A_1164 = vector.shape_cast %get3A_1163 : vector<16xf32> to vector<16xf32>
      %get3A_1165 = arith.constant 32 : index
      %get3A_1166 = tpu.vector_load %arg18[%get3A_1165] {strides = array<i32>} : memref<64xf32, #tpu.memory_space<vmem>>, vector<16xf32>,
      %get3A_1167 = vector.shape_cast %get3A_1166 : vector<16xf32> to vector<16xf32>
      %mul3A_1168 = arith.mulf %get3A_1164, %get3A_1164 : vector<16xf32>
      %mul3A_1169 = arith.constant 2.000000e+00 : f32
      %mul3A_1170 = vector.broadcast %mul3A_1169 : f32 to vector<16xf32>
      %mul3A_1171 = arith.mulf %mul3A_1170, %min3A_1161 : vector<16xf32>
      %mul3A_1172 = arith.mulf %mul3A_1171, %get3A_1164 : vector<16xf32>
      %sub3A_1173 = arith.subf %mul3A_1168, %mul3A_1172 : vector<16xf32>
      %mul3A_1174 = arith.mulf %get3A_1167, %sub3A_1173 : vector<16xf32>
      %add3A_1175 = arith.addf %add3A_1152, %mul3A_1174 : vector<16xf32>
      %get3A_1176 = arith.constant 48 : index
      %get3A_1177 = tpu.vector_load %arg21[%get3A_1176] {strides = array<i32>} : memref<64xf32, #tpu.memory_space<vmem>>, vector<16xf32>,
      %get3A_1178 = vector.shape_cast %get3A_1177 : vector<16xf32> to vector<16xf32>
      %jit3A_1179 = arith.constant -1.000000e+01 : f32
      %jit3A_1180 = arith.constant 1.000000e+01 : f32
      %max3A_1181 = vector.broadcast %jit3A_1179 : f32 to vector<16xf32>
      %max3A_1182 = arith.maximumf %max3A_1181, %get3A_1178 : vector<16xf32>
      %min3A_1183 = vector.broadcast %jit3A_1180 : f32 to vector<16xf32>
      %min3A_1184 = arith.minimumf %min3A_1183, %max3A_1182 : vector<16xf32>
      %get3A_1185 = arith.constant 48 : index
      %get3A_1186 = tpu.vector_load %arg12[%get3A_1185] {strides = array<i32>} : memref<64xf32, #tpu.memory_space<vmem>>, vector<16xf32>,
      %get3A_1187 = vector.shape_cast %get3A_1186 : vector<16xf32> to vector<16xf32>
      %get3A_1188 = arith.constant 48 : index
      %get3A_1189 = tpu.vector_load %arg18[%get3A_1188] {strides = array<i32>} : memref<64xf32, #tpu.memory_space<vmem>>, vector<16xf32>,
      %get3A_1190 = vector.shape_cast %get3A_1189 : vector<16xf32> to vector<16xf32>
      %mul3A_1191 = arith.mulf %get3A_1187, %get3A_1187 : vector<16xf32>
      %mul3A_1192 = arith.constant 2.000000e+00 : f32
      %mul3A_1193 = vector.broadcast %mul3A_1192 : f32 to vector<16xf32>
      %mul3A_1194 = arith.mulf %mul3A_1193, %min3A_1184 : vector<16xf32>
      %mul3A_1195 = arith.mulf %mul3A_1194, %get3A_1187 : vector<16xf32>
      %sub3A_1196 = arith.subf %mul3A_1191, %mul3A_1195 : vector<16xf32>
      %mul3A_1197 = arith.mulf %get3A_1190, %sub3A_1196 : vector<16xf32>
      %add3A_1198 = arith.addf %add3A_1175, %mul3A_1197 : vector<16xf32>
      %get3A_1199 = arith.constant 0 : index
      %get3A_1200 = tpu.vector_load %arg14[%get3A_1199] {strides = array<i32>} : memref<64xi32, #tpu.memory_space<vmem>>, vector<16xi32>,
      %get3A_1201 = vector.shape_cast %get3A_1200 : vector<16xi32> to vector<16xi32>
      %min3A_1202 = arith.constant 16383 : i32
      %min3A_1203 = vector.broadcast %min3A_1202 : i32 to vector<16xi32>
      %min3A_1204 = arith.minsi %get3A_1201, %min3A_1203 : vector<16xi32>
      %add3A_1205 = arith.constant 65536 : i32
      %add3A_1206 = arith.addi %mul3A_591, %add3A_1205 : i32
      %add3A_1207 = vector.broadcast %add3A_1206 : i32 to vector<16xi32>
      %add3A_1208 = arith.addi %add3A_1207, %min3A_1204 : vector<16xi32>
      %swap3A_1209 = arith.constant 0 : index
      %swap3A_1210 = tpu.vector_load %arg20[%swap3A_1209] {strides = array<i32>} : memref<64xi32, #tpu.memory_space<vmem>>, vector<16xi32>,
      %swap3A_1211 = vector.shape_cast %swap3A_1210 : vector<16xi32> to vector<16xi32>
      %swap3A_1212 = vector.shape_cast %add3A_1208 : vector<16xi32> to vector<16xi32>
      tpu.vector_store %arg20[%swap3A_1209], %swap3A_1212 {strides = array<i32>} : memref<64xi32, #tpu.memory_space<vmem>>, vector<16xi32>,
      %get3A_1213 = arith.constant 16 : index
      %get3A_1214 = tpu.vector_load %arg14[%get3A_1213] {strides = array<i32>} : memref<64xi32, #tpu.memory_space<vmem>>, vector<16xi32>,
      %get3A_1215 = vector.shape_cast %get3A_1214 : vector<16xi32> to vector<16xi32>
      %min3A_1216 = arith.constant 16383 : i32
      %min3A_1217 = vector.broadcast %min3A_1216 : i32 to vector<16xi32>
      %min3A_1218 = arith.minsi %get3A_1215, %min3A_1217 : vector<16xi32>
      %add3A_1219 = arith.constant 65536 : i32
      %add3A_1220 = arith.addi %mul3A_591, %add3A_1219 : i32
      %add3A_1221 = vector.broadcast %add3A_1220 : i32 to vector<16xi32>
      %add3A_1222 = arith.addi %add3A_1221, %min3A_1218 : vector<16xi32>
      %swap3A_1223 = arith.constant 16 : index
      %swap3A_1224 = tpu.vector_load %arg20[%swap3A_1223] {strides = array<i32>} : memref<64xi32, #tpu.memory_space<vmem>>, vector<16xi32>,
      %swap3A_1225 = vector.shape_cast %swap3A_1224 : vector<16xi32> to vector<16xi32>
      %swap3A_1226 = vector.shape_cast %add3A_1222 : vector<16xi32> to vector<16xi32>
      tpu.vector_store %arg20[%swap3A_1223], %swap3A_1226 {strides = array<i32>} : memref<64xi32, #tpu.memory_space<vmem>>, vector<16xi32>,
      %get3A_1227 = arith.constant 32 : index
      %get3A_1228 = tpu.vector_load %arg14[%get3A_1227] {strides = array<i32>} : memref<64xi32, #tpu.memory_space<vmem>>, vector<16xi32>,
      %get3A_1229 = vector.shape_cast %get3A_1228 : vector<16xi32> to vector<16xi32>
      %min3A_1230 = arith.constant 16383 : i32
      %min3A_1231 = vector.broadcast %min3A_1230 : i32 to vector<16xi32>
      %min3A_1232 = arith.minsi %get3A_1229, %min3A_1231 : vector<16xi32>
      %add3A_1233 = arith.constant 65536 : i32
      %add3A_1234 = arith.addi %mul3A_591, %add3A_1233 : i32
      %add3A_1235 = vector.broadcast %add3A_1234 : i32 to vector<16xi32>
      %add3A_1236 = arith.addi %add3A_1235, %min3A_1232 : vector<16xi32>
      %swap3A_1237 = arith.constant 32 : index
      %swap3A_1238 = tpu.vector_load %arg20[%swap3A_1237] {strides = array<i32>} : memref<64xi32, #tpu.memory_space<vmem>>, vector<16xi32>,
      %swap3A_1239 = vector.shape_cast %swap3A_1238 : vector<16xi32> to vector<16xi32>
      %swap3A_1240 = vector.shape_cast %add3A_1236 : vector<16xi32> to vector<16xi32>
      tpu.vector_store %arg20[%swap3A_1237], %swap3A_1240 {strides = array<i32>} : memref<64xi32, #tpu.memory_space<vmem>>, vector<16xi32>,
      %get3A_1241 = arith.constant 48 : index
      %get3A_1242 = tpu.vector_load %arg14[%get3A_1241] {strides = array<i32>} : memref<64xi32, #tpu.memory_space<vmem>>, vector<16xi32>,
      %get3A_1243 = vector.shape_cast %get3A_1242 : vector<16xi32> to vector<16xi32>
      %min3A_1244 = arith.constant 16383 : i32
      %min3A_1245 = vector.broadcast %min3A_1244 : i32 to vector<16xi32>
      %min3A_1246 = arith.minsi %get3A_1243, %min3A_1245 : vector<16xi32>
      %add3A_1247 = arith.constant 65536 : i32
      %add3A_1248 = arith.addi %mul3A_591, %add3A_1247 : i32
      %add3A_1249 = vector.broadcast %add3A_1248 : i32 to vector<16xi32>
      %add3A_1250 = arith.addi %add3A_1249, %min3A_1246 : vector<16xi32>
      %swap3A_1251 = arith.constant 48 : index
      %swap3A_1252 = tpu.vector_load %arg20[%swap3A_1251] {strides = array<i32>} : memref<64xi32, #tpu.memory_space<vmem>>, vector<16xi32>,
      %swap3A_1253 = vector.shape_cast %swap3A_1252 : vector<16xi32> to vector<16xi32>
      %swap3A_1254 = vector.shape_cast %add3A_1250 : vector<16xi32> to vector<16xi32>
      tpu.vector_store %arg20[%swap3A_1251], %swap3A_1254 {strides = array<i32>} : memref<64xi32, #tpu.memory_space<vmem>>, vector<16xi32>,
      %dma_start3A_1255 = arith.constant 0 : i32
      %dma_start3A_1256 = tpu.memref_slice %arg2[%dma_start3A_1255] : memref<11141120xf32, #tpu.memory_space<hbm>> -> memref<11141120xf32, #tpu.memory_space<hbm>>
      tpu.enqueue_indirect_dma source(%dma_start3A_1256 : memref<11141120xf32, #tpu.memory_space<hbm>>) target(%arg21 : memref<64xf32, #tpu.memory_space<vmem>>) offsets(%arg20 : memref<64xi32, #tpu.memory_space<vmem>>) semaphore(%arg23 : memref<!tpu.dma_semaphore, #tpu.memory_space<semaphore_mem>>)
      %dma_wait3A_1257 = arith.constant 0 : i32
      %dma_wait3A_1258 = tpu.memref_slice %arg2[%dma_wait3A_1257] : memref<11141120xf32, #tpu.memory_space<hbm>> -> memref<11141120xf32, #tpu.memory_space<hbm>>
      tpu.wait_indirect_dma semaphore(%arg23 : memref<!tpu.dma_semaphore, #tpu.memory_space<semaphore_mem>>) src(%dma_wait3A_1258 : memref<11141120xf32, #tpu.memory_space<hbm>>) dst(%arg21 : memref<64xf32, #tpu.memory_space<vmem>>)
      %get3A_1259 = arith.constant 0 : index
      %get3A_1260 = tpu.vector_load %arg21[%get3A_1259] {strides = array<i32>} : memref<64xf32, #tpu.memory_space<vmem>>, vector<16xf32>,
      %get3A_1261 = vector.shape_cast %get3A_1260 : vector<16xf32> to vector<16xf32>
      %jit3A_1262 = arith.constant -1.000000e+01 : f32
      %jit3A_1263 = arith.constant 1.000000e+01 : f32
      %max3A_1264 = vector.broadcast %jit3A_1262 : f32 to vector<16xf32>
      %max3A_1265 = arith.maximumf %max3A_1264, %get3A_1261 : vector<16xf32>
      %min3A_1266 = vector.broadcast %jit3A_1263 : f32 to vector<16xf32>
      %min3A_1267 = arith.minimumf %min3A_1266, %max3A_1265 : vector<16xf32>
      %get3A_1268 = arith.constant 0 : index
      %get3A_1269 = tpu.vector_load %arg18[%get3A_1268] {strides = array<i32>} : memref<64xf32, #tpu.memory_space<vmem>>, vector<16xf32>,
      %get3A_1270 = vector.shape_cast %get3A_1269 : vector<16xf32> to vector<16xf32>
      %mul3A_1271 = arith.mulf %get3A_1270, %min3A_1267 : vector<16xf32>
      %sub3A_1272 = arith.subf %broadcast_in_dim3A_593, %mul3A_1271 : vector<16xf32>
      %get3A_1273 = arith.constant 16 : index
      %get3A_1274 = tpu.vector_load %arg21[%get3A_1273] {strides = array<i32>} : memref<64xf32, #tpu.memory_space<vmem>>, vector<16xf32>,
      %get3A_1275 = vector.shape_cast %get3A_1274 : vector<16xf32> to vector<16xf32>
      %jit3A_1276 = arith.constant -1.000000e+01 : f32
      %jit3A_1277 = arith.constant 1.000000e+01 : f32
      %max3A_1278 = vector.broadcast %jit3A_1276 : f32 to vector<16xf32>
      %max3A_1279 = arith.maximumf %max3A_1278, %get3A_1275 : vector<16xf32>
      %min3A_1280 = vector.broadcast %jit3A_1277 : f32 to vector<16xf32>
      %min3A_1281 = arith.minimumf %min3A_1280, %max3A_1279 : vector<16xf32>
      %get3A_1282 = arith.constant 16 : index
      %get3A_1283 = tpu.vector_load %arg18[%get3A_1282] {strides = array<i32>} : memref<64xf32, #tpu.memory_space<vmem>>, vector<16xf32>,
      %get3A_1284 = vector.shape_cast %get3A_1283 : vector<16xf32> to vector<16xf32>
      %mul3A_1285 = arith.mulf %get3A_1284, %min3A_1281 : vector<16xf32>
      %sub3A_1286 = arith.subf %sub3A_1272, %mul3A_1285 : vector<16xf32>
      %get3A_1287 = arith.constant 32 : index
      %get3A_1288 = tpu.vector_load %arg21[%get3A_1287] {strides = array<i32>} : memref<64xf32, #tpu.memory_space<vmem>>, vector<16xf32>,
      %get3A_1289 = vector.shape_cast %get3A_1288 : vector<16xf32> to vector<16xf32>
      %jit3A_1290 = arith.constant -1.000000e+01 : f32
      %jit3A_1291 = arith.constant 1.000000e+01 : f32
      %max3A_1292 = vector.broadcast %jit3A_1290 : f32 to vector<16xf32>
      %max3A_1293 = arith.maximumf %max3A_1292, %get3A_1289 : vector<16xf32>
      %min3A_1294 = vector.broadcast %jit3A_1291 : f32 to vector<16xf32>
      %min3A_1295 = arith.minimumf %min3A_1294, %max3A_1293 : vector<16xf32>
      %get3A_1296 = arith.constant 32 : index
      %get3A_1297 = tpu.vector_load %arg18[%get3A_1296] {strides = array<i32>} : memref<64xf32, #tpu.memory_space<vmem>>, vector<16xf32>,
      %get3A_1298 = vector.shape_cast %get3A_1297 : vector<16xf32> to vector<16xf32>
      %mul3A_1299 = arith.mulf %get3A_1298, %min3A_1295 : vector<16xf32>
      %sub3A_1300 = arith.subf %sub3A_1286, %mul3A_1299 : vector<16xf32>
      %get3A_1301 = arith.constant 48 : index
      %get3A_1302 = tpu.vector_load %arg21[%get3A_1301] {strides = array<i32>} : memref<64xf32, #tpu.memory_space<vmem>>, vector<16xf32>,
      %get3A_1303 = vector.shape_cast %get3A_1302 : vector<16xf32> to vector<16xf32>
      %jit3A_1304 = arith.constant -1.000000e+01 : f32
      %jit3A_1305 = arith.constant 1.000000e+01 : f32
      %max3A_1306 = vector.broadcast %jit3A_1304 : f32 to vector<16xf32>
      %max3A_1307 = arith.maximumf %max3A_1306, %get3A_1303 : vector<16xf32>
      %min3A_1308 = vector.broadcast %jit3A_1305 : f32 to vector<16xf32>
      %min3A_1309 = arith.minimumf %min3A_1308, %max3A_1307 : vector<16xf32>
      %get3A_1310 = arith.constant 48 : index
      %get3A_1311 = tpu.vector_load %arg18[%get3A_1310] {strides = array<i32>} : memref<64xf32, #tpu.memory_space<vmem>>, vector<16xf32>,
      %get3A_1312 = vector.shape_cast %get3A_1311 : vector<16xf32> to vector<16xf32>
      %mul3A_1313 = arith.mulf %get3A_1312, %min3A_1309 : vector<16xf32>
      %sub3A_1314 = arith.subf %sub3A_1300, %mul3A_1313 : vector<16xf32>
      %get3A_1315 = arith.constant 0 : index
      %get3A_1316 = tpu.vector_load %arg14[%get3A_1315] {strides = array<i32>} : memref<64xi32, #tpu.memory_space<vmem>>, vector<16xi32>,
      %get3A_1317 = vector.shape_cast %get3A_1316 : vector<16xi32> to vector<16xi32>
      %min3A_1318 = arith.constant 16383 : i32
      %min3A_1319 = vector.broadcast %min3A_1318 : i32 to vector<16xi32>
      %min3A_1320 = arith.minsi %get3A_1317, %min3A_1319 : vector<16xi32>
      %get3A_1321 = arith.constant 0 : index
      %get3A_1322 = tpu.vector_load %arg13[%get3A_1321] {strides = array<i32>} : memref<64xi32, #tpu.memory_space<vmem>>, vector<16xi32>,
      %get3A_1323 = vector.shape_cast %get3A_1322 : vector<16xi32> to vector<16xi32>
      %add3A_1324 = arith.constant 5 : i32
      %add3A_1325 = vector.broadcast %add3A_1324 : i32 to vector<16xi32>
      %add3A_1326 = arith.addi %add3A_1325, %get3A_1323 : vector<16xi32>
      %mul3A_1327 = arith.constant 16384 : i32
      %mul3A_1328 = vector.broadcast %mul3A_1327 : i32 to vector<16xi32>
      %mul3A_1329 = arith.muli %add3A_1326, %mul3A_1328 : vector<16xi32>
      %add3A_1330 = vector.broadcast %mul3A_591 : i32 to vector<16xi32>
      %add3A_1331 = arith.addi %add3A_1330, %mul3A_1329 : vector<16xi32>
      %add3A_1332 = arith.addi %add3A_1331, %min3A_1320 : vector<16xi32>
      %swap3A_1333 = arith.constant 0 : index
      %swap3A_1334 = tpu.vector_load %arg20[%swap3A_1333] {strides = array<i32>} : memref<64xi32, #tpu.memory_space<vmem>>, vector<16xi32>,
      %swap3A_1335 = vector.shape_cast %swap3A_1334 : vector<16xi32> to vector<16xi32>
      %swap3A_1336 = vector.shape_cast %add3A_1332 : vector<16xi32> to vector<16xi32>
      tpu.vector_store %arg20[%swap3A_1333], %swap3A_1336 {strides = array<i32>} : memref<64xi32, #tpu.memory_space<vmem>>, vector<16xi32>,
      %get3A_1337 = arith.constant 16 : index
      %get3A_1338 = tpu.vector_load %arg14[%get3A_1337] {strides = array<i32>} : memref<64xi32, #tpu.memory_space<vmem>>, vector<16xi32>,
      %get3A_1339 = vector.shape_cast %get3A_1338 : vector<16xi32> to vector<16xi32>
      %min3A_1340 = arith.constant 16383 : i32
      %min3A_1341 = vector.broadcast %min3A_1340 : i32 to vector<16xi32>
      %min3A_1342 = arith.minsi %get3A_1339, %min3A_1341 : vector<16xi32>
      %get3A_1343 = arith.constant 16 : index
      %get3A_1344 = tpu.vector_load %arg13[%get3A_1343] {strides = array<i32>} : memref<64xi32, #tpu.memory_space<vmem>>, vector<16xi32>,
      %get3A_1345 = vector.shape_cast %get3A_1344 : vector<16xi32> to vector<16xi32>
      %add3A_1346 = arith.constant 5 : i32
      %add3A_1347 = vector.broadcast %add3A_1346 : i32 to vector<16xi32>
      %add3A_1348 = arith.addi %add3A_1347, %get3A_1345 : vector<16xi32>
      %mul3A_1349 = arith.constant 16384 : i32
      %mul3A_1350 = vector.broadcast %mul3A_1349 : i32 to vector<16xi32>
      %mul3A_1351 = arith.muli %add3A_1348, %mul3A_1350 : vector<16xi32>
      %add3A_1352 = vector.broadcast %mul3A_591 : i32 to vector<16xi32>
      %add3A_1353 = arith.addi %add3A_1352, %mul3A_1351 : vector<16xi32>
      %add3A_1354 = arith.addi %add3A_1353, %min3A_1342 : vector<16xi32>
      %swap3A_1355 = arith.constant 16 : index
      %swap3A_1356 = tpu.vector_load %arg20[%swap3A_1355] {strides = array<i32>} : memref<64xi32, #tpu.memory_space<vmem>>, vector<16xi32>,
      %swap3A_1357 = vector.shape_cast %swap3A_1356 : vector<16xi32> to vector<16xi32>
      %swap3A_1358 = vector.shape_cast %add3A_1354 : vector<16xi32> to vector<16xi32>
      tpu.vector_store %arg20[%swap3A_1355], %swap3A_1358 {strides = array<i32>} : memref<64xi32, #tpu.memory_space<vmem>>, vector<16xi32>,
      %get3A_1359 = arith.constant 32 : index
      %get3A_1360 = tpu.vector_load %arg14[%get3A_1359] {strides = array<i32>} : memref<64xi32, #tpu.memory_space<vmem>>, vector<16xi32>,
      %get3A_1361 = vector.shape_cast %get3A_1360 : vector<16xi32> to vector<16xi32>
      %min3A_1362 = arith.constant 16383 : i32
      %min3A_1363 = vector.broadcast %min3A_1362 : i32 to vector<16xi32>
      %min3A_1364 = arith.minsi %get3A_1361, %min3A_1363 : vector<16xi32>
      %get3A_1365 = arith.constant 32 : index
      %get3A_1366 = tpu.vector_load %arg13[%get3A_1365] {strides = array<i32>} : memref<64xi32, #tpu.memory_space<vmem>>, vector<16xi32>,
      %get3A_1367 = vector.shape_cast %get3A_1366 : vector<16xi32> to vector<16xi32>
      %add3A_1368 = arith.constant 5 : i32
      %add3A_1369 = vector.broadcast %add3A_1368 : i32 to vector<16xi32>
      %add3A_1370 = arith.addi %add3A_1369, %get3A_1367 : vector<16xi32>
      %mul3A_1371 = arith.constant 16384 : i32
      %mul3A_1372 = vector.broadcast %mul3A_1371 : i32 to vector<16xi32>
      %mul3A_1373 = arith.muli %add3A_1370, %mul3A_1372 : vector<16xi32>
      %add3A_1374 = vector.broadcast %mul3A_591 : i32 to vector<16xi32>
      %add3A_1375 = arith.addi %add3A_1374, %mul3A_1373 : vector<16xi32>
      %add3A_1376 = arith.addi %add3A_1375, %min3A_1364 : vector<16xi32>
      %swap3A_1377 = arith.constant 32 : index
      %swap3A_1378 = tpu.vector_load %arg20[%swap3A_1377] {strides = array<i32>} : memref<64xi32, #tpu.memory_space<vmem>>, vector<16xi32>,
      %swap3A_1379 = vector.shape_cast %swap3A_1378 : vector<16xi32> to vector<16xi32>
      %swap3A_1380 = vector.shape_cast %add3A_1376 : vector<16xi32> to vector<16xi32>
      tpu.vector_store %arg20[%swap3A_1377], %swap3A_1380 {strides = array<i32>} : memref<64xi32, #tpu.memory_space<vmem>>, vector<16xi32>,
      %get3A_1381 = arith.constant 48 : index
      %get3A_1382 = tpu.vector_load %arg14[%get3A_1381] {strides = array<i32>} : memref<64xi32, #tpu.memory_space<vmem>>, vector<16xi32>,
      %get3A_1383 = vector.shape_cast %get3A_1382 : vector<16xi32> to vector<16xi32>
      %min3A_1384 = arith.constant 16383 : i32
      %min3A_1385 = vector.broadcast %min3A_1384 : i32 to vector<16xi32>
      %min3A_1386 = arith.minsi %get3A_1383, %min3A_1385 : vector<16xi32>
      %get3A_1387 = arith.constant 48 : index
      %get3A_1388 = tpu.vector_load %arg13[%get3A_1387] {strides = array<i32>} : memref<64xi32, #tpu.memory_space<vmem>>, vector<16xi32>,
      %get3A_1389 = vector.shape_cast %get3A_1388 : vector<16xi32> to vector<16xi32>
      %add3A_1390 = arith.constant 5 : i32
      %add3A_1391 = vector.broadcast %add3A_1390 : i32 to vector<16xi32>
      %add3A_1392 = arith.addi %add3A_1391, %get3A_1389 : vector<16xi32>
      %mul3A_1393 = arith.constant 16384 : i32
      %mul3A_1394 = vector.broadcast %mul3A_1393 : i32 to vector<16xi32>
      %mul3A_1395 = arith.muli %add3A_1392, %mul3A_1394 : vector<16xi32>
      %add3A_1396 = vector.broadcast %mul3A_591 : i32 to vector<16xi32>
      %add3A_1397 = arith.addi %add3A_1396, %mul3A_1395 : vector<16xi32>
      %add3A_1398 = arith.addi %add3A_1397, %min3A_1386 : vector<16xi32>
      %swap3A_1399 = arith.constant 48 : index
      %swap3A_1400 = tpu.vector_load %arg20[%swap3A_1399] {strides = array<i32>} : memref<64xi32, #tpu.memory_space<vmem>>, vector<16xi32>,
      %swap3A_1401 = vector.shape_cast %swap3A_1400 : vector<16xi32> to vector<16xi32>
      %swap3A_1402 = vector.shape_cast %add3A_1398 : vector<16xi32> to vector<16xi32>
      tpu.vector_store %arg20[%swap3A_1399], %swap3A_1402 {strides = array<i32>} : memref<64xi32, #tpu.memory_space<vmem>>, vector<16xi32>,
      %dma_start3A_1403 = arith.constant 0 : i32
      %dma_start3A_1404 = tpu.memref_slice %arg2[%dma_start3A_1403] : memref<11141120xf32, #tpu.memory_space<hbm>> -> memref<11141120xf32, #tpu.memory_space<hbm>>
      tpu.enqueue_indirect_dma source(%dma_start3A_1404 : memref<11141120xf32, #tpu.memory_space<hbm>>) target(%arg21 : memref<64xf32, #tpu.memory_space<vmem>>) offsets(%arg20 : memref<64xi32, #tpu.memory_space<vmem>>) semaphore(%arg23 : memref<!tpu.dma_semaphore, #tpu.memory_space<semaphore_mem>>)
      %dma_wait3A_1405 = arith.constant 0 : i32
      %dma_wait3A_1406 = tpu.memref_slice %arg2[%dma_wait3A_1405] : memref<11141120xf32, #tpu.memory_space<hbm>> -> memref<11141120xf32, #tpu.memory_space<hbm>>
      tpu.wait_indirect_dma semaphore(%arg23 : memref<!tpu.dma_semaphore, #tpu.memory_space<semaphore_mem>>) src(%dma_wait3A_1406 : memref<11141120xf32, #tpu.memory_space<hbm>>) dst(%arg21 : memref<64xf32, #tpu.memory_space<vmem>>)
      %get3A_1407 = arith.constant 0 : index
      %get3A_1408 = tpu.vector_load %arg21[%get3A_1407] {strides = array<i32>} : memref<64xf32, #tpu.memory_space<vmem>>, vector<16xf32>,
      %get3A_1409 = vector.shape_cast %get3A_1408 : vector<16xf32> to vector<16xf32>
      %jit3A_1410 = arith.constant -1.000000e+01 : f32
      %jit3A_1411 = arith.constant 1.000000e+01 : f32
      %max3A_1412 = vector.broadcast %jit3A_1410 : f32 to vector<16xf32>
      %max3A_1413 = arith.maximumf %max3A_1412, %get3A_1409 : vector<16xf32>
      %min3A_1414 = vector.broadcast %jit3A_1411 : f32 to vector<16xf32>
      %min3A_1415 = arith.minimumf %min3A_1414, %max3A_1413 : vector<16xf32>
      %get3A_1416 = arith.constant 0 : index
      %get3A_1417 = tpu.vector_load %arg19[%get3A_1416] {strides = array<i32>} : memref<64xf32, #tpu.memory_space<vmem>>, vector<16xf32>,
      %get3A_1418 = vector.shape_cast %get3A_1417 : vector<16xf32> to vector<16xf32>
      %mul3A_1419 = arith.mulf %get3A_1418, %min3A_1415 : vector<16xf32>
      %sub3A_1420 = arith.subf %broadcast_in_dim3A_593, %mul3A_1419 : vector<16xf32>
      %get3A_1421 = arith.constant 16 : index
      %get3A_1422 = tpu.vector_load %arg21[%get3A_1421] {strides = array<i32>} : memref<64xf32, #tpu.memory_space<vmem>>, vector<16xf32>,
      %get3A_1423 = vector.shape_cast %get3A_1422 : vector<16xf32> to vector<16xf32>
      %jit3A_1424 = arith.constant -1.000000e+01 : f32
      %jit3A_1425 = arith.constant 1.000000e+01 : f32
      %max3A_1426 = vector.broadcast %jit3A_1424 : f32 to vector<16xf32>
      %max3A_1427 = arith.maximumf %max3A_1426, %get3A_1423 : vector<16xf32>
      %min3A_1428 = vector.broadcast %jit3A_1425 : f32 to vector<16xf32>
      %min3A_1429 = arith.minimumf %min3A_1428, %max3A_1427 : vector<16xf32>
      %get3A_1430 = arith.constant 16 : index
      %get3A_1431 = tpu.vector_load %arg19[%get3A_1430] {strides = array<i32>} : memref<64xf32, #tpu.memory_space<vmem>>, vector<16xf32>,
      %get3A_1432 = vector.shape_cast %get3A_1431 : vector<16xf32> to vector<16xf32>
      %mul3A_1433 = arith.mulf %get3A_1432, %min3A_1429 : vector<16xf32>
      %sub3A_1434 = arith.subf %sub3A_1420, %mul3A_1433 : vector<16xf32>
      %get3A_1435 = arith.constant 32 : index
      %get3A_1436 = tpu.vector_load %arg21[%get3A_1435] {strides = array<i32>} : memref<64xf32, #tpu.memory_space<vmem>>, vector<16xf32>,
      %get3A_1437 = vector.shape_cast %get3A_1436 : vector<16xf32> to vector<16xf32>
      %jit3A_1438 = arith.constant -1.000000e+01 : f32
      %jit3A_1439 = arith.constant 1.000000e+01 : f32
      %max3A_1440 = vector.broadcast %jit3A_1438 : f32 to vector<16xf32>
      %max3A_1441 = arith.maximumf %max3A_1440, %get3A_1437 : vector<16xf32>
      %min3A_1442 = vector.broadcast %jit3A_1439 : f32 to vector<16xf32>
      %min3A_1443 = arith.minimumf %min3A_1442, %max3A_1441 : vector<16xf32>
      %get3A_1444 = arith.constant 32 : index
      %get3A_1445 = tpu.vector_load %arg19[%get3A_1444] {strides = array<i32>} : memref<64xf32, #tpu.memory_space<vmem>>, vector<16xf32>,
      %get3A_1446 = vector.shape_cast %get3A_1445 : vector<16xf32> to vector<16xf32>
      %mul3A_1447 = arith.mulf %get3A_1446, %min3A_1443 : vector<16xf32>
      %sub3A_1448 = arith.subf %sub3A_1434, %mul3A_1447 : vector<16xf32>
      %get3A_1449 = arith.constant 48 : index
      %get3A_1450 = tpu.vector_load %arg21[%get3A_1449] {strides = array<i32>} : memref<64xf32, #tpu.memory_space<vmem>>, vector<16xf32>,
      %get3A_1451 = vector.shape_cast %get3A_1450 : vector<16xf32> to vector<16xf32>
      %jit3A_1452 = arith.constant -1.000000e+01 : f32
      %jit3A_1453 = arith.constant 1.000000e+01 : f32
      %max3A_1454 = vector.broadcast %jit3A_1452 : f32 to vector<16xf32>
      %max3A_1455 = arith.maximumf %max3A_1454, %get3A_1451 : vector<16xf32>
      %min3A_1456 = vector.broadcast %jit3A_1453 : f32 to vector<16xf32>
      %min3A_1457 = arith.minimumf %min3A_1456, %max3A_1455 : vector<16xf32>
      %get3A_1458 = arith.constant 48 : index
      %get3A_1459 = tpu.vector_load %arg19[%get3A_1458] {strides = array<i32>} : memref<64xf32, #tpu.memory_space<vmem>>, vector<16xf32>,
      %get3A_1460 = vector.shape_cast %get3A_1459 : vector<16xf32> to vector<16xf32>
      %mul3A_1461 = arith.mulf %get3A_1460, %min3A_1457 : vector<16xf32>
      %sub3A_1462 = arith.subf %sub3A_1448, %mul3A_1461 : vector<16xf32>
      %add3A_1463 = arith.constant 8 : i32
      %add3A_1464 = vector.broadcast %add3A_1463 : i32 to vector<16xi32>
      %add3A_1465 = arith.addi %iota3A, %add3A_1464 : vector<16xi32>
      %and3A = arith.constant 15 : i32
      %and3A_1466 = vector.broadcast %and3A : i32 to vector<16xi32>
      %and3A_1467 = arith.andi %add3A_1465, %and3A_1466 : vector<16xi32>
      %broadcast_in_dim3A_1468 = vector.shape_cast %and3A_1467 : vector<16xi32> to vector<16x1xi32>
      %gather3A = vector.shape_cast %broadcast_in_dim3A_1468 : vector<16x1xi32> to vector<16xi32>
      %gather3A_1469 = tpu.dynamic_gather %sub3A_1314[%gather3A] in [0] : vector<16xf32>, vector<16xi32> -> vector<16xf32>
      %add3A_1470 = arith.addf %sub3A_1314, %gather3A_1469 : vector<16xf32>
      %broadcast_in_dim3A_1471 = vector.shape_cast %and3A_1467 : vector<16xi32> to vector<16x1xi32>
      %gather3A_1472 = vector.shape_cast %broadcast_in_dim3A_1471 : vector<16x1xi32> to vector<16xi32>
      %gather3A_1473 = tpu.dynamic_gather %sub3A_1462[%gather3A_1472] in [0] : vector<16xf32>, vector<16xi32> -> vector<16xf32>
      %add3A_1474 = arith.addf %sub3A_1462, %gather3A_1473 : vector<16xf32>
      %broadcast_in_dim3A_1475 = vector.shape_cast %and3A_1467 : vector<16xi32> to vector<16x1xi32>
      %gather3A_1476 = vector.shape_cast %broadcast_in_dim3A_1475 : vector<16x1xi32> to vector<16xi32>
      %gather3A_1477 = tpu.dynamic_gather %add3A_1198[%gather3A_1476] in [0] : vector<16xf32>, vector<16xi32> -> vector<16xf32>
      %add3A_1478 = arith.addf %add3A_1198, %gather3A_1477 : vector<16xf32>
      %add3A_1479 = arith.constant 4 : i32
      %add3A_1480 = vector.broadcast %add3A_1479 : i32 to vector<16xi32>
      %add3A_1481 = arith.addi %iota3A, %add3A_1480 : vector<16xi32>
      %and3A_1482 = arith.constant 15 : i32
      %and3A_1483 = vector.broadcast %and3A_1482 : i32 to vector<16xi32>
      %and3A_1484 = arith.andi %add3A_1481, %and3A_1483 : vector<16xi32>
      %broadcast_in_dim3A_1485 = vector.shape_cast %and3A_1484 : vector<16xi32> to vector<16x1xi32>
      %gather3A_1486 = vector.shape_cast %broadcast_in_dim3A_1485 : vector<16x1xi32> to vector<16xi32>
      %gather3A_1487 = tpu.dynamic_gather %add3A_1470[%gather3A_1486] in [0] : vector<16xf32>, vector<16xi32> -> vector<16xf32>
      %add3A_1488 = arith.addf %add3A_1470, %gather3A_1487 : vector<16xf32>
      %broadcast_in_dim3A_1489 = vector.shape_cast %and3A_1484 : vector<16xi32> to vector<16x1xi32>
      %gather3A_1490 = vector.shape_cast %broadcast_in_dim3A_1489 : vector<16x1xi32> to vector<16xi32>
      %gather3A_1491 = tpu.dynamic_gather %add3A_1474[%gather3A_1490] in [0] : vector<16xf32>, vector<16xi32> -> vector<16xf32>
      %add3A_1492 = arith.addf %add3A_1474, %gather3A_1491 : vector<16xf32>
      %broadcast_in_dim3A_1493 = vector.shape_cast %and3A_1484 : vector<16xi32> to vector<16x1xi32>
      %gather3A_1494 = vector.shape_cast %broadcast_in_dim3A_1493 : vector<16x1xi32> to vector<16xi32>
      %gather3A_1495 = tpu.dynamic_gather %add3A_1478[%gather3A_1494] in [0] : vector<16xf32>, vector<16xi32> -> vector<16xf32>
      %add3A_1496 = arith.addf %add3A_1478, %gather3A_1495 : vector<16xf32>
      %add3A_1497 = arith.constant 2 : i32
      %add3A_1498 = vector.broadcast %add3A_1497 : i32 to vector<16xi32>
      %add3A_1499 = arith.addi %iota3A, %add3A_1498 : vector<16xi32>
      %and3A_1500 = arith.constant 15 : i32
      %and3A_1501 = vector.broadcast %and3A_1500 : i32 to vector<16xi32>
      %and3A_1502 = arith.andi %add3A_1499, %and3A_1501 : vector<16xi32>
      %broadcast_in_dim3A_1503 = vector.shape_cast %and3A_1502 : vector<16xi32> to vector<16x1xi32>
      %gather3A_1504 = vector.shape_cast %broadcast_in_dim3A_1503 : vector<16x1xi32> to vector<16xi32>
      %gather3A_1505 = tpu.dynamic_gather %add3A_1488[%gather3A_1504] in [0] : vector<16xf32>, vector<16xi32> -> vector<16xf32>
      %add3A_1506 = arith.addf %add3A_1488, %gather3A_1505 : vector<16xf32>
      %broadcast_in_dim3A_1507 = vector.shape_cast %and3A_1502 : vector<16xi32> to vector<16x1xi32>
      %gather3A_1508 = vector.shape_cast %broadcast_in_dim3A_1507 : vector<16x1xi32> to vector<16xi32>
      %gather3A_1509 = tpu.dynamic_gather %add3A_1492[%gather3A_1508] in [0] : vector<16xf32>, vector<16xi32> -> vector<16xf32>
      %add3A_1510 = arith.addf %add3A_1492, %gather3A_1509 : vector<16xf32>
      %broadcast_in_dim3A_1511 = vector.shape_cast %and3A_1502 : vector<16xi32> to vector<16x1xi32>
      %gather3A_1512 = vector.shape_cast %broadcast_in_dim3A_1511 : vector<16x1xi32> to vector<16xi32>
      %gather3A_1513 = tpu.dynamic_gather %add3A_1496[%gather3A_1512] in [0] : vector<16xf32>, vector<16xi32> -> vector<16xf32>
      %add3A_1514 = arith.addf %add3A_1496, %gather3A_1513 : vector<16xf32>
      %add3A_1515 = arith.constant 1 : i32
      %add3A_1516 = vector.broadcast %add3A_1515 : i32 to vector<16xi32>
      %add3A_1517 = arith.addi %iota3A, %add3A_1516 : vector<16xi32>
      %and3A_1518 = arith.constant 15 : i32
      %and3A_1519 = vector.broadcast %and3A_1518 : i32 to vector<16xi32>
      %and3A_1520 = arith.andi %add3A_1517, %and3A_1519 : vector<16xi32>
      %broadcast_in_dim3A_1521 = vector.shape_cast %and3A_1520 : vector<16xi32> to vector<16x1xi32>
      %gather3A_1522 = vector.shape_cast %broadcast_in_dim3A_1521 : vector<16x1xi32> to vector<16xi32>
      %gather3A_1523 = tpu.dynamic_gather %add3A_1506[%gather3A_1522] in [0] : vector<16xf32>, vector<16xi32> -> vector<16xf32>
      %add3A_1524 = arith.addf %add3A_1506, %gather3A_1523 : vector<16xf32>
      %broadcast_in_dim3A_1525 = vector.shape_cast %and3A_1520 : vector<16xi32> to vector<16x1xi32>
      %gather3A_1526 = vector.shape_cast %broadcast_in_dim3A_1525 : vector<16x1xi32> to vector<16xi32>
      %gather3A_1527 = tpu.dynamic_gather %add3A_1510[%gather3A_1526] in [0] : vector<16xf32>, vector<16xi32> -> vector<16xf32>
      %add3A_1528 = arith.addf %add3A_1510, %gather3A_1527 : vector<16xf32>
      %broadcast_in_dim3A_1529 = vector.shape_cast %and3A_1520 : vector<16xi32> to vector<16x1xi32>
      %gather3A_1530 = vector.shape_cast %broadcast_in_dim3A_1529 : vector<16x1xi32> to vector<16xi32>
      %gather3A_1531 = tpu.dynamic_gather %add3A_1514[%gather3A_1530] in [0] : vector<16xf32>, vector<16xi32> -> vector<16xf32>
      %add3A_1532 = arith.addf %add3A_1514, %gather3A_1531 : vector<16xf32>
      %eq3A = arith.constant 0 : i32
      %eq3A_1533 = vector.broadcast %eq3A : i32 to vector<16xi32>
      %eq3A_1534 = arith.cmpi eq, %iota3A, %eq3A_1533 : vector<16xi32>
      %eq3A_1535 = arith.constant 1 : i32
      %eq3A_1536 = vector.broadcast %eq3A_1535 : i32 to vector<16xi32>
      %eq3A_1537 = arith.cmpi eq, %iota3A, %eq3A_1536 : vector<16xi32>
      %eq3A_1538 = arith.constant 2 : i32
      %eq3A_1539 = vector.broadcast %eq3A_1538 : i32 to vector<16xi32>
      %eq3A_1540 = arith.cmpi eq, %iota3A, %eq3A_1539 : vector<16xi32>
      %jit3A_1541 = arith.constant 0.000000e+00 : f32
      %broadcast_in_dim3A_1542 = vector.broadcast %jit3A_1541 : f32 to vector<16xf32>
      %select_n3A_1543 = arith.select %eq3A_1540, %add3A_1532, %broadcast_in_dim3A_1542 : vector<16xi1>, vector<16xf32>
      %select_n3A_1544 = arith.select %eq3A_1537, %add3A_1528, %select_n3A_1543 : vector<16xi1>, vector<16xf32>
      %select_n3A_1545 = arith.select %eq3A_1534, %add3A_1524, %select_n3A_1544 : vector<16xi1>, vector<16xf32>
      %swap3A_1546 = arith.constant 0 : index
      %swap3A_1547 = tpu.vector_load %arg22[%swap3A_1546] {strides = array<i32>} : memref<16xf32, #tpu.memory_space<vmem>>, vector<16xf32>,
      %swap3A_1548 = vector.shape_cast %swap3A_1547 : vector<16xf32> to vector<16xf32>
      %swap3A_1549 = vector.shape_cast %select_n3A_1545 : vector<16xf32> to vector<16xf32>
      tpu.vector_store %arg22[%swap3A_1546], %swap3A_1549 {strides = array<i32>} : memref<16xf32, #tpu.memory_space<vmem>>, vector<16xf32>,
      "tpu.region"() ({
        %run_scoped3A = tpu.sem_alloc : memref<!tpu.dma_semaphore, #tpu.memory_space<semaphore_mem>>
        %dma_start3A_1550 = arith.constant 0 : i32
        %dma_start3A_1551 = tpu.memref_slice %arg8[%add3A, %dma_start3A_1550] : memref<8x16xf32, #tpu.memory_space<hbm>> -> memref<1x16xf32, #tpu.memory_space<hbm>>
        %dma_start3A_1552 = tpu.memref_squeeze %dma_start3A_1551 : memref<1x16xf32, #tpu.memory_space<hbm>> -> memref<16xf32, #tpu.memory_space<hbm>>
        %dma_start3A_1553 = arith.constant 0 : i32
        %dma_start3A_1554 = tpu.memref_slice %arg8[%add3A, %dma_start3A_1553] : memref<8x16xf32, #tpu.memory_space<hbm>> -> memref<1x16xf32, #tpu.memory_space<hbm>>
        %dma_start3A_1555 = tpu.memref_squeeze %dma_start3A_1554 : memref<1x16xf32, #tpu.memory_space<hbm>> -> memref<16xf32, #tpu.memory_space<hbm>>
        tpu.enqueue_dma source(%arg22 : memref<16xf32, #tpu.memory_space<vmem>>) target(%dma_start3A_1555 : memref<16xf32, #tpu.memory_space<hbm>>) target_semaphore(%run_scoped3A : memref<!tpu.dma_semaphore, #tpu.memory_space<semaphore_mem>>)
        %dma_wait3A_1556 = arith.constant 0 : i32
        %dma_wait3A_1557 = tpu.memref_slice %arg8[%add3A, %dma_wait3A_1556] : memref<8x16xf32, #tpu.memory_space<hbm>> -> memref<1x16xf32, #tpu.memory_space<hbm>>
        %dma_wait3A_1558 = tpu.memref_squeeze %dma_wait3A_1557 : memref<1x16xf32, #tpu.memory_space<hbm>> -> memref<16xf32, #tpu.memory_space<hbm>>
        %dma_wait3A_1559 = arith.constant 0 : i32
        %dma_wait3A_1560 = tpu.memref_slice %arg8[%add3A, %dma_wait3A_1559] : memref<8x16xf32, #tpu.memory_space<hbm>> -> memref<1x16xf32, #tpu.memory_space<hbm>>
        %dma_wait3A_1561 = tpu.memref_squeeze %dma_wait3A_1560 : memref<1x16xf32, #tpu.memory_space<hbm>> -> memref<16xf32, #tpu.memory_space<hbm>>
        tpu.wait_dma2 semaphore(%run_scoped3A : memref<!tpu.dma_semaphore, #tpu.memory_space<semaphore_mem>>) src(%arg22 : memref<16xf32, #tpu.memory_space<vmem>>) dst(%dma_wait3A_1561 : memref<16xf32, #tpu.memory_space<hbm>>)
        tpu.yield
      }) : () -> ()
    } else {
    }
    return
  }
}

module attributes {stable_mosaic.version = 14 : i64} {
  func.func @_dense_body(%arg0: i32, %arg1: memref<1x85x128x128xf32, #tpu.memory_space<vmem>>, %arg2: memref<1x1x128xf32, #tpu.memory_space<vmem>>) attributes {dimension_semantics = [#tpu.dimension_semantics<arbitrary>], iteration_bounds = array<i64: 8>, scalar_prefetch = 0 : i64, scratch_operands = 0 : i64, tpu.core_type = #tpu.core_type<tc>, window_params = [{transform_indices = @transform_0, window_bounds = array<i64: 1, 85, 128, 128>}, {transform_indices = @transform_1, window_bounds = array<i64: 1, 1, 128>}]} {
    %get3A = arith.constant 0 : index
    %get3A_0 = arith.constant 0 : index
    %get3A_1 = arith.constant 0 : index
    %get3A_2 = arith.constant 0 : index
    %get3A_3 = vector.load %arg1[%get3A, %get3A_0, %get3A_1, %get3A_2] : memref<1x85x128x128xf32, #tpu.memory_space<vmem>>, vector<1x85x128x128xf32>
    %get3A_4 = vector.shape_cast %get3A_3 : vector<1x85x128x128xf32> to vector<85x128x128xf32>
    %slice3A = vector.extract_strided_slice %get3A_4 {offsets = [0, 0, 0], sizes = [4, 128, 128], strides = [1, 1, 1]} : vector<85x128x128xf32> to vector<4x128x128xf32>
    %jit3A = arith.constant -1.000000e+01 : f32
    %jit3A_5 = arith.constant 1.000000e+01 : f32
    %max3A = vector.broadcast %jit3A : f32 to vector<4x128x128xf32>
    %max3A_6 = arith.maximumf %max3A, %slice3A : vector<4x128x128xf32>
    %min3A = vector.broadcast %jit3A_5 : f32 to vector<4x128x128xf32>
    %min3A_7 = arith.minimumf %min3A, %max3A_6 : vector<4x128x128xf32>
    %mul3A = arith.mulf %min3A_7, %min3A_7 : vector<4x128x128xf32>
    %reduce_sum3A = vector.shape_cast %mul3A : vector<4x128x128xf32> to vector<1x4x128x128xf32>
    %reduce_sum3A_8 = arith.constant dense<0.000000e+00> : vector<1xf32>
    %reduce_sum3A_9 = vector.multi_reduction <add>, %reduce_sum3A, %reduce_sum3A_8 [1, 2, 3] : vector<1x4x128x128xf32> to vector<1xf32>
    %reduce_sum3A_10 = vector.shape_cast %reduce_sum3A_9 : vector<1xf32> to vector<1x1x1x1xf32>
    %reduce_sum3A_11 = vector.extract %reduce_sum3A_10[0, 0, 0, 0] : f32 from vector<1x1x1x1xf32>
    %slice3A_12 = vector.extract_strided_slice %get3A_4 {offsets = [4, 0, 0], sizes = [81, 128, 128], strides = [1, 1, 1]} : vector<85x128x128xf32> to vector<81x128x128xf32>
    %jit3A_13 = arith.constant -1.000000e+01 : f32
    %jit3A_14 = arith.constant 1.000000e+01 : f32
    %max3A_15 = vector.broadcast %jit3A_13 : f32 to vector<81x128x128xf32>
    %max3A_16 = arith.maximumf %max3A_15, %slice3A_12 : vector<81x128x128xf32>
    %min3A_17 = vector.broadcast %jit3A_14 : f32 to vector<81x128x128xf32>
    %min3A_18 = arith.minimumf %min3A_17, %max3A_16 : vector<81x128x128xf32>
    %mul3A_19 = arith.constant 1.44269502 : f32
    %mul3A_20 = vector.broadcast %mul3A_19 : f32 to vector<81x128x128xf32>
    %mul3A_21 = arith.mulf %min3A_18, %mul3A_20 : vector<81x128x128xf32>
    %exp23A = math.exp2 %mul3A_21 : vector<81x128x128xf32>
    %add3A = arith.constant 1.000000e+00 : f32
    %add3A_22 = vector.broadcast %add3A : f32 to vector<81x128x128xf32>
    %add3A_23 = arith.addf %add3A_22, %exp23A : vector<81x128x128xf32>
    %log3A = math.log %add3A_23 : vector<81x128x128xf32>
    %reduce_sum3A_24 = vector.shape_cast %log3A : vector<81x128x128xf32> to vector<1x81x128x128xf32>
    %reduce_sum3A_25 = arith.constant dense<0.000000e+00> : vector<1xf32>
    %reduce_sum3A_26 = vector.multi_reduction <add>, %reduce_sum3A_24, %reduce_sum3A_25 [1, 2, 3] : vector<1x81x128x128xf32> to vector<1xf32>
    %reduce_sum3A_27 = vector.shape_cast %reduce_sum3A_26 : vector<1xf32> to vector<1x1x1x1xf32>
    %reduce_sum3A_28 = vector.extract %reduce_sum3A_27[0, 0, 0, 0] : f32 from vector<1x1x1x1xf32>
    %mul3A_29 = arith.constant 9.5367433E-8 : f32
    %mul3A_30 = arith.mulf %mul3A_29, %reduce_sum3A_28 : f32
    %slice3A_31 = vector.extract_strided_slice %log3A {offsets = [0, 0, 0], sizes = [1, 128, 128], strides = [1, 1, 1]} : vector<81x128x128xf32> to vector<1x128x128xf32>
    %squeeze3A = vector.shape_cast %slice3A_31 : vector<1x128x128xf32> to vector<128x128xf32>
    %reduce_sum3A_32 = vector.shape_cast %squeeze3A : vector<128x128xf32> to vector<1x128x128xf32>
    %reduce_sum3A_33 = arith.constant dense<0.000000e+00> : vector<1xf32>
    %reduce_sum3A_34 = vector.multi_reduction <add>, %reduce_sum3A_32, %reduce_sum3A_33 [1, 2] : vector<1x128x128xf32> to vector<1xf32>
    %reduce_sum3A_35 = vector.shape_cast %reduce_sum3A_34 : vector<1xf32> to vector<1x1x1xf32>
    %reduce_sum3A_36 = vector.extract %reduce_sum3A_35[0, 0, 0] : f32 from vector<1x1x1xf32>
    %mul3A_37 = arith.constant 7.53402719E-6 : f32
    %mul3A_38 = arith.mulf %mul3A_37, %reduce_sum3A_36 : f32
    %add3A_39 = arith.addf %mul3A_30, %mul3A_38 : f32
    %iota3A = tpu.iota {dimensions = array<i32: 1>} : vector<1x128xi32>
    %eq3A = arith.constant 0 : i32
    %eq3A_40 = vector.broadcast %eq3A : i32 to vector<1x128xi32>
    %eq3A_41 = arith.cmpi eq, %iota3A, %eq3A_40 : vector<1x128xi32>
    %eq3A_42 = arith.constant 1 : i32
    %eq3A_43 = vector.broadcast %eq3A_42 : i32 to vector<1x128xi32>
    %eq3A_44 = arith.cmpi eq, %iota3A, %eq3A_43 : vector<1x128xi32>
    %jit3A_45 = arith.constant 0.000000e+00 : f32
    %broadcast_in_dim3A = vector.broadcast %add3A_39 : f32 to vector<1x128xf32>
    %broadcast_in_dim3A_46 = vector.broadcast %jit3A_45 : f32 to vector<1x128xf32>
    %select_n3A = arith.select %eq3A_44, %broadcast_in_dim3A, %broadcast_in_dim3A_46 : vector<1x128xi1>, vector<1x128xf32>
    %broadcast_in_dim3A_47 = vector.broadcast %reduce_sum3A_11 : f32 to vector<1x128xf32>
    %select_n3A_48 = arith.select %eq3A_41, %broadcast_in_dim3A_47, %select_n3A : vector<1x128xi1>, vector<1x128xf32>
    %swap3A = arith.constant 0 : index
    %swap3A_49 = arith.constant 0 : index
    %swap3A_50 = arith.constant 0 : index
    %swap3A_51 = vector.load %arg2[%swap3A, %swap3A_49, %swap3A_50] : memref<1x1x128xf32, #tpu.memory_space<vmem>>, vector<1x1x128xf32>
    %swap3A_52 = vector.shape_cast %swap3A_51 : vector<1x1x128xf32> to vector<1x128xf32>
    %swap3A_53 = vector.shape_cast %select_n3A_48 : vector<1x128xf32> to vector<1x1x128xf32>
    tpu.vector_store %arg2[%swap3A, %swap3A_49, %swap3A_50], %swap3A_53 {strides = array<i32>} : memref<1x1x128xf32, #tpu.memory_space<vmem>>, vector<1x1x128xf32>,
    return
  }
  func.func @transform_0(%arg0: i32) -> (i32, i32, i32, i32) {
    %c0_i32 = arith.constant 0 : i32
    %c0_i32_0 = arith.constant 0 : i32
    %c0_i32_1 = arith.constant 0 : i32
    %c0_i32_2 = arith.constant 0 : i32
    return %arg0, %c0_i32, %c0_i32_0, %c0_i32_1 : i32, i32, i32, i32
  }
  func.func @transform_1(%arg0: i32) -> (i32, i32, i32) {
    %c0_i32 = arith.constant 0 : i32
    %c0_i32_0 = arith.constant 0 : i32
    %c0_i32_1 = arith.constant 0 : i32
    return %arg0, %c0_i32, %c0_i32_0 : i32, i32, i32
  }
}

</mosaic_0001>

<sc_bundles>
// kernel: kernel.4.cloned.1.call-start
scs
__scs_entry_jumppad:
0x0: {  	(pc) =	sbr.rel $0x88, $3  }
0x1: {  	(tag) =	ssettag $0x0;
	lr =	simm.s32 $0x1  }
0x2: {  	[smem:$0x3F9E] =	sst lr;
	_ =	strace $0xD0000000  }
0x3: {  	_ = 	snop  }
0x4: {  	_ = 	snop  }
0x5: {  	_ = 	snop  }
0x6: {  	_ = 	snop  }
0x7: {  	_ = 	snop  }
__scs_overlays_trampoline_lowered:
0x8: {  	[smem:$0x3FAD] =	sst s0  }
0x9: {  	[smem:$0x3FAE] =	sst s1  }
0xa: {  	[smem:$0x3FAF] =	sst s2  }
0xb: {  	[smem:$0x3FB0] =	sst s3  }
0xc: {  	[smem:$0x3FB1] =	sst s4  }
0xd: {  	[smem:$0x3FB2] =	sst s5  }
0xe: {  	[smem:$0x3FB3] =	sst s6  }
0xf: {  	[smem:$0x3FB4] =	sst s7  }
0x10: {  	[smem:$0x3FB5] =	sst s8  }
0x11: {  	[smem:$0x3FB6] =	sst s9;
	s0 =	simm.s32 @!p0 $0x0  }
0x12: {  	s1 =	sld [smem:$0x3F9C];
	s0 =	simm.s32 @p0 $0x1  }
0x13: {  	[smem:$0x3FB7] =	sst s0;
	s0 =	simm.s32 @!p1 $0x0  }
0x14: {  	s2 =	sld [smem:$0x3F9B];
	s0 =	simm.s32 @p1 $0x1  }
0x15: {  	[smem:$0x3FB8] =	sst s0;
	s0 =	simm.s32 @!p2 $0x0  }
0x16: {  	s3 =	sld [smem:$0x3FDB];
	s0 =	simm.s32 @p2 $0x1  }
0x17: {  	s4 =	simm.s32 $0x1BF5;
	[smem:$0x3FBA] =	sst s0  }
0x18: {  	s0 =	sld [smem:$0x3F9D];
	_ =	swait.ge [sflag:s4], $0x0  }
0x19: {  	s7 =	sld [smem:$0x3F9E]  }
0x1a: {  	s8 =	sadd.s32 $0xFFFFE003, lr  }
0x1b: {  	s9 =	sadd.s32 $0xFFFFFEF7, lr;
	s5 =	simm.s32 $0xFFFFFFFF;
	p2 =	slt.u32 s8, $0xFFFFF086  }
0x1c: {  	p1 =	slt.u32 s9, $0xF7A;
	s5 =	simm.s32 @!p2 $0x0  }
0x1d: {  	s5 =	simm.s32 @p1 $0x1;
	p0 =	seq.s32 s7, s2  }
0x1e: {  	s7 =	smul.u32 @!p0 $0xF7A, s2;
	p2 =	seq.s32 @!p0 s5, $0x0  }
0x1f: {  	s9 =	smul.u32 $0xF7A, s1;
	s8 =	simm.s32 @!p0 $0x1BF5;
	p2 =	por !p2, p0  }
0x20: {  	[sflag:s8] =	ssyncset.s32 @!p0 $0xFFFFF086;
	s6 =	sadd.s32 @!p0 s3, s7;
	s7 =	simm.s32 @!p0 $0x108  }
0x21: {  	s3 =	sadd.s32 s3, s9;
	s6 =	sadd.s32 @!p0 $0x88, s6;
	s7 =	simm.s32 @p2 $0x1082  }
0x22: {  	[simem:s7], [sflag:s8] =	dma.local @!p0 [hbm:s6], $0xF7A  }
0x23: {  	s9 =	sor.u32 $0xD0000000, s2;
	s6 =	simm.s32 $0x108;
	_ =	swait.ge @!p0 [sflag:s8], $0x0  }
0x24: {  	s3 =	sadd.s32 $0x88, s3;
	s6 =	simm.s32 @!p1 $0x1082;
	[sflag:s4] =	ssyncset.s32 $0xFFFFF086  }
0x25: {  	[simem:s6], [sflag:s4] =	dma.local [hbm:s3], $0xF7A  }
0x26: {  	[smem:$0x3F9E] =	sst s1;
	(tag) =	ssettag s2;
	_ =	strace s9  }
0x27: {  	s1 =	sld [smem:$0x3FAE]  }
0x28: {  	s2 =	sld [smem:$0x3FAF]  }
0x29: {  	s4 =	sld [smem:$0x3FB1]  }
0x2a: {  	p0 =	seq.s32 s5, $0x0;
	s5 =	sld [smem:$0x3FB2]  }
0x2b: {  	s6 =	sld [smem:$0x3FB3]  }
0x2c: {  	s7 =	sld [smem:$0x3FB4]  }
0x2d: {  	s3 =	simm.s32 $0x108;
	s8 =	sld [smem:$0x3FB5]  }
0x2e: {  	s3 =	simm.s32 @!p0 $0x1082;
	s9 =	sld [smem:$0x3FB6]  }
0x2f: {  	lr =	sadd.s32 s0, s3;
	s0 =	sld [smem:$0x3FAD]  }
0x30: {  	s3 =	sld [smem:$0x3FB0]  }
0x31: {  	[smem:$0x3FB9] =	sst s10  }
0x32: {  	s10 =	sld [smem:$0x3FB7];
	_ =	sdelay $0x3  }
0x33: {  	p0 =	seq.s32 s10, $0x1;
	s10 =	sld [smem:$0x3FB9];
	_ =	sdelay $0x3  }
0x34: {  	[smem:$0x3FB9] =	sst s10  }
0x35: {  	s10 =	sld [smem:$0x3FB8];
	_ =	sdelay $0x3  }
0x36: {  	p1 =	seq.s32 s10, $0x1;
	s10 =	sld [smem:$0x3FB9];
	_ =	sdelay $0x3  }
0x37: {  	[smem:$0x3FB9] =	sst s10  }
0x38: {  	s10 =	sld [smem:$0x3FBA]  }
0x39: {  	_ = 	snop;
	(pc) =	sbr.ind lr, $3  }
0x3a: {  	_ = 	snop  }
0x3b: {  	_ = 	snop  }
0x3c: {  	p2 =	seq.s32 s10, $0x1;
	s10 =	sld [smem:$0x3FB9]  }
0x3d: {  	_ =	shalt  }
0x3e: {  	_ =	shalt  }
0x3f: {  	_ =	shalt  }
0x40: {  	_ =	shalt  }
0x41: {  	_ =	shalt  }
0x42: {  	_ =	shalt  }
0x43: {  	_ =	shalt  }
0x44: {  	_ =	shalt  }
0x45: {  	_ =	shalt  }
0x46: {  	_ =	shalt  }
0x47: {  	_ =	shalt  }
0x48: {  	_ =	shalt  }
0x49: {  	_ =	shalt  }
0x4a: {  	_ =	shalt  }
0x4b: {  	_ =	shalt  }
0x4c: {  	_ =	shalt  }
0x4d: {  	_ =	shalt  }
0x4e: {  	_ =	shalt  }
0x4f: {  	_ =	shalt  }
0x50: {  	_ =	shalt  }
0x51: {  	_ =	shalt  }
0x52: {  	_ =	shalt  }
0x53: {  	_ =	shalt  }
0x54: {  	_ =	shalt  }
0x55: {  	_ =	shalt  }
0x56: {  	_ =	shalt  }
0x57: {  	_ =	shalt  }
0x58: {  	_ =	shalt  }
0x59: {  	_ =	shalt  }
0x5a: {  	_ =	shalt  }
0x5b: {  	_ =	shalt  }
0x5c: {  	_ =	shalt  }
0x5d: {  	_ =	shalt  }
0x5e: {  	_ =	shalt  }
0x5f: {  	_ =	shalt  }
0x60: {  	_ =	shalt  }
0x61: {  	_ =	shalt  }
0x62: {  	_ =	shalt  }
0x63: {  	_ =	shalt  }
0x64: {  	_ =	shalt  }
0x65: {  	_ =	shalt  }
0x66: {  	_ =	shalt  }
0x67: {  	_ =	shalt  }
0x68: {  	_ =	shalt  }
0x69: {  	_ =	shalt  }
0x6a: {  	_ =	shalt  }
0x6b: {  	_ =	shalt  }
0x6c: {  	_ =	shalt  }
0x6d: {  	_ =	shalt  }
0x6e: {  	_ =	shalt  }
0x6f: {  	_ =	shalt  }
0x70: {  	_ =	shalt  }
0x71: {  	_ =	shalt  }
0x72: {  	_ =	shalt  }
0x73: {  	_ =	shalt  }
0x74: {  	_ =	shalt  }
0x75: {  	_ =	shalt  }
0x76: {  	_ =	shalt  }
0x77: {  	_ =	shalt  }
0x78: {  	_ =	shalt  }
0x79: {  	_ =	shalt  }
0x7a: {  	_ =	shalt  }
0x7b: {  	_ =	shalt  }
0x7c: {  	_ =	shalt  }
0x7d: {  	_ =	shalt  }
0x7e: {  	_ =	shalt  }
0x7f: {  	_ =	shalt  }
0x80: {  	_ =	shalt  }
0x81: {  	_ =	shalt  }
0x82: {  	_ =	shalt  }
0x83: {  	_ =	shalt  }
0x84: {  	_ =	shalt  }
0x85: {  	_ =	shalt  }
0x86: {  	_ =	shalt  }
0x87: {  	_ =	shalt  }
.Lfunc_end0:
.L_simem_size_0:
called_computation_lowered:
.L_overlay_start_0:
0x88: {  	s2 =	sld [smem:$0x3FD9]  }
0x89: {  	s3 =	sld [smem:$0x3FFE];
	_ =	sdelay $0x1  }
0x8a: {  	s1 =	srdreg.scid  }
0x8b: {  	s0 =	sand.u32 $0x1, s1  }
0x8c: {  	s17 =	sshll.u32 s0, $0xA;
	s2 =	sadd.s32 s3, s2  }
0x8d: {  	s2 =	sadd.s32 s2, s17  }
0x8e: {  	[smem:$0x3FC5] =	sst s2  }
0x8f: {  	_ = 	snop  }
0x90: {  	s2 =	sld [smem:$0x3FC9];
	(tm) =	ssettm $0x1  }
0x91: {  	s18 =	sld [smem:$0x3FFB];
	_ =	sdelay $0x3  }
0x92: {  	_ =	strace s18  }
0x93: {  	s3 =	sld [smem:$0x3FFC];
	_ =	sdelay $0x3  }
0x94: {  	_ =	strace s3  }
0x95: {  	s3 =	sld [smem:$0x3FFD];
	_ =	sdelay $0x3  }
0x96: {  	_ =	strace s3  }
0x97: {  	_ =	strace $0x8FFFFFFF  }
0x98: {  	s19 =	sld [smem:$0x3FDB];
	_ =	sdelay $0x1  }
0x99: {  	s4 =	simm.s32 $_scs_section_size  }
0x9a: {  	s5 =	simm.s32 $_size__tile_overlayer_lowered;
	s6 =	simm.s32 $_tile_overlayer_lowered  }
0x9b: {  	s22 =	simm.s32 $0x1BFF;
	s21 =	sshll.u32 s6, $0x1;
	s3 =	sadd.s32 s4, s19  }
0x9c: {  	s7 =	simm.s32 $0x0;
	s20 =	sshll.u32 s5, $0x1;
	s5 =	sadd.s32 s21, s3  }
0x9d: {  	[timem:s7], [sflag:s22] =	dma.local [hbm:s5], s20  }
0x9e: {  	_ =	swait.ge [sflag:s22], s20  }
0x9f: {  	s4 =	ssub.s32 $0x0, s20;
	[sflag:s22] =	ssyncset.done $0x0  }
0xa0: {  	[sflag:s22] =	ssyncadd.s32 s4;
	_ =	sdelay $0x1  }
0xa1: {  	s23 =	simm.s32 $0x1B8B  }
0xa2: {  	_ =	swait.ge [sflag:s23], $0x1  }
0xa3: {  	[sflag:s23] =	ssyncset.done $0x0  }
0xa4: {  	s25 =	simm.s32 $0x1B8E;
	s24 =	sld [smem:$0x3FFE];
	[sflag:s23] =	ssyncadd.s32 $0xFFFFFFFF  }
0xa5: {  	s26 =	simm.s32 $execute0_lowered;
	[smem:$0x3FD2] =	sst s25  }
0xa6: {  	s5 =	sshll.u32 s26, $0x1;
	_ =	strace $0x80000046;
	[dreg:$0x1] =	wrdreg $0xFFFFFFFF  }
0xa7: {  	s28 =	simm.s32 $_size_execute0_lowered;
	s3 =	sadd.s32 s3, s5;
	[dreg:$0x0] =	wrdreg $0x0  }
0xa8: {  	s5 =	sshll.u32 s28, $0x1;
	[dreg:$0x2] =	wrdreg s3  }
0xa9: {  	[dreg:$0x3] =	wrdreg s5  }
0xaa: {  	[dreg:$0x4] =	wrdreg $0xC0  }
0xab: {  	_ =	task [dreg:s7], $0x5FFFF  }
0xac: {  	[dreg:$0x1] =	wrdreg $0xFFFFFFFF  }
0xad: {  	[dreg:$0x0] =	wrdreg $0x60  }
0xae: {  	[dreg:$0x2] =	wrdreg s2  }
0xaf: {  	[dreg:$0x3] =	wrdreg s24  }
0xb0: {  	[dreg:$0x4] =	wrdreg $0x9  }
0xb1: {  	_ =	task.clear_ibuf [dreg:s7], $0x5FFFF;
	_ =	strace $0x90000046  }
0xb2: {  	s29 =	simm.s32 $0x9;
	_ =	strace $0x80000048  }
0xb3: {  	_ =	swait.ge [sflag:s29], $0x1  }
0xb4: {  	[sflag:s29] =	ssyncadd.s32 $0xFFFFFFFF  }
0xb5: {  	_ =	strace $0x90000048  }
0xb6: {  	_ =	sfence  }
0xb7: {  	s30 =	sld [smem:$0x0];
	_ =	sdelay $0x2  }
0xb8: {  	s31 =	sshll.u32 s1, $0xD;
	s1 =	sshrl.u32 s1, $0x2  }
0xb9: {  	s3 =	sand.u32 $0x4000, s31;
	s1 =	sadd.s32 s1, s30  }
0xba: {  	s0 =	sor.u32 s3, s0;
	s1 =	sshll.u32 s1, $0x11  }
0xbb: {  	s0 =	sor.u32 s1, s0  }
0xbc: {  	s0 =	sadd.s32 $0x8F2B, s0  }
0xbd: {  	[sflag:s0] =	ssyncadd.remote.s32 $0x1  }
0xbe: {  	_ =	sfence.sel $0xFFFF  }
0xbf: {  	[dreg:$0x0] =	wrdreg $0xFFFFFFFF;
	(pc) =	sbr.abs _section_cstart, $3  }
0xc0: {  	[dreg:$0x1] =	wrdreg $0xFFFFFFFF  }
0xc1: {  	_ =	task.clear_ibuf [dreg:s7], $0x2FFFF;
	_ =	strace $0x9FFFFFFF  }
0xc2: {  	(tm) =	ssettm $0x7FFFFFFF  }
0xc3: {  	_ =	shalt  }
tec
execute0_lowered:
.L_overlay_start_1:
0x0: {  	(tag) =	ssettag $0x1  }
0x1: {  	s1 =	stileid.u32  }
0x2: {  	p0 =	sgt.u32 s1, $0x3  }
.Ltmp0:
0x3: {  	_ = 	snop;
	(pc) =	sbr.rel @p0 .LBB2_35-.Ltmp0, $4  }
0x4: {  	s2 =	rddreg [dreg:$0x0]  }
0x5: {  	s9 =	rddreg [dreg:$0x1];
	s3 =	simm.s32 $0x0  }
0x6: {  	[smem:$0x7FF] =	sst s3  }
0x7: {  	s0 =	rddreg [dreg:$0x2];
	_ =	strace $0x80000047  }
0x8: {  	v5 =	vimm.s32 $0x4047;
	vm0 =	vcmask $0xB08;
	vm1 =	vcmask $0xF0C  }
0x9: {  	vm2 =	vcmask $0x1310;
	vm3 =	vcmask $0x1714;
	v7 =	vimm.s32 $0x140047  }
0xa: {  	vm4 =	vcmask $0x1B18;
	vm15 =	vcmask $0x2F2C;
	v8 =	vimm.s32 $0x3210FEDC  }
0xb: {  	v9 =	vimm.s32 $0xBA987654;
	v10 =	vimm.s32 $0x76543210;
	v11 =	vimm.s32 $0xFEDCBA98  }
0xc: {  	v12 =	vimm.s32 $0x10FEDCBA;
	v14 =	vimm.s32 $0x87654321;
	v6 =	vsel vm0, $0x403A, v5  }
0xd: {  	v7 =	vsel vm0, $0x14003A, v7;
	vm0 =	vcmask $0x1F1C;
	v8 =	vunpack.c.l.s4.s8 v8  }
0xe: {  	v9 =	vunpack.c.l.s4.s8 v9;
	v11 =	vunpack.c.l.s4.s8 v11;
	v14 =	vunpack.c.l.s4.s8 v14  }
0xf: {  	s4 =	srdreg.scid;
	v10 =	vunpack.c.l.s4.s8 v10;
	v6 =	vsel vm1, $0x403B, v6;
	v7 =	vsel vm1, $0x14003B, v7  }
0x10: {  	s29 =	sshll.u32 s1, $0x1;
	s6 =	sand.u32 $0x1, s4;
	vm1 =	vcmask $0x2320;
	v6 =	vsel vm2, $0x403C, v6;
	v7 =	vsel vm2, $0x14003C, v7  }
0x11: {  	s4 =	sor.u32 s6, s29;
	vm2 =	vcmask $0x2724;
	v8 =	vunpack.c.0.s8.s32 v8;
	v9 =	vunpack.c.0.s8.s32 v9  }
0x12: {  	s5 =	smul.u32 $0x154000, s4;
	v11 =	vunpack.c.0.s8.s32 v11;
	v14 =	vunpack.c.0.s8.s32 v14;
	v10 =	vunpack.c.0.s8.s32 v10  }
0x13: {  	v6 =	vsel vm3, $0x403D, v6;
	v7 =	vsel vm3, $0x14003D, v7;
	vm3 =	vcmask $0x2B28  }
0x14: {  	v0 =	vmov s5;
	v6 =	vsel vm4, $0x403E, v6;
	v7 =	vsel vm4, $0x14003E, v7  }
0x15: {  	s7 =	sadd.s32 $0x4000, s5;
	s8 =	sadd.s32 $0x8000, s5;
	v13 =	vcombine.low v9, v8;
	v8 =	vunpack.c.l.s4.s8 v12;
	v9 =	vimm.s32 $0x98765432  }
0x16: {  	s30 =	sadd.s32 $0xC000, s5;
	s5 =	sadd.s32 $0x10000, s5;
	v12 =	vimm.s32 $0xFEDCBA9;
	v11 =	vand.u32 $0xF, v11;
	v1 =	vmov s7  }
0x17: {  	v2 =	vmov s8;
	v3 =	vmov s30;
	v4 =	vmov s5  }
0x18: {  	v5 =	vadd.s32 $0x14000, v0;
	v6 =	vsel vm0, $0x403F, v6;
	v7 =	vsel vm0, $0x14003F, v7  }
0x19: {  	vm0 =	vcmask $0x3330;
	v9 =	vunpack.c.l.s4.s8 v9;
	v12 =	vunpack.c.l.s4.s8 v12  }
0x1a: {  	v10 =	vcombine.low v11, v10;
	v6 =	vsel vm1, $0x4040, v6;
	v7 =	vsel vm1, $0x140040, v7  }
0x1b: {  	vm1 =	vcmask $0x3734;
	v8 =	vunpack.c.0.s8.s32 v8;
	v11 =	vand.u32 $0xF, v13  }
0x1c: {  	s13 =	simm.s32 $0x100;
	s14 =	simm.s32 $0x180;
	v6 =	vsel vm2, $0x4041, v6;
	v7 =	vsel vm2, $0x140041, v7;
	v9 =	vunpack.c.0.s8.s32 v9  }
0x1d: {  	s15 =	simm.s32 $0x200;
	s16 =	simm.s32 $0x40;
	s17 =	simm.s32 $0x580;
	v12 =	vunpack.c.0.s8.s32 v12;
	v6 =	vsel vm3, $0x4042, v6;
	v7 =	vsel vm3, $0x140042, v7  }
0x1e: {  	s18 =	simm.s32 $0x600;
	s19 =	simm.s32 $0x1;
	s11 =	ssub.s32 $0x2, s6;
	vm2 =	vcmask $0x3B38;
	v6 =	vsel vm15, $0x4043, v6;
	v7 =	vsel vm15, $0x140043, v7  }
0x1f: {  	s20 =	simm.s32 $0x680;
	s10 =	sshll.u32 s4, $0x4;
	s12 =	sshrl.u32 s11, $0x1;
	v15 =	vcombine.low v9, v8;
	v8 =	vlaneseq.u32;
	v14 =	vcombine.low v14, v12  }
0x20: {  	s21 =	simm.s32 $0x0;
	s31 =	sadd.s32 s10, s9;
	s11 =	ssub.s32 s11, s12;
	v9 =	vimm.f32 $0.0e+00;
	v6 =	vsel vm0, $0x4044, v6;
	v7 =	vsel vm0, $0x140044, v7  }
0x21: {  	s9 =	sadd.s32 s9, s10;
	s12 =	simm.s32 $0x80;
	s4 =	sadd.s32 $0x200, s31;
	vm0 =	vmmov $0x3;
	v6 =	vsel vm1, $0x4045, v6;
	v7 =	vsel vm1, $0x140045, v7  }
0x22: {  	s6 =	sadd.s32 $0x600, s31;
	s10 =	smax.u32 s11, $0x1;
	s5 =	sadd.s32 $0x400, s31;
	v12 =	vand.u32 $0xF, v15;
	v13 =	vand.u32 $0xF, v14;
	vm1 =	vcmask $0x3F0C  }
0x23: {  	s11 =	simm.s32 $0x2;
	s7 =	sadd.s32 $0x800, s31;
	s8 =	sadd.s32 $0xA00, s31;
	v6 =	vsel vm2, $0x4046, v6;
	v7 =	vsel vm2, $0x140046, v7;
	vm2 =	vcmask $0x3F08  }
.LBB2_2:
0x24: {  	s22 =	simm.s32 $0x0  }
0x25: {  	[tilespmem:s22], [sflag:$0x2] =	stream.linear.gather [hbm4b:s9+s22], $0x80, $0x38;
	[tilespmem:$0x700] =	vst v63  }
0x26: {  	_ =	swait.ge [sflag:s11], $0x80  }
0x27: {  	[sflag:s11] =	ssyncset.done $0x0  }
0x28: {  	[sflag:s11] =	ssyncadd.s32 $0xFFFFFF80  }
0x29: {  	[tilespmem:s12], [sflag:$0x2] =	stream.linear.gather [hbm4b:s4+s22], $0x80, $0x38;
	[tilespmem:$0x700] =	vst v63  }
0x2a: {  	_ =	swait.ge [sflag:s11], $0x80  }
0x2b: {  	[sflag:s11] =	ssyncset.done $0x0  }
0x2c: {  	[sflag:s11] =	ssyncadd.s32 $0xFFFFFF80  }
0x2d: {  	[tilespmem:s13], [sflag:$0x2] =	stream.linear.gather [hbm4b:s5+s22], $0x80, $0x38;
	[tilespmem:$0x700] =	vst v63  }
0x2e: {  	_ =	swait.ge [sflag:s11], $0x80  }
0x2f: {  	[sflag:s11] =	ssyncset.done $0x0  }
0x30: {  	[sflag:s11] =	ssyncadd.s32 $0xFFFFFF80  }
0x31: {  	[tilespmem:s14], [sflag:$0x2] =	stream.linear.gather [hbm4b:s6+s22], $0x80, $0x38;
	[tilespmem:$0x700] =	vst v63  }
0x32: {  	_ =	swait.ge [sflag:s11], $0x80  }
0x33: {  	[sflag:s11] =	ssyncset.done $0x0  }
0x34: {  	[sflag:s11] =	ssyncadd.s32 $0xFFFFFF80  }
0x35: {  	[tilespmem:s15], [sflag:$0x2] =	stream.linear.gather [hbm4b:s7+s22], $0x80, $0x38;
	[tilespmem:$0x700] =	vst v63  }
0x36: {  	_ =	swait.ge [sflag:s11], $0x80  }
0x37: {  	[sflag:s11] =	ssyncset.done $0x0  }
0x38: {  	[sflag:s11] =	ssyncadd.s32 $0xFFFFFF80  }
0x39: {  	v14 =	vld [tilespmem:$0x0];
	_ =	sdelay $0x1  }
0x3a: {  	v15 =	vld [tilespmem:$0x80];
	_ =	sdelay $0x1  }
0x3b: {  	v16 =	vld [tilespmem:$0x10]  }
0x3c: {  	v18 =	vld [tilespmem:$0x90];
	v14 =	vmul.f32 $1.280000000e+02, v14  }
0x3d: {  	v21 =	vld [tilespmem:$0x20]  }
0x3e: {  	v15 =	vmul.f32 $1.280000000e+02, v15;
	v17 =	vtrunc.f32 v14  }
0x3f: {  	v17 =	vcvt.f32.s32 v17  }
0x40: {  	v24 =	vld [tilespmem:$0xA0];
	v19 =	vtrunc.f32 v15  }
0x41: {  	v26 =	vld [tilespmem:$0x30];
	v16 =	vmul.f32 $1.280000000e+02, v16;
	v19 =	vcvt.f32.s32 v19;
	vm3 =	vlt.s32 v17, $0x7F  }
0x42: {  	v18 =	vmul.f32 $1.280000000e+02, v18;
	v21 =	vmul.f32 $1.280000000e+02, v21;
	v17 =	vnsel vm3, $0x7F, v17  }
0x43: {  	v28 =	vld [tilespmem:$0xB0];
	v23 =	vtrunc.f32 v16;
	vm3 =	vlt.s32 v19, $0x7F;
	v20 =	vcvt.s32.f32 v17  }
0x44: {  	v25 =	vtrunc.f32 v18;
	v23 =	vcvt.f32.s32 v23;
	v19 =	vnsel vm3, $0x7F, v19  }
0x45: {  	v22 =	vcvt.s32.f32 v19;
	v14 =	vsub.f32 v14, v20;
	v20 =	vcvt.f32.s32 v25  }
0x46: {  	v24 =	vmul.f32 $1.280000000e+02, v24;
	v60 =	vmul.f32 $1.280000000e+02, v26;
	vm3 =	vlt.s32 v23, $0x7F  }
0x47: {  	v23 =	vnsel vm3, $0x7F, v23;
	v15 =	vsub.f32 v15, v22;
	v22 =	vld [tilespmem:$0x200];
	vm3 =	vlt.s32 v20, $0x7F  }
0x48: {  	v61 =	vmul.f32 $1.280000000e+02, v28;
	v19 =	vshll.u32 v19, $0x7;
	v20 =	vnsel vm3, $0x7F, v20  }
0x49: {  	v27 =	vtrunc.f32 v21;
	v17 =	vadd.s32 v17, v19;
	v19 =	vcvt.s32.f32 v20  }
0x4a: {  	v59 =	vtrunc.f32 v24;
	v58 =	vcvt.f32.s32 v27  }
0x4b: {  	v62 =	vtrunc.f32 v61;
	v27 =	vcvt.f32.s32 v59;
	v18 =	vsub.f32 v18, v19;
	v19 =	vld [tilespmem:$0x210]  }
0x4c: {  	v57 =	vcvt.s32.f32 v23;
	[tilespmem:$0x280] =	vst v17;
	vm3 =	vlt.s32 v58, $0x7F;
	v22 =	vshll.u32 v22, $0xE  }
0x4d: {  	[tilespmem:$0x380] =	vst v14;
	v14 =	vadd.s32 v17, v22;
	v22 =	vnsel vm3, $0x7F, v58;
	vm3 =	vlt.s32 v27, $0x7F  }
0x4e: {  	v16 =	vsub.f32 v16, v57;
	[tilespmem:$0x400] =	vst v15;
	v20 =	vshll.u32 v20, $0x7;
	v15 =	vnsel vm3, $0x7F, v27  }
0x4f: {  	v17 =	vcvt.s32.f32 v22;
	[tilespmem:$0x300] =	vst v14;
	v14 =	vadd.s32 v23, v20;
	v23 =	vtrunc.f32 v60  }
0x50: {  	[tilespmem:$0x390] =	vst v16;
	v20 =	vcvt.s32.f32 v15;
	v23 =	vcvt.f32.s32 v23;
	v16 =	vshll.u32 v19, $0xE;
	v19 =	vld [tilespmem:$0x220]  }
0x51: {  	v63 =	vld [tilespmem:$0x230];
	[tilespmem:$0x410] =	vst v18;
	v18 =	vcvt.f32.s32 v62;
	v17 =	vsub.f32 v21, v17  }
0x52: {  	[tilespmem:$0x290] =	vst v14;
	v20 =	vsub.f32 v24, v20;
	vm3 =	vlt.s32 v23, $0x7F;
	v16 =	vadd.s32 v14, v16;
	v14 =	vld [tilespmem:$0x280]  }
0x53: {  	v21 =	vnsel vm3, $0x7F, v23;
	vm3 =	vlt.s32 v18, $0x7F;
	[tilespmem:$0x310] =	vst v16;
	v16 =	vshll.u32 v15, $0x7;
	v15 =	vld [tilespmem:$0x300]  }
0x54: {  	[tilespmem:$0x3A0] =	vst v17;
	v17 =	vnsel vm3, $0x7F, v18;
	v18 =	vcvt.s32.f32 v21;
	v16 =	vadd.s32 v22, v16  }
0x55: {  	[tilespmem:$0x420] =	vst v20;
	v20 =	vcvt.s32.f32 v17;
	v22 =	vadd.s32 s22, v8;
	v19 =	vshll.u32 v19, $0xE  }
0x56: {  	[tilespmem:$0x2A0] =	vst v16;
	v18 =	vsub.f32 v60, v18;
	v16 =	vadd.s32 v16, v19;
	v19 =	vand.u32 $0xF, v22  }
0x57: {  	v17 =	vshll.u32 v17, $0x7;
	[tilespmem:$0x320] =	vst v16;
	v16 =	vsub.f32 v61, v20;
	v20 =	vperm.xlane v14, v19  }
0x58: {  	v17 =	vadd.s32 v21, v17;
	[tilespmem:$0x3B0] =	vst v18;
	v18 =	vshll.u32 v63, $0xE;
	v19 =	vperm.xlane v15, v19  }
0x59: {  	[tilespmem:$0x430] =	vst v16;
	v16 =	vsel vm0, v17, v6;
	v17 =	vadd.s32 v18, v17;
	vm3 =	veq.s32 v14, v20  }
0x5a: {  	vm4 =	veq.s32 v15, v19;
	v18 =	vimm.f32 $0.0e+00;
	[tilespmem:$0x2B0] =	vst v16;
	v16 =	vsel vm0, v17, v7  }
0x5b: {  	s22 =	simm.s32 $0x1;
	v21 =	vsel vm3, $0x3F800000, v9;
	v22 =	vsel vm4, $0x3F800000, v9;
	v17 =	vimm.f32 $0.0e+00;
	[tilespmem:$0x330] =	vst v16  }
.LBB2_3:
0x5c: {  	v19 =	vadd.s32 s22, v8;
	p0 =	sne.s32 s22, $0xF;
	s22 =	sadd.s32 $0x1, s22;
	v17 =	vadd.f32 v21, v17;
	v18 =	vadd.f32 v22, v18  }
.Ltmp1:
0x5d: {  	v19 =	vand.u32 $0xF, v19;
	(pc) =	sbr.rel @p0 .LBB2_3-.Ltmp1, $3  }
0x5e: {  	v20 =	vperm.xlane v14, v19;
	v19 =	vperm.xlane v15, v19;
	_ =	sdelay $0x1  }
0x5f: {  	vm3 =	veq.s32 v14, v20;
	vm4 =	veq.s32 v15, v19  }
0x60: {  	v21 =	vsel vm3, $0x3F800000, v9;
	v22 =	vsel vm4, $0x3F800000, v9  }
0x61: {  	v19 =	vld [tilespmem:$0x290]  }
0x62: {  	v20 =	vld [tilespmem:$0x310];
	_ =	sdelay $0x1  }
0x63: {  	s22 =	simm.s32 $0x0  }
0x64: {  	v23 =	vadd.s32 s22, v8  }
0x65: {  	v23 =	vand.u32 $0xF, v23  }
0x66: {  	v24 =	vperm.xlane v19, v23;
	v23 =	vperm.xlane v20, v23  }
0x67: {  	v17 =	vadd.f32 v21, v17  }
0x68: {  	v18 =	vadd.f32 v22, v18;
	vm3 =	veq.s32 v14, v24;
	vm4 =	veq.s32 v15, v23  }
0x69: {  	s22 =	simm.s32 $0x1;
	v22 =	vsel vm3, $0x3F800000, v9;
	v21 =	vsel vm4, $0x3F800000, v9  }
.LBB2_5:
0x6a: {  	v23 =	vadd.s32 s22, v8;
	p0 =	sne.s32 s22, $0xF;
	s22 =	sadd.s32 $0x1, s22;
	v17 =	vadd.f32 v22, v17;
	v18 =	vadd.f32 v21, v18  }
.Ltmp2:
0x6b: {  	v21 =	vand.u32 $0xF, v23;
	(pc) =	sbr.rel @p0 .LBB2_5-.Ltmp2, $3  }
0x6c: {  	v22 =	vperm.xlane v19, v21;
	v21 =	vperm.xlane v20, v21;
	_ =	sdelay $0x1  }
0x6d: {  	vm3 =	veq.s32 v14, v22;
	vm4 =	veq.s32 v15, v21  }
0x6e: {  	v22 =	vsel vm3, $0x3F800000, v9;
	v21 =	vsel vm4, $0x3F800000, v9  }
0x6f: {  	v19 =	vld [tilespmem:$0x2A0]  }
0x70: {  	v20 =	vld [tilespmem:$0x320];
	_ =	sdelay $0x1  }
0x71: {  	s22 =	simm.s32 $0x0  }
0x72: {  	v23 =	vadd.s32 s22, v8  }
0x73: {  	v23 =	vand.u32 $0xF, v23  }
0x74: {  	v24 =	vperm.xlane v19, v23;
	v23 =	vperm.xlane v20, v23  }
0x75: {  	v17 =	vadd.f32 v22, v17  }
0x76: {  	v18 =	vadd.f32 v21, v18;
	vm3 =	veq.s32 v14, v24;
	vm4 =	veq.s32 v15, v23  }
0x77: {  	s22 =	simm.s32 $0x1;
	v22 =	vsel vm3, $0x3F800000, v9;
	v21 =	vsel vm4, $0x3F800000, v9  }
.LBB2_7:
0x78: {  	v23 =	vadd.s32 s22, v8;
	p0 =	sne.s32 s22, $0xF;
	s22 =	sadd.s32 $0x1, s22;
	v17 =	vadd.f32 v22, v17;
	v18 =	vadd.f32 v21, v18  }
.Ltmp3:
0x79: {  	v21 =	vand.u32 $0xF, v23;
	(pc) =	sbr.rel @p0 .LBB2_7-.Ltmp3, $3  }
0x7a: {  	v22 =	vperm.xlane v19, v21;
	v21 =	vperm.xlane v20, v21;
	_ =	sdelay $0x1  }
0x7b: {  	vm3 =	veq.s32 v14, v22;
	vm4 =	veq.s32 v15, v21  }
0x7c: {  	v22 =	vsel vm3, $0x3F800000, v9;
	v21 =	vsel vm4, $0x3F800000, v9  }
0x7d: {  	v19 =	vld [tilespmem:$0x2B0];
	_ =	sdelay $0x1  }
0x7e: {  	s22 =	simm.s32 $0x0  }
0x7f: {  	v20 =	vadd.s32 s22, v8  }
0x80: {  	v20 =	vand.u32 $0xF, v20  }
0x81: {  	v23 =	vperm.xlane v19, v20;
	v20 =	vperm.xlane v16, v20  }
0x82: {  	v17 =	vadd.f32 v22, v17  }
0x83: {  	v18 =	vadd.f32 v21, v18;
	vm3 =	veq.s32 v14, v23;
	vm4 =	veq.s32 v15, v20  }
0x84: {  	s22 =	simm.s32 $0x1;
	v20 =	vsel vm3, $0x3F800000, v9;
	v21 =	vsel vm4, $0x3F800000, v9  }
.LBB2_9:
0x85: {  	v22 =	vadd.s32 s22, v8;
	p0 =	sne.s32 s22, $0xF;
	s22 =	sadd.s32 $0x1, s22;
	v17 =	vadd.f32 v20, v17;
	v18 =	vadd.f32 v21, v18  }
.Ltmp4:
0x86: {  	v20 =	vand.u32 $0xF, v22;
	(pc) =	sbr.rel @p0 .LBB2_9-.Ltmp4, $3  }
0x87: {  	v21 =	vperm.xlane v19, v20;
	v20 =	vperm.xlane v16, v20;
	_ =	sdelay $0x1  }
0x88: {  	vm3 =	veq.s32 v14, v21;
	vm4 =	veq.s32 v15, v20  }
0x89: {  	v20 =	vsel vm3, $0x3F800000, v9;
	v21 =	vsel vm4, $0x3F800000, v9  }
0x8a: {  	v14 =	vadd.f32 v20, v17  }
0x8b: {  	v15 =	vadd.f32 v21, v18  }
0x8c: {  	(erf) = vrcp.f32 v14  }
0x8d: {  	(erf) = vrcp.f32 v15  }
0x8e: {  	v16 =	vld [tilespmem:$0x280]  }
0x8f: {  	v17 =	vld [tilespmem:$0x300]  }
0x90: {  	v14 =	vld [tilespmem:$0x290]  }
0x91: {  	s22 =	simm.s32 $0x0;
	v15 =	vld [tilespmem:$0x310]  }
0x92: {  	v18 =	vadd.s32 s22, v8  }
0x93: {  	v18 =	vand.u32 $0xF, v18  }
0x94: {  	v20 =	vperm.xlane v16, v18;
	v21 =	vperm.xlane v17, v18  }
0x95: {  	v19 =	vpop (erf)  }
0x96: {  	vm3 =	veq.s32 v14, v20;
	v20 =	vimm.f32 $0.0e+00;
	vm4 =	veq.s32 v15, v21;
	[tilespmem:$0x480] =	vst v19;
	v22 =	vpop (erf)  }
0x97: {  	s22 =	simm.s32 $0x1;
	v21 =	vsel vm4, $0x3F800000, v9;
	v19 =	vimm.f32 $0.0e+00;
	[tilespmem:$0x500] =	vst v22;
	v22 =	vsel vm3, $0x3F800000, v9  }
.LBB2_11:
0x98: {  	v23 =	vadd.s32 s22, v8;
	p0 =	sne.s32 s22, $0xF;
	s22 =	sadd.s32 $0x1, s22;
	v19 =	vadd.f32 v22, v19;
	v20 =	vadd.f32 v21, v20  }
.Ltmp5:
0x99: {  	v21 =	vand.u32 $0xF, v23;
	(pc) =	sbr.rel @p0 .LBB2_11-.Ltmp5, $3  }
0x9a: {  	v22 =	vperm.xlane v16, v21;
	v21 =	vperm.xlane v17, v21;
	_ =	sdelay $0x1  }
0x9b: {  	vm3 =	veq.s32 v14, v22;
	vm4 =	veq.s32 v15, v21  }
0x9c: {  	v22 =	vsel vm3, $0x3F800000, v9;
	v21 =	vsel vm4, $0x3F800000, v9  }
0x9d: {  	v17 =	vperm.xlane v14, v18;
	v18 =	vperm.xlane v15, v18  }
0x9e: {  	v16 =	vadd.f32 v22, v19  }
0x9f: {  	vm3 =	veq.s32 v14, v17;
	vm4 =	veq.s32 v15, v18;
	v17 =	vadd.f32 v21, v20  }
0xa0: {  	s22 =	simm.s32 $0x1;
	v21 =	vsel vm3, $0x3F800000, v9;
	v20 =	vsel vm4, $0x3F800000, v9  }
.LBB2_13:
0xa1: {  	v18 =	vadd.s32 s22, v8;
	p0 =	sne.s32 s22, $0xF;
	s22 =	sadd.s32 $0x1, s22;
	v16 =	vadd.f32 v21, v16;
	v17 =	vadd.f32 v20, v17  }
.Ltmp6:
0xa2: {  	v18 =	vand.u32 $0xF, v18;
	(pc) =	sbr.rel @p0 .LBB2_13-.Ltmp6, $3  }
0xa3: {  	v19 =	vperm.xlane v14, v18;
	v18 =	vperm.xlane v15, v18;
	_ =	sdelay $0x1  }
0xa4: {  	vm3 =	veq.s32 v14, v19;
	vm4 =	veq.s32 v15, v18  }
0xa5: {  	v21 =	vsel vm3, $0x3F800000, v9;
	v20 =	vsel vm4, $0x3F800000, v9  }
0xa6: {  	v18 =	vld [tilespmem:$0x2A0]  }
0xa7: {  	v19 =	vld [tilespmem:$0x320];
	_ =	sdelay $0x1  }
0xa8: {  	s22 =	simm.s32 $0x0  }
0xa9: {  	v22 =	vadd.s32 s22, v8  }
0xaa: {  	v22 =	vand.u32 $0xF, v22  }
0xab: {  	v23 =	vperm.xlane v18, v22;
	v22 =	vperm.xlane v19, v22  }
0xac: {  	v16 =	vadd.f32 v21, v16  }
0xad: {  	v17 =	vadd.f32 v20, v17;
	vm3 =	veq.s32 v14, v23;
	vm4 =	veq.s32 v15, v22  }
0xae: {  	s22 =	simm.s32 $0x1;
	v21 =	vsel vm3, $0x3F800000, v9;
	v20 =	vsel vm4, $0x3F800000, v9  }
.LBB2_15:
0xaf: {  	v22 =	vadd.s32 s22, v8;
	p0 =	sne.s32 s22, $0xF;
	s22 =	sadd.s32 $0x1, s22;
	v16 =	vadd.f32 v21, v16;
	v17 =	vadd.f32 v20, v17  }
.Ltmp7:
0xb0: {  	v20 =	vand.u32 $0xF, v22;
	(pc) =	sbr.rel @p0 .LBB2_15-.Ltmp7, $3  }
0xb1: {  	v21 =	vperm.xlane v18, v20;
	v20 =	vperm.xlane v19, v20;
	_ =	sdelay $0x1  }
0xb2: {  	vm3 =	veq.s32 v14, v21;
	vm4 =	veq.s32 v15, v20  }
0xb3: {  	v21 =	vsel vm3, $0x3F800000, v9;
	v20 =	vsel vm4, $0x3F800000, v9  }
0xb4: {  	v18 =	vld [tilespmem:$0x2B0]  }
0xb5: {  	v19 =	vld [tilespmem:$0x330];
	_ =	sdelay $0x1  }
0xb6: {  	s22 =	simm.s32 $0x0  }
0xb7: {  	v22 =	vadd.s32 s22, v8  }
0xb8: {  	v22 =	vand.u32 $0xF, v22  }
0xb9: {  	v23 =	vperm.xlane v18, v22;
	v22 =	vperm.xlane v19, v22  }
0xba: {  	v16 =	vadd.f32 v21, v16  }
0xbb: {  	v17 =	vadd.f32 v20, v17;
	vm3 =	veq.s32 v14, v23;
	vm4 =	veq.s32 v15, v22  }
0xbc: {  	s22 =	simm.s32 $0x1;
	v20 =	vsel vm3, $0x3F800000, v9;
	v21 =	vsel vm4, $0x3F800000, v9  }
.LBB2_17:
0xbd: {  	v22 =	vadd.s32 s22, v8;
	p0 =	sne.s32 s22, $0xF;
	s22 =	sadd.s32 $0x1, s22;
	v16 =	vadd.f32 v20, v16;
	v17 =	vadd.f32 v21, v17  }
.Ltmp8:
0xbe: {  	v20 =	vand.u32 $0xF, v22;
	(pc) =	sbr.rel @p0 .LBB2_17-.Ltmp8, $3  }
0xbf: {  	v21 =	vperm.xlane v18, v20;
	v20 =	vperm.xlane v19, v20;
	_ =	sdelay $0x1  }
0xc0: {  	vm3 =	veq.s32 v14, v21;
	vm4 =	veq.s32 v15, v20  }
0xc1: {  	v20 =	vsel vm3, $0x3F800000, v9;
	v21 =	vsel vm4, $0x3F800000, v9  }
0xc2: {  	v14 =	vadd.f32 v20, v16  }
0xc3: {  	v15 =	vadd.f32 v21, v17  }
0xc4: {  	(erf) = vrcp.f32 v14  }
0xc5: {  	(erf) = vrcp.f32 v15  }
0xc6: {  	v16 =	vld [tilespmem:$0x280]  }
0xc7: {  	v17 =	vld [tilespmem:$0x300]  }
0xc8: {  	s22 =	simm.s32 $0x0;
	v14 =	vld [tilespmem:$0x2A0]  }
0xc9: {  	v18 =	vadd.s32 s22, v8;
	v15 =	vld [tilespmem:$0x320]  }
0xca: {  	v18 =	vand.u32 $0xF, v18  }
0xcb: {  	v19 =	vperm.xlane v16, v18  }
0xcc: {  	v20 =	vperm.xlane v17, v18  }
0xcd: {  	vm3 =	veq.s32 v14, v19;
	v18 =	vpop (erf)  }
0xce: {  	vm4 =	veq.s32 v15, v20;
	v22 =	vsel vm3, $0x3F800000, v9;
	[tilespmem:$0x490] =	vst v18;
	v21 =	vpop (erf)  }
0xcf: {  	s22 =	simm.s32 $0x1;
	v20 =	vimm.f32 $0.0e+00;
	v18 =	vimm.f32 $0.0e+00;
	[tilespmem:$0x510] =	vst v21;
	v21 =	vsel vm4, $0x3F800000, v9  }
.LBB2_19:
0xd0: {  	v19 =	vadd.s32 s22, v8;
	p0 =	sne.s32 s22, $0xF;
	s22 =	sadd.s32 $0x1, s22;
	v18 =	vadd.f32 v22, v18;
	v20 =	vadd.f32 v21, v20  }
.Ltmp9:
0xd1: {  	v19 =	vand.u32 $0xF, v19;
	(pc) =	sbr.rel @p0 .LBB2_19-.Ltmp9, $3  }
0xd2: {  	v21 =	vperm.xlane v16, v19;
	v19 =	vperm.xlane v17, v19;
	_ =	sdelay $0x1  }
0xd3: {  	vm3 =	veq.s32 v14, v21;
	vm4 =	veq.s32 v15, v19  }
0xd4: {  	v22 =	vsel vm3, $0x3F800000, v9;
	v21 =	vsel vm4, $0x3F800000, v9  }
0xd5: {  	v16 =	vld [tilespmem:$0x290]  }
0xd6: {  	v17 =	vld [tilespmem:$0x310];
	_ =	sdelay $0x1  }
0xd7: {  	s22 =	simm.s32 $0x0  }
0xd8: {  	v19 =	vadd.s32 s22, v8  }
0xd9: {  	v19 =	vand.u32 $0xF, v19  }
0xda: {  	v23 =	vperm.xlane v16, v19;
	v24 =	vperm.xlane v17, v19  }
0xdb: {  	v18 =	vadd.f32 v22, v18  }
0xdc: {  	v20 =	vadd.f32 v21, v20;
	vm3 =	veq.s32 v14, v23;
	vm4 =	veq.s32 v15, v24  }
0xdd: {  	s22 =	simm.s32 $0x1;
	v22 =	vsel vm3, $0x3F800000, v9;
	v21 =	vsel vm4, $0x3F800000, v9  }
.LBB2_21:
0xde: {  	v23 =	vadd.s32 s22, v8;
	p0 =	sne.s32 s22, $0xF;
	s22 =	sadd.s32 $0x1, s22;
	v18 =	vadd.f32 v22, v18;
	v20 =	vadd.f32 v21, v20  }
.Ltmp10:
0xdf: {  	v21 =	vand.u32 $0xF, v23;
	(pc) =	sbr.rel @p0 .LBB2_21-.Ltmp10, $3  }
0xe0: {  	v22 =	vperm.xlane v16, v21;
	v21 =	vperm.xlane v17, v21;
	_ =	sdelay $0x1  }
0xe1: {  	vm3 =	veq.s32 v14, v22;
	vm4 =	veq.s32 v15, v21  }
0xe2: {  	v22 =	vsel vm3, $0x3F800000, v9;
	v21 =	vsel vm4, $0x3F800000, v9  }
0xe3: {  	v17 =	vperm.xlane v14, v19;
	v19 =	vperm.xlane v15, v19  }
0xe4: {  	v16 =	vadd.f32 v22, v18  }
0xe5: {  	vm3 =	veq.s32 v14, v17;
	vm4 =	veq.s32 v15, v19;
	v17 =	vadd.f32 v21, v20  }
0xe6: {  	s22 =	simm.s32 $0x1;
	v21 =	vsel vm3, $0x3F800000, v9;
	v20 =	vsel vm4, $0x3F800000, v9  }
.LBB2_23:
0xe7: {  	v18 =	vadd.s32 s22, v8;
	p0 =	sne.s32 s22, $0xF;
	s22 =	sadd.s32 $0x1, s22;
	v16 =	vadd.f32 v21, v16;
	v17 =	vadd.f32 v20, v17  }
.Ltmp11:
0xe8: {  	v18 =	vand.u32 $0xF, v18;
	(pc) =	sbr.rel @p0 .LBB2_23-.Ltmp11, $3  }
0xe9: {  	v19 =	vperm.xlane v14, v18;
	v18 =	vperm.xlane v15, v18;
	_ =	sdelay $0x1  }
0xea: {  	vm3 =	veq.s32 v14, v19;
	vm4 =	veq.s32 v15, v18  }
0xeb: {  	v21 =	vsel vm3, $0x3F800000, v9;
	v20 =	vsel vm4, $0x3F800000, v9  }
0xec: {  	v18 =	vld [tilespmem:$0x2B0]  }
0xed: {  	v19 =	vld [tilespmem:$0x330];
	_ =	sdelay $0x1  }
0xee: {  	s22 =	simm.s32 $0x0  }
0xef: {  	v22 =	vadd.s32 s22, v8  }
0xf0: {  	v22 =	vand.u32 $0xF, v22  }
0xf1: {  	v23 =	vperm.xlane v18, v22;
	v22 =	vperm.xlane v19, v22  }
0xf2: {  	v16 =	vadd.f32 v21, v16  }
0xf3: {  	v17 =	vadd.f32 v20, v17;
	vm3 =	veq.s32 v14, v23;
	vm4 =	veq.s32 v15, v22  }
0xf4: {  	s22 =	simm.s32 $0x1;
	v20 =	vsel vm3, $0x3F800000, v9;
	v21 =	vsel vm4, $0x3F800000, v9  }
.LBB2_25:
0xf5: {  	v22 =	vadd.s32 s22, v8;
	p0 =	sne.s32 s22, $0xF;
	s22 =	sadd.s32 $0x1, s22;
	v16 =	vadd.f32 v20, v16;
	v17 =	vadd.f32 v21, v17  }
.Ltmp12:
0xf6: {  	v20 =	vand.u32 $0xF, v22;
	(pc) =	sbr.rel @p0 .LBB2_25-.Ltmp12, $3  }
0xf7: {  	v21 =	vperm.xlane v18, v20;
	v20 =	vperm.xlane v19, v20;
	_ =	sdelay $0x1  }
0xf8: {  	vm3 =	veq.s32 v14, v21;
	vm4 =	veq.s32 v15, v20  }
0xf9: {  	v20 =	vsel vm3, $0x3F800000, v9;
	v21 =	vsel vm4, $0x3F800000, v9  }
0xfa: {  	v14 =	vadd.f32 v20, v16  }
0xfb: {  	v15 =	vadd.f32 v21, v17  }
0xfc: {  	(erf) = vrcp.f32 v14  }
0xfd: {  	(erf) = vrcp.f32 v15  }
0xfe: {  	v16 =	vld [tilespmem:$0x280]  }
0xff: {  	v17 =	vld [tilespmem:$0x300]  }
0x100: {  	s22 =	simm.s32 $0x0;
	v14 =	vld [tilespmem:$0x2B0]  }
0x101: {  	v18 =	vadd.s32 s22, v8;
	v15 =	vld [tilespmem:$0x330]  }
0x102: {  	v18 =	vand.u32 $0xF, v18  }
0x103: {  	v19 =	vperm.xlane v16, v18  }
0x104: {  	v20 =	vperm.xlane v17, v18  }
0x105: {  	vm3 =	veq.s32 v14, v19;
	v18 =	vpop (erf)  }
0x106: {  	vm4 =	veq.s32 v15, v20;
	v23 =	vsel vm3, $0x3F800000, v9;
	[tilespmem:$0x4A0] =	vst v18;
	v21 =	vpop (erf)  }
0x107: {  	s22 =	simm.s32 $0x1;
	v22 =	vsel vm4, $0x3F800000, v9;
	v18 =	vimm.f32 $0.0e+00;
	[tilespmem:$0x520] =	vst v21;
	v21 =	vimm.f32 $0.0e+00  }
.LBB2_27:
0x108: {  	v19 =	vadd.s32 s22, v8;
	p0 =	sne.s32 s22, $0xF;
	s22 =	sadd.s32 $0x1, s22;
	v18 =	vadd.f32 v23, v18;
	v21 =	vadd.f32 v22, v21  }
.Ltmp13:
0x109: {  	v19 =	vand.u32 $0xF, v19;
	(pc) =	sbr.rel @p0 .LBB2_27-.Ltmp13, $3  }
0x10a: {  	v20 =	vperm.xlane v16, v19;
	v19 =	vperm.xlane v17, v19;
	_ =	sdelay $0x1  }
0x10b: {  	vm3 =	veq.s32 v14, v20;
	vm4 =	veq.s32 v15, v19  }
0x10c: {  	v23 =	vsel vm3, $0x3F800000, v9;
	v22 =	vsel vm4, $0x3F800000, v9  }
0x10d: {  	v19 =	vld [tilespmem:$0x290]  }
0x10e: {  	v20 =	vld [tilespmem:$0x310];
	_ =	sdelay $0x1  }
0x10f: {  	s22 =	simm.s32 $0x0  }
0x110: {  	v16 =	vadd.s32 s22, v8  }
0x111: {  	v16 =	vand.u32 $0xF, v16  }
0x112: {  	v17 =	vperm.xlane v19, v16;
	v24 =	vperm.xlane v20, v16  }
0x113: {  	v16 =	vadd.f32 v23, v18  }
0x114: {  	vm3 =	veq.s32 v14, v17;
	vm4 =	veq.s32 v15, v24;
	v17 =	vadd.f32 v22, v21  }
0x115: {  	s22 =	simm.s32 $0x1;
	v22 =	vsel vm3, $0x3F800000, v9;
	v21 =	vsel vm4, $0x3F800000, v9  }
.LBB2_29:
0x116: {  	v18 =	vadd.s32 s22, v8;
	p0 =	sne.s32 s22, $0xF;
	s22 =	sadd.s32 $0x1, s22;
	v16 =	vadd.f32 v22, v16;
	v17 =	vadd.f32 v21, v17  }
.Ltmp14:
0x117: {  	v18 =	vand.u32 $0xF, v18;
	(pc) =	sbr.rel @p0 .LBB2_29-.Ltmp14, $3  }
0x118: {  	v21 =	vperm.xlane v19, v18;
	v18 =	vperm.xlane v20, v18;
	_ =	sdelay $0x1  }
0x119: {  	vm3 =	veq.s32 v14, v21;
	vm4 =	veq.s32 v15, v18  }
0x11a: {  	v22 =	vsel vm3, $0x3F800000, v9;
	v21 =	vsel vm4, $0x3F800000, v9  }
0x11b: {  	v18 =	vld [tilespmem:$0x2A0]  }
0x11c: {  	v19 =	vld [tilespmem:$0x320];
	_ =	sdelay $0x1  }
0x11d: {  	s22 =	simm.s32 $0x0  }
0x11e: {  	v20 =	vadd.s32 s22, v8  }
0x11f: {  	v20 =	vand.u32 $0xF, v20  }
0x120: {  	v23 =	vperm.xlane v18, v20;
	v24 =	vperm.xlane v19, v20  }
0x121: {  	v16 =	vadd.f32 v22, v16  }
0x122: {  	v17 =	vadd.f32 v21, v17;
	vm3 =	veq.s32 v14, v23;
	vm4 =	veq.s32 v15, v24  }
0x123: {  	s22 =	simm.s32 $0x1;
	v22 =	vsel vm3, $0x3F800000, v9;
	v21 =	vsel vm4, $0x3F800000, v9  }
.LBB2_31:
0x124: {  	v23 =	vadd.s32 s22, v8;
	p0 =	sne.s32 s22, $0xF;
	s22 =	sadd.s32 $0x1, s22;
	v16 =	vadd.f32 v22, v16;
	v17 =	vadd.f32 v21, v17  }
.Ltmp15:
0x125: {  	v21 =	vand.u32 $0xF, v23;
	(pc) =	sbr.rel @p0 .LBB2_31-.Ltmp15, $3  }
0x126: {  	v22 =	vperm.xlane v18, v21;
	v21 =	vperm.xlane v19, v21;
	_ =	sdelay $0x1  }
0x127: {  	vm3 =	veq.s32 v14, v22;
	vm4 =	veq.s32 v15, v21  }
0x128: {  	v22 =	vsel vm3, $0x3F800000, v9;
	v21 =	vsel vm4, $0x3F800000, v9  }
0x129: {  	v18 =	vperm.xlane v14, v20;
	v19 =	vperm.xlane v15, v20  }
0x12a: {  	v16 =	vadd.f32 v22, v16  }
0x12b: {  	v17 =	vadd.f32 v21, v17;
	vm3 =	veq.s32 v14, v18;
	vm4 =	veq.s32 v15, v19  }
0x12c: {  	s22 =	simm.s32 $0x1;
	v18 =	vsel vm3, $0x3F800000, v9;
	v19 =	vsel vm4, $0x3F800000, v9  }
.LBB2_33:
0x12d: {  	v20 =	vadd.s32 s22, v8;
	p0 =	sne.s32 s22, $0xF;
	s22 =	sadd.s32 $0x1, s22;
	v16 =	vadd.f32 v18, v16;
	v17 =	vadd.f32 v19, v17  }
.Ltmp16:
0x12e: {  	v18 =	vand.u32 $0xF, v20;
	(pc) =	sbr.rel @p0 .LBB2_33-.Ltmp16, $3  }
0x12f: {  	v19 =	vperm.xlane v14, v18;
	v18 =	vperm.xlane v15, v18;
	_ =	sdelay $0x1  }
0x130: {  	vm3 =	veq.s32 v14, v19;
	vm4 =	veq.s32 v15, v18  }
0x131: {  	v18 =	vsel vm3, $0x3F800000, v9;
	v19 =	vsel vm4, $0x3F800000, v9  }
0x132: {  	v14 =	vadd.f32 v18, v16  }
0x133: {  	v15 =	vadd.f32 v19, v17  }
0x134: {  	(erf) = vrcp.f32 v14;
	v14 =	vld [tilespmem:$0x280]  }
0x135: {  	(erf) = vrcp.f32 v15;
	v15 =	vld [tilespmem:$0x290]  }
0x136: {  	v57 =	vld [tilespmem:$0x2A0];
	_ =	sdelay $0x1  }
0x137: {  	v58 =	vld [tilespmem:$0x2B0]  }
0x138: {  	vm3 =	vlt.s32 v14, $0x3FFF  }
0x139: {  	v14 =	vnsel vm3, $0x3FFF, v14;
	vm3 =	vlt.s32 v15, $0x3FFF  }
0x13a: {  	v14 =	vadd.s32 v0, v14;
	v15 =	vnsel vm3, $0x3FFF, v15;
	vm3 =	vlt.s32 v57, $0x3FFF  }
0x13b: {  	[tilespmem:$0x580] =	vst v14;
	v14 =	vadd.s32 v0, v15;
	v15 =	vnsel vm3, $0x3FFF, v57  }
0x13c: {  	vm3 =	vlt.s32 v58, $0x3FFF;
	v59 =	vpop (erf);
	[tilespmem:$0x590] =	vst v14;
	v14 =	vadd.s32 v0, v15  }
0x13d: {  	v15 =	vnsel vm3, $0x3FFF, v58;
	v18 =	vnsel vm0, $0x0, v59;
	[tilespmem:$0x5A0] =	vst v14  }
0x13e: {  	v60 =	vpop (erf);
	v14 =	vadd.s32 v0, v15;
	[tilespmem:$0x4B0] =	vst v18  }
0x13f: {  	v61 =	vnsel vm0, $0x0, v60;
	[tilespmem:$0x5B0] =	vst v14  }
0x140: {  	[tilespmem:$0x530] =	vst v61  }
0x141: {  	[tilespmem:s18], [sflag:$0x1] =	stream.indirect.gather [hbm4b:s2+s16], $0x1, s17, s16, $0xb8;
	[tilespmem:$0x700] =	vst v63  }
0x142: {  	_ =	swait.ge [sflag:s19], $0x40  }
0x143: {  	[sflag:s19] =	ssyncset.done $0x0  }
0x144: {  	[sflag:s19] =	ssyncadd.s32 $0xFFFFFFC0  }
0x145: {  	v14 =	vld [tilespmem:$0x600]  }
0x146: {  	v62 =	vld [tilespmem:$0x380]  }
0x147: {  	v63 =	vld [tilespmem:$0x480]  }
0x148: {  	v15 =	vld [tilespmem:$0x280]  }
0x149: {  	v46 =	vld [tilespmem:$0x290]  }
0x14a: {  	v47 =	vld [tilespmem:$0x2A0]  }
0x14b: {  	v21 =	vld [tilespmem:$0x2B0]  }
0x14c: {  	v20 =	vld [tilespmem:$0x610]  }
0x14d: {  	v23 =	vld [tilespmem:$0x390];
	vm3 =	vlt.s32 v15, $0x3FFF  }
0x14e: {  	v24 =	vld [tilespmem:$0x490];
	v15 =	vnsel vm3, $0x3FFF, v15;
	vm3 =	vlt.s32 v46, $0x3FFF  }
0x14f: {  	v25 =	vld [tilespmem:$0x620];
	v15 =	vadd.s32 v1, v15;
	v16 =	vnsel vm3, $0x3FFF, v46;
	vm3 =	vlt.s32 v47, $0x3FFF  }
0x150: {  	v26 =	vld [tilespmem:$0x3A0];
	[tilespmem:$0x580] =	vst v15;
	v15 =	vadd.s32 v1, v16;
	v48 =	vnsel vm3, $0x3FFF, v47;
	vm3 =	vlt.s32 v21, $0x3FFF  }
0x151: {  	v27 =	vld [tilespmem:$0x4A0];
	[tilespmem:$0x590] =	vst v15;
	v15 =	vadd.s32 v1, v48;
	v49 =	vnsel vm3, $0x3FFF, v21  }
0x152: {  	v28 =	vld [tilespmem:$0x630];
	[tilespmem:$0x5A0] =	vst v15;
	v15 =	vadd.s32 v1, v49  }
0x153: {  	v50 =	vld [tilespmem:$0x3B0];
	[tilespmem:$0x5B0] =	vst v15  }
0x154: {  	v29 =	vld [tilespmem:$0x4B0];
	[tilespmem:s18], [sflag:$0x1] =	stream.indirect.gather [hbm4b:s2+s16], $0x1, s17, s16, $0xb8  }
0x155: {  	_ =	swait.ge [sflag:s19], $0x40  }
0x156: {  	[sflag:s19] =	ssyncset.done $0x0  }
0x157: {  	[sflag:s19] =	ssyncadd.s32 $0xFFFFFFC0  }
0x158: {  	v30 =	vld [tilespmem:$0x600]  }
0x159: {  	v31 =	vld [tilespmem:$0x400]  }
0x15a: {  	v32 =	vld [tilespmem:$0x480]  }
0x15b: {  	v15 =	vld [tilespmem:$0x280]  }
0x15c: {  	v51 =	vld [tilespmem:$0x290]  }
0x15d: {  	v52 =	vld [tilespmem:$0x2A0]  }
0x15e: {  	v22 =	vld [tilespmem:$0x2B0]  }
0x15f: {  	v33 =	vld [tilespmem:$0x610]  }
0x160: {  	v34 =	vld [tilespmem:$0x410];
	vm3 =	vlt.s32 v15, $0x3FFF  }
0x161: {  	v35 =	vld [tilespmem:$0x490];
	v15 =	vnsel vm3, $0x3FFF, v15;
	vm3 =	vlt.s32 v51, $0x3FFF  }
0x162: {  	v36 =	vld [tilespmem:$0x620];
	v38 =	vadd.s32 v2, v15;
	v16 =	vnsel vm3, $0x3FFF, v51;
	vm3 =	vlt.s32 v52, $0x3FFF  }
0x163: {  	v37 =	vld [tilespmem:$0x420];
	[tilespmem:$0x580] =	vst v38;
	v16 =	vadd.s32 v2, v16;
	v17 =	vnsel vm3, $0x3FFF, v52;
	vm3 =	vlt.s32 v22, $0x3FFF  }
0x164: {  	v39 =	vld [tilespmem:$0x430];
	[tilespmem:$0x590] =	vst v16;
	v53 =	vadd.s32 v2, v17;
	v54 =	vnsel vm3, $0x3FFF, v22  }
0x165: {  	v15 =	vld [tilespmem:$0x4A0];
	[tilespmem:$0x5A0] =	vst v53;
	v17 =	vadd.s32 v2, v54  }
0x166: {  	v38 =	vld [tilespmem:$0x630];
	[tilespmem:$0x5B0] =	vst v17  }
0x167: {  	v16 =	vld [tilespmem:$0x4B0];
	[tilespmem:s18], [sflag:$0x1] =	stream.indirect.gather [hbm4b:s2+s16], $0x1, s17, s16, $0xb8  }
0x168: {  	_ =	swait.ge [sflag:s19], $0x40  }
0x169: {  	[sflag:s19] =	ssyncset.done $0x0  }
0x16a: {  	[sflag:s19] =	ssyncadd.s32 $0xFFFFFFC0  }
0x16b: {  	v14 =	vmax.f32 v14, $-1.000000000e+01;
	v40 =	vld [tilespmem:$0x600]  }
0x16c: {  	v20 =	vmax.f32 v20, $-1.000000000e+01;
	v14 =	vmin.f32 v14, $1.000000000e+01;
	v22 =	vld [tilespmem:$0x100]  }
0x16d: {  	v55 =	vmin.f32 v20, $1.000000000e+01;
	v14 =	vadd.f32 v14, v14;
	v17 =	vld [tilespmem:$0x480]  }
0x16e: {  	v25 =	vmax.f32 v25, $-1.000000000e+01;
	v18 =	vadd.f32 v55, v55;
	v56 =	vld [tilespmem:$0x280]  }
0x16f: {  	v42 =	vmul.f32 v62, v62;
	v58 =	vmin.f32 v25, $1.000000000e+01;
	v14 =	vmul.f32 v14, v62;
	v43 =	vld [tilespmem:$0x290]  }
0x170: {  	v44 =	vmul.f32 v23, v23;
	v18 =	vmul.f32 v18, v23;
	v23 =	vadd.f32 v58, v58;
	v57 =	vld [tilespmem:$0x2A0]  }
0x171: {  	v14 =	vsub.f32 v42, v14;
	v59 =	vld [tilespmem:$0x2B0]  }
0x172: {  	v62 =	vmax.f32 v28, $-1.000000000e+01;
	v60 =	vmul.f32 v23, v26;
	v41 =	vld [tilespmem:$0x610]  }
0x173: {  	v26 =	vmul.f32 v26, v26;
	v46 =	vmul.f32 v14, v63;
	v45 =	vld [tilespmem:$0x110];
	vm3 =	vlt.s32 v56, $0x3FFF  }
0x174: {  	v14 =	vsub.f32 v44, v18;
	v19 =	vld [tilespmem:$0x490];
	v20 =	vnsel vm3, $0x3FFF, v56;
	vm3 =	vlt.s32 v43, $0x3FFF  }
0x175: {  	v44 =	vld [tilespmem:$0x620];
	v20 =	vadd.s32 v3, v20;
	v61 =	vnsel vm3, $0x3FFF, v43;
	vm3 =	vlt.s32 v57, $0x3FFF  }
0x176: {  	v47 =	vld [tilespmem:$0x120];
	[tilespmem:$0x580] =	vst v20;
	v23 =	vadd.s32 v3, v61;
	v42 =	vnsel vm3, $0x3FFF, v57;
	vm3 =	vlt.s32 v59, $0x3FFF  }
0x177: {  	v18 =	vsub.f32 v26, v60;
	v28 =	vld [tilespmem:$0x630];
	[tilespmem:$0x590] =	vst v23;
	v25 =	vnsel vm3, $0x3FFF, v59;
	v42 =	vadd.s32 v3, v42  }
0x178: {  	v24 =	vmul.f32 v14, v24;
	v63 =	vadd.f32 $0.0e+00, v46;
	v14 =	vld [tilespmem:$0x4B0];
	[tilespmem:$0x5A0] =	vst v42;
	v25 =	vadd.s32 v3, v25  }
0x179: {  	v20 =	vld [tilespmem:$0x4A0];
	v23 =	vmin.f32 v62, $1.000000000e+01;
	[tilespmem:$0x5B0] =	vst v25  }
0x17a: {  	v18 =	vmul.f32 v18, v27;
	v24 =	vadd.f32 v24, v63;
	v42 =	vld [tilespmem:$0x130];
	v23 =	vadd.f32 v23, v23;
	[tilespmem:s18], [sflag:$0x1] =	stream.indirect.gather [hbm4b:s2+s16], $0x1, s17, s16, $0xb8  }
0x17b: {  	v21 =	vmul.f32 v50, v50;
	_ =	swait.ge [sflag:s19], $0x40  }
0x17c: {  	v24 =	vadd.f32 v18, v24;
	v43 =	vmax.f32 v30, $-1.000000000e+01;
	v23 =	vmul.f32 v23, v50;
	[sflag:s19] =	ssyncset.done $0x0  }
0x17d: {  	v48 =	vmax.f32 v33, $-1.000000000e+01;
	v49 =	vmul.f32 v31, v31;
	v26 =	vmin.f32 v43, $1.000000000e+01;
	[sflag:s19] =	ssyncadd.s32 $0xFFFFFFC0  }
0x17e: {  	v46 =	vadd.f32 v26, v26;
	v21 =	vsub.f32 v21, v23;
	v23 =	vmin.f32 v48, $1.000000000e+01;
	v27 =	vld [tilespmem:$0x600]  }
0x17f: {  	v60 =	vmul.f32 v39, v39;
	v51 =	vmax.f32 v36, $-1.000000000e+01;
	v50 =	vadd.f32 v23, v23;
	v23 =	vld [tilespmem:$0x180]  }
0x180: {  	v52 =	vmul.f32 v34, v34;
	v55 =	vmax.f32 v38, $-1.000000000e+01;
	v25 =	vmul.f32 v46, v31;
	v18 =	vld [tilespmem:$0x480]  }
0x181: {  	v41 =	vmax.f32 v41, $-1.000000000e+01;
	v57 =	vmul.f32 v37, v37;
	v61 =	vmax.f32 v40, $-1.000000000e+01;
	v54 =	vld [tilespmem:$0x280]  }
0x182: {  	v26 =	vmin.f32 v51, $1.000000000e+01;
	v25 =	vsub.f32 v49, v25;
	v21 =	vmul.f32 v21, v29;
	v56 =	vld [tilespmem:$0x290]  }
0x183: {  	v43 =	vmin.f32 v41, $1.000000000e+01;
	v53 =	vadd.f32 v26, v26;
	v58 =	vld [tilespmem:$0x2A0];
	v30 =	vmul.f32 v50, v34  }
0x184: {  	v62 =	vmin.f32 v61, $1.000000000e+01;
	v25 =	vmul.f32 v25, v32;
	v59 =	vld [tilespmem:$0x2B0];
	v21 =	vadd.f32 v21, v24  }
0x185: {  	v31 =	vld [tilespmem:$0x610];
	v24 =	vmul.f32 v53, v37;
	v29 =	vsub.f32 v52, v30;
	v30 =	vmin.f32 v55, $1.000000000e+01  }
0x186: {  	v33 =	vld [tilespmem:$0x190];
	v30 =	vadd.f32 v30, v30;
	v25 =	vadd.f32 v25, v21;
	vm3 =	vlt.s32 v54, $0x3FFF  }
0x187: {  	v38 =	vld [tilespmem:$0x620];
	v24 =	vsub.f32 v57, v24;
	v26 =	vnsel vm3, $0x3FFF, v54;
	vm3 =	vlt.s32 v56, $0x3FFF  }
0x188: {  	v37 =	vld [tilespmem:$0x630];
	v26 =	vadd.s32 v4, v26;
	v32 =	vnsel vm3, $0x3FFF, v56;
	vm3 =	vlt.s32 v58, $0x3FFF  }
0x189: {  	v21 =	vld [tilespmem:$0x490];
	[tilespmem:$0x580] =	vst v26;
	v32 =	vadd.s32 v4, v32;
	v34 =	vnsel vm3, $0x3FFF, v58;
	vm3 =	vlt.s32 v59, $0x3FFF  }
0x18a: {  	v30 =	vmul.f32 v30, v39;
	v39 =	vld [tilespmem:$0x1A0];
	[tilespmem:$0x590] =	vst v32;
	v36 =	vnsel vm3, $0x3FFF, v59;
	v34 =	vadd.s32 v4, v34  }
0x18b: {  	v29 =	vmul.f32 v29, v35;
	v24 =	vmul.f32 v24, v15;
	v15 =	vld [tilespmem:$0x4B0];
	[tilespmem:$0x5A0] =	vst v34;
	v40 =	vadd.s32 v4, v36  }
0x18c: {  	v63 =	vadd.f32 v62, v62;
	v46 =	vadd.f32 v43, v43;
	v26 =	vld [tilespmem:$0x4A0];
	[tilespmem:$0x5B0] =	vst v40  }
0x18d: {  	v49 =	vmul.f32 v45, v45;
	v48 =	vmax.f32 v44, $-1.000000000e+01;
	v25 =	vadd.f32 v29, v25;
	v32 =	vld [tilespmem:$0x1B0];
	[tilespmem:s18], [sflag:$0x1] =	stream.indirect.gather [hbm4b:s2+s16], $0x1, s17, s16, $0xb8  }
0x18e: {  	v52 =	vmax.f32 v28, $-1.000000000e+01;
	v29 =	vmul.f32 v63, v22;
	v22 =	vmul.f32 v22, v22;
	_ =	swait.ge [sflag:s19], $0x40  }
0x18f: {  	v57 =	vmax.f32 v27, $-1.000000000e+01;
	v30 =	vsub.f32 v60, v30;
	v24 =	vadd.f32 v24, v25;
	[sflag:s19] =	ssyncset.done $0x0  }
0x190: {  	v22 =	vsub.f32 v22, v29;
	v25 =	vmul.f32 v46, v45;
	v29 =	vmin.f32 v48, $1.000000000e+01;
	[sflag:s19] =	ssyncadd.s32 $0xFFFFFFC0  }
0x191: {  	v54 =	vmul.f32 v47, v47;
	v16 =	vmul.f32 v30, v16;
	v50 =	vadd.f32 v29, v29;
	v53 =	vld [tilespmem:$0x280]  }
0x192: {  	v17 =	vmul.f32 v22, v17;
	v51 =	vsub.f32 v49, v25;
	v25 =	vmin.f32 v52, $1.000000000e+01;
	v55 =	vld [tilespmem:$0x200]  }
0x193: {  	v16 =	vadd.f32 v16, v24;
	v24 =	vmul.f32 v50, v47;
	v56 =	vadd.f32 v25, v25;
	v58 =	vld [tilespmem:$0x290]  }
0x194: {  	v62 =	vmul.f32 v42, v42;
	v60 =	vmin.f32 v57, $1.000000000e+01;
	v19 =	vmul.f32 v51, v19;
	v61 =	vld [tilespmem:$0x210]  }
0x195: {  	v16 =	vadd.f32 v17, v16;
	v59 =	vsub.f32 v54, v24;
	v17 =	vmul.f32 v56, v42;
	v44 =	vld [tilespmem:$0x220]  }
0x196: {  	v24 =	vadd.f32 v60, v60;
	v63 =	vld [tilespmem:$0x2A0]  }
0x197: {  	v16 =	vadd.f32 v19, v16;
	v40 =	vmul.f32 v59, v20;
	v41 =	vld [tilespmem:$0x2B0];
	v17 =	vsub.f32 v62, v17  }
0x198: {  	v42 =	vmul.f32 v24, v23;
	v23 =	vmul.f32 v23, v23;
	vm3 =	vlt.s32 v53, $0x3FFF  }
0x199: {  	v46 =	vld [tilespmem:$0x230];
	v45 =	vshll.u32 v55, $0xE;
	v25 =	vshll.u32 v61, $0xE;
	v43 =	vnsel vm3, $0x3FFF, v53  }
0x19a: {  	v29 =	vld [tilespmem:$0x600];
	v28 =	vshll.u32 v44, $0xE;
	vm3 =	vlt.s32 v58, $0x3FFF;
	v24 =	vadd.s32 v43, v5  }
0x19b: {  	v47 =	vld [tilespmem:$0x480];
	v27 =	vnsel vm3, $0x3FFF, v58;
	vm3 =	vlt.s32 v63, $0x3FFF;
	v24 =	vadd.s32 v45, v24  }
0x19c: {  	v48 =	vld [tilespmem:$0x610];
	v27 =	vadd.s32 v27, v5;
	v35 =	vnsel vm3, $0x3FFF, v63;
	vm3 =	vlt.s32 v41, $0x3FFF  }
0x19d: {  	v49 =	vld [tilespmem:$0x490];
	v25 =	vadd.s32 v25, v27;
	[tilespmem:$0x580] =	vst v24;
	v20 =	vnsel vm3, $0x3FFF, v41;
	v35 =	vadd.s32 v35, v5  }
0x19e: {  	v50 =	vld [tilespmem:$0x620];
	v34 =	vshll.u32 v46, $0xE;
	[tilespmem:$0x590] =	vst v25;
	v51 =	vadd.s32 v28, v35;
	v20 =	vadd.s32 v20, v5  }
0x19f: {  	v31 =	vmax.f32 v31, $-1.000000000e+01;
	v52 =	vld [tilespmem:$0x4A0];
	v16 =	vadd.f32 v40, v16;
	[tilespmem:$0x5A0] =	vst v51;
	v20 =	vadd.s32 v34, v20  }
0x1a0: {  	v54 =	vld [tilespmem:$0x630];
	v14 =	vmul.f32 v17, v14;
	v57 =	vsub.f32 v23, v42;
	v53 =	vmin.f32 v31, $1.000000000e+01;
	[tilespmem:$0x5B0] =	vst v20  }
0x1a1: {  	v56 =	vld [tilespmem:$0x4B0];
	v55 =	vadd.f32 v53, v53;
	[tilespmem:s18], [sflag:$0x1] =	stream.indirect.gather [hbm4b:s2+s16], $0x1, s17, s16, $0xb8  }
0x1a2: {  	v14 =	vadd.f32 v14, v16;
	v17 =	vmul.f32 v57, v18;
	v58 =	vmax.f32 v38, $-1.000000000e+01;
	_ =	swait.ge [sflag:s19], $0x40  }
0x1a3: {  	v59 =	vmul.f32 v33, v33;
	v22 =	vmin.f32 v58, $1.000000000e+01;
	v19 =	vmul.f32 v55, v33;
	[sflag:s19] =	ssyncset.done $0x0  }
0x1a4: {  	v62 =	vmax.f32 v37, $-1.000000000e+01;
	v14 =	vadd.f32 v17, v14;
	v60 =	vadd.f32 v22, v22;
	[sflag:s19] =	ssyncadd.s32 $0xFFFFFFC0  }
0x1a5: {  	v38 =	vmul.f32 v32, v32;
	v43 =	vmax.f32 v48, $-1.000000000e+01;
	v61 =	vsub.f32 v59, v19;
	v33 =	vld [tilespmem:$0x600]  }
0x1a6: {  	v63 =	vmul.f32 v39, v39;
	v16 =	vmul.f32 v60, v39;
	v19 =	vmin.f32 v62, $1.000000000e+01;
	v34 =	vld [tilespmem:$0x500]  }
0x1a7: {  	v39 =	vmax.f32 v29, $-1.000000000e+01;
	v19 =	vadd.f32 v19, v19;
	v35 =	vmul.f32 v61, v21;
	v37 =	vld [tilespmem:$0x610]  }
0x1a8: {  	v51 =	vmax.f32 v54, $-1.000000000e+01;
	v17 =	vmin.f32 v39, $1.000000000e+01;
	v16 =	vsub.f32 v63, v16;
	v40 =	vld [tilespmem:$0x510]  }
0x1a9: {  	v17 =	vmul.f32 v17, v47;
	v19 =	vmul.f32 v19, v32;
	v14 =	vadd.f32 v35, v14;
	v42 =	vld [tilespmem:$0x620]  }
0x1aa: {  	v16 =	vmul.f32 v16, v26;
	v26 =	vmin.f32 v43, $1.000000000e+01;
	v45 =	vld [tilespmem:$0x630];
	v41 =	vmax.f32 v33, $-1.000000000e+01  }
0x1ab: {  	v17 =	vsub.f32 $0.0e+00, v17;
	v19 =	vsub.f32 v38, v19;
	v44 =	vld [tilespmem:$0x520];
	v21 =	vmin.f32 v41, $1.000000000e+01  }
0x1ac: {  	v26 =	vmul.f32 v26, v49;
	v18 =	vmax.f32 v37, $-1.000000000e+01;
	v21 =	vmul.f32 v21, v34  }
0x1ad: {  	v49 =	vmax.f32 v50, $-1.000000000e+01;
	v14 =	vadd.f32 v16, v14;
	v47 =	vld [tilespmem:$0x530];
	v18 =	vmin.f32 v18, $1.000000000e+01  }
0x1ae: {  	v48 =	vmax.f32 v42, $-1.000000000e+01;
	v18 =	vmul.f32 v18, v40;
	v46 =	vsub.f32 $0.0e+00, v21  }
0x1af: {  	v15 =	vmul.f32 v19, v15;
	v50 =	vmax.f32 v45, $-1.000000000e+01;
	v19 =	vmin.f32 v48, $1.000000000e+01  }
0x1b0: {  	v19 =	vmul.f32 v19, v44;
	v16 =	vsub.f32 v46, v18;
	v18 =	vmin.f32 v49, $1.000000000e+01  }
0x1b1: {  	v17 =	vsub.f32 v17, v26;
	v22 =	vmin.f32 v50, $1.000000000e+01;
	v18 =	vmul.f32 v18, v52  }
0x1b2: {  	v53 =	vmin.f32 v51, $1.000000000e+01;
	v52 =	vmul.f32 v22, v47;
	v16 =	vsub.f32 v16, v19  }
0x1b3: {  	v54 =	vmul.f32 v53, v56;
	v14 =	vadd.f32 v15, v14;
	v15 =	vsub.f32 v17, v18  }
0x1b4: {  	v16 =	vsub.f32 v16, v52  }
0x1b5: {  	v55 =	vperm.xlane v14, v10;
	v15 =	vsub.f32 v15, v54  }
0x1b6: {  	v56 =	vperm.xlane v16, v10  }
0x1b7: {  	v14 =	vadd.f32 v55, v14;
	v57 =	vperm.xlane v15, v10  }
0x1b8: {  	v16 =	vadd.f32 v16, v56  }
0x1b9: {  	v58 =	vperm.xlane v14, v11;
	v15 =	vadd.f32 v57, v15  }
0x1ba: {  	v18 =	vperm.xlane v16, v11  }
0x1bb: {  	v14 =	vadd.f32 v58, v14;
	v59 =	vperm.xlane v15, v11  }
0x1bc: {  	v16 =	vadd.f32 v18, v16  }
0x1bd: {  	v60 =	vperm.xlane v14, v12;
	v15 =	vadd.f32 v59, v15  }
0x1be: {  	v18 =	vperm.xlane v16, v12  }
0x1bf: {  	v14 =	vadd.f32 v60, v14;
	v61 =	vperm.xlane v15, v12  }
0x1c0: {  	v16 =	vadd.f32 v18, v16  }
0x1c1: {  	v62 =	vperm.xlane v14, v13;
	v15 =	vadd.f32 v61, v15  }
0x1c2: {  	v18 =	vperm.xlane v16, v13  }
0x1c3: {  	v14 =	vadd.f32 v62, v14;
	v63 =	vperm.xlane v15, v13  }
0x1c4: {  	v16 =	vadd.f32 v18, v16  }
0x1c5: {  	v14 =	vsel vm1, $0x0, v14;
	v15 =	vadd.f32 v63, v15  }
0x1c6: {  	s21 =	sadd.s32 $0x1, s21;
	vm3 =	vmmov $0x1;
	v14 =	vsel vm2, v14, v16  }
0x1c7: {  	p0 =	sne.s32 s21, s10;
	v14 =	vsel vm3, v15, v14  }
.Ltmp17:
0x1c8: {  	[tilespmem:$0x680] =	vst v14;
	(pc) =	sbr.rel @p0 .LBB2_2-.Ltmp17, $4  }
0x1c9: {  	[hbm4b:s8+s3] =	stream.linear.scatter [tilespmem:s20], [sflag:$0x2], $0x80, $0x38;
	[tilespmem:$0x700] =	vst v63  }
0x1ca: {  	_ =	swait.ge [sflag:s11], $0x80  }
0x1cb: {  	[sflag:s11] =	ssyncset.done $0x0  }
0x1cc: {  	[sflag:s11] =	ssyncadd.s32 $0xFFFFFF80  }
.LBB2_35:
0x1cd: {  	_ =	sfence.sel $0x180000  }
0x1ce: {  	[bflag:$0x0] =	sbarrier.arrive $0xFFFF  }
0x1cf: {  	p0 =	sne.s32 s1, $0x0;
	_ =	strace $0x90000047  }
0x1d0: {  	s0 =	sadd.s32 @!p0 $0x100000, s0;
	[bflag:$0x2] =	sbarrier.arrive $0xFFFF  }
0x1d1: {  	[sflag:s0] =	ssyncadd.tile.s32 @!p0 $0x1;
	_ =	shalt  }
.Lfunc_end2:
_tile_overlayer_lowered:
.L_overlay_start_2:
0x1d2: {  	(tag) =	ssettag $0x2  }
0x1d3: {  	s0 =	rddreg [dreg:$0x0];
	s2 =	stileid.u32  }
0x1d4: {  	s1 =	rddreg [dreg:$0x1];
	p0 =	sne.s32 s2, $0x0  }
0x1d5: {  	s3 =	rddreg [dreg:$0x2];
	[bflag:$0x3] =	sbarrier.arrive $0xFFFF;
	s2 =	simm.s32 @!p0 $0x1C02  }
0x1d6: {  	[timem:s3], [sflag:s2] =	dma.local @!p0 [hbm:s0], s1  }
0x1d7: {  	s0 =	simm.s32 @!p0 $0x2  }
0x1d8: {  	_ =	swait.ge @!p0 [sflag:s0], s1  }
0x1d9: {  	s1 =	ssub.s32 @!p0 $0x0, s1;
	[sflag:s0] =	ssyncset.done @!p0 $0x0  }
0x1da: {  	[sflag:s0] =	ssyncadd.s32 @!p0 s1  }
0x1db: {  	[bflag:$0x3] =	sbarrier.arrive $0xFFFF  }
0x1dc: {  	_ =	shalt  }

</sc_bundles>
